<compile_context>
chip_gen: v7x
topology: tpu7x:2x2x1
jax: 0.10.2.dev20260603
libtpu: 0.0.44.dev20260713+nightly
codegen_flags: <defaults>
</compile_context>

<pallas_src>
import functools
import math

import jax
import jax.numpy as jnp
from jax import lax
from jax.experimental import pallas as pl
from jax.experimental.pallas import tpu as pltpu
from jax.experimental.pallas import tpu_sc as plsc

N_NODES = 10000
N_EDGES = 160000
D_IN = 16
DIM = 3
OMEGA = 100.0
BETA = 0.2
NCH = 16
NT = N_NODES + 16

EB = 2000
NB = 2000

_SELU_L = 1.0507009873554805
_SELU_A = 1.6732632423543772


def _big_weights(p):
    c = jnp.arange(NCH, dtype=jnp.float32)
    s0W, s0b = p["s0W"], p["s0b"]
    bf = lambda v: v.astype(jnp.bfloat16)
    w0_feats = jnp.tile(s0W[:, :DIM].T, (1, NCH))
    W0 = bf(jnp.concatenate([w0_feats, jnp.zeros((1, NCH * NCH))], axis=0))
    cterm = (c[:, None] * bf(s0W[None, :, 3]).astype(jnp.float32)).reshape(1, -1)
    b0 = jnp.tile(s0b, NCH).reshape(1, -1)
    eye = jnp.eye(NCH, dtype=jnp.float32)
    W1 = bf(jnp.kron(eye, p["s1W"].T))
    b1 = jnp.tile(p["s1b"], NCH).reshape(1, -1)
    W2 = bf(jnp.kron(eye, p["s2W"].T))
    b2 = jnp.tile(p["s2b"], NCH).reshape(1, -1)
    G = jnp.kron(eye, jnp.ones((NCH, 1), jnp.float32))
    return {
        "W0": W0, "ct": cterm, "b0": b0, "W1": W1, "b1": b1, "W2": W2,
        "b2": b2, "G": G,
        "linW": bf(p["linW"]).astype(jnp.float32),
        "linb": p["linb"][:, None], "bias": p["bias"],
    }


def _bf16(x):
    return x.astype(jnp.bfloat16).astype(jnp.float32)


def _dot_hi(a, b):
    return jnp.dot(a, b, preferred_element_type=jnp.float32,
                   precision=jax.lax.Precision.HIGHEST)


def _dot_bf(a, b):
    return jnp.dot(a.astype(jnp.bfloat16), b,
                   preferred_element_type=jnp.float32)


def _mlp_all_channels(feats4, w):
    h = jnp.sin(((_dot_bf(feats4, w["W0"]) + w["ct"]) + w["b0"]) * OMEGA)
    h = jnp.sin((_dot_bf(h, w["W1"]) + w["b1"]) * OMEGA)
    h = jnp.sin((_dot_bf(h, w["W2"]) + w["b2"]) * OMEGA)
    return _bf16(h)


def _edge_body(n_xj, first, *refs):
    xj_refs = refs[2:2 + n_xj]
    W0, ct, b0, W1, b1, W2, b2, G, linW, linb = refs[2 + n_xj:12 + n_xj]
    w = {"W0": W0[...], "ct": ct[...], "b0": b0[...], "W1": W1[...],
         "b1": b1[...], "W2": W2[...], "b2": b2[...], "G": G[...]}

    if first:
        pos_s, pos_d = refs[0], refs[1]
        out, feats_out = refs[12 + n_xj], refs[13 + n_xj]
        rel = pos_d[...] - pos_s[...]
        x0, y0, z0 = rel[:, 0:1], rel[:, 1:2], rel[:, 2:3]
        sq = (x0 * x0 + y0 * y0) + z0 * z0
        gt = sq > 0.0
        rho = jnp.where(gt, jnp.sqrt(jnp.where(gt, sq, 1.0)), 0.0)
        xy_zero = (x0 == 0.0) & (y0 == 0.0)
        theta = jnp.arctan2(y0, jnp.where(xy_zero, 1.0, x0))
        u = z0 / jnp.where(rho == 0.0, 1.0, rho)
        phi = jnp.arctan2(u, jnp.sqrt((1.0 - u) * (u + 1.0)) + 1.0)
        phi = phi + phi
        inv_pi = jnp.float32(1.0 / math.pi)
        feats4 = jnp.concatenate(
            [rho, theta * inv_pi, phi * inv_pi, jnp.zeros_like(rho)], axis=1)
        feats_out[...] = feats4
    else:
        out = refs[12 + n_xj]
        feats4 = refs[0][...]

    h = _mlp_all_channels(feats4, w)
    xj = jnp.concatenate([r[...] for r in xj_refs], axis=1)
    y = _dot_hi(xj, linW[...])
    s = _dot_hi(xj, linb[...])
    prod = h * jnp.tile(y, (1, NCH))
    out[...] = _dot_hi(prod, w["G"]) + s


def _edge_messages(pos_s, pos_d, xjs, w):
    n_xj = len(xjs)
    grid = N_EDGES // EB
    row_spec = pl.BlockSpec((EB, 16), lambda i: (i, 0))
    full = lambda a: pl.BlockSpec(a.shape, lambda i: tuple(0 for _ in a.shape))
    in_specs = [row_spec, row_spec] + [row_spec] * n_xj + [
        full(w["W0"]), full(w["ct"]), full(w["b0"]), full(w["W1"]),
        full(w["b1"]), full(w["W2"]), full(w["b2"]), full(w["G"]),
        full(w["linW"]), full(w["linb"]),
    ]
    return pl.pallas_call(
        functools.partial(_edge_body, n_xj, True),
        grid=(grid,),
        in_specs=in_specs,
        out_specs=[pl.BlockSpec((EB, NCH), lambda i: (i, 0)),
                   pl.BlockSpec((EB, 4), lambda i: (i, 0))],
        out_shape=[jax.ShapeDtypeStruct((N_EDGES, NCH), jnp.float32),
                   jax.ShapeDtypeStruct((N_EDGES, 4), jnp.float32)],
    )(pos_s, pos_d, *xjs, w["W0"], w["ct"], w["b0"], w["W1"], w["b1"],
      w["W2"], w["b2"], w["G"], w["linW"], w["linb"])


def _edge_messages_cached(feats, xjs, w):
    n_xj = len(xjs)
    grid = N_EDGES // EB
    row_spec = pl.BlockSpec((EB, 16), lambda i: (i, 0))
    full = lambda a: pl.BlockSpec(a.shape, lambda i: tuple(0 for _ in a.shape))
    in_specs = [pl.BlockSpec((EB, 4), lambda i: (i, 0)), None] +         [row_spec] * n_xj + [
        full(w["W0"]), full(w["ct"]), full(w["b0"]), full(w["W1"]),
        full(w["b1"]), full(w["W2"]), full(w["b2"]), full(w["G"]),
        full(w["linW"]), full(w["linb"]),
    ]
    in_specs = [s for s in in_specs if s is not None]

    def body(feats_ref, *rest):
        _edge_body(n_xj, False, feats_ref, None, *rest)

    return pl.pallas_call(
        body,
        grid=(grid,),
        in_specs=in_specs,
        out_specs=pl.BlockSpec((EB, NCH), lambda i: (i, 0)),
        out_shape=jax.ShapeDtypeStruct((N_EDGES, NCH), jnp.float32),
    )(feats, *xjs, w["W0"], w["ct"], w["b0"], w["W1"], w["b1"],
      w["W2"], w["b2"], w["G"], w["linW"], w["linb"])


def _node_body(n_x, residual, *refs):
    agg2 = refs[0]
    x_refs = refs[1:1 + n_x]
    W0, ct, b0, W1, b1, W2, b2, G, linW, linb, bias = refs[1 + n_x:12 + n_x]
    xres = refs[12 + n_x] if residual else None
    out = refs[-1]
    w = {"W0": W0[...], "ct": ct[...], "b0": b0[...], "W1": W1[...],
         "b1": b1[...], "W2": W2[...], "b2": b2[...], "G": G[...]}

    f0 = jnp.zeros((1, DIM + 1), jnp.float32)
    hself = _mlp_all_channels(f0, w)

    xin = jnp.concatenate([r[...] for r in x_refs], axis=1)
    Y = _dot_hi(xin, linW[...])
    S = _dot_hi(xin, linb[...])
    selfmsg = _dot_hi(jnp.tile(Y, (1, NCH)) * hself, w["G"]) + S
    agg = agg2[0] + agg2[1] + selfmsg + bias[...]
    act = _SELU_L * jnp.where(agg > 0, agg, _SELU_A * (jnp.exp(agg) - 1.0))
    out[...] = xres[...] + BETA * act if residual else act


def _node_update(agg, xs, w, xres=None):
    n_x = len(xs)
    residual = xres is not None
    grid = N_NODES // NB
    row_spec = pl.BlockSpec((NB, 16), lambda i: (i, 0))
    full = lambda a: pl.BlockSpec(a.shape, lambda i: tuple(0 for _ in a.shape))
    in_specs = [pl.BlockSpec((2, NB, 16), lambda i: (0, i, 0))] + \
        [row_spec] * n_x + [
        full(w["W0"]), full(w["ct"]), full(w["b0"]), full(w["W1"]),
        full(w["b1"]), full(w["W2"]), full(w["b2"]), full(w["G"]),
        full(w["linW"]), full(w["linb"]), full(w["bias"]),
    ]
    args = [agg] + xs + [w["W0"], w["ct"], w["b0"], w["W1"], w["b1"],
                         w["W2"], w["b2"], w["G"], w["linW"], w["linb"],
                         w["bias"]]
    if residual:
        in_specs.append(row_spec)
        args.append(xres)
    return pl.pallas_call(
        functools.partial(_node_body, n_x, residual),
        grid=(grid,),
        in_specs=in_specs,
        out_specs=pl.BlockSpec((NB, 16), lambda i: (i, 0)),
        out_shape=jax.ShapeDtypeStruct((N_NODES, 16), jnp.float32),
    )(*args)


def _sc_gather3(pos_pad, x, src, dst):
    mesh = plsc.VectorSubcoreMesh(core_axis_name="c", subcore_axis_name="s")
    nc, ns = mesh.num_cores, mesh.num_subcores
    ew = N_EDGES // (nc * ns)
    sds = jax.ShapeDtypeStruct((N_EDGES, 16), jnp.float32)

    @functools.partial(
        pl.kernel, mesh=mesh,
        out_type=(sds, sds, sds),
        compiler_params=pltpu.CompilerParams(use_tc_tiling_on_sc=False),
        scratch_types=[
            pltpu.VMEM((ew,), jnp.int32),
            pltpu.VMEM((ew,), jnp.int32),
            pltpu.VMEM((ew, 16), jnp.float32),
            pltpu.SemaphoreType.DMA,
        ],
    )
    def k(pos_hbm, x_hbm, src_hbm, dst_hbm, pos_s_o, pos_d_o, xj_o,
          idx_s, idx_d, rows, sem):
        wid = lax.axis_index("s") * nc + lax.axis_index("c")
        base = wid * ew
        pltpu.sync_copy(src_hbm.at[pl.ds(base, ew)], idx_s)
        pltpu.sync_copy(dst_hbm.at[pl.ds(base, ew)], idx_d)
        pltpu.async_copy(pos_hbm.at[idx_s], rows, sem).wait()
        pltpu.sync_copy(rows, pos_s_o.at[pl.ds(base, ew)])
        pltpu.async_copy(pos_hbm.at[idx_d], rows, sem).wait()
        pltpu.sync_copy(rows, pos_d_o.at[pl.ds(base, ew)])
        pltpu.async_copy(x_hbm.at[idx_s], rows, sem).wait()
        pltpu.sync_copy(rows, xj_o.at[pl.ds(base, ew)])

    return k(pos_pad, x, src, dst)


def _sc_gather1(table, src):
    mesh = plsc.VectorSubcoreMesh(core_axis_name="c", subcore_axis_name="s")
    nc, ns = mesh.num_cores, mesh.num_subcores
    ew = N_EDGES // (nc * ns)

    @functools.partial(
        pl.kernel, mesh=mesh,
        out_type=jax.ShapeDtypeStruct((N_EDGES, 16), jnp.float32),
        compiler_params=pltpu.CompilerParams(use_tc_tiling_on_sc=False),
        scratch_types=[
            pltpu.VMEM((ew,), jnp.int32),
            pltpu.VMEM((ew, 16), jnp.float32),
            pltpu.SemaphoreType.DMA,
        ],
    )
    def k(tab_hbm, src_hbm, out_o, idx_s, rows, sem):
        wid = lax.axis_index("s") * nc + lax.axis_index("c")
        base = wid * ew
        pltpu.sync_copy(src_hbm.at[pl.ds(base, ew)], idx_s)
        pltpu.async_copy(tab_hbm.at[idx_s], rows, sem).wait()
        pltpu.sync_copy(rows, out_o.at[pl.ds(base, ew)])

    return k(table, src)


def _sc_scatter(msg, dst_eff, zeros_nt):
    mesh = plsc.VectorSubcoreMesh(core_axis_name="c", subcore_axis_name="s")
    nc, ns = mesh.num_cores, mesh.num_subcores
    ew = N_EDGES // (nc * ns)
    rpt = N_NODES // ns

    @functools.partial(
        pl.kernel, mesh=mesh,
        out_type=jax.ShapeDtypeStruct((nc, N_NODES, 16), jnp.float32),
        compiler_params=pltpu.CompilerParams(use_tc_tiling_on_sc=False),
        scratch_types=[
            pltpu.VMEM((ew, 16), jnp.float32),
            pltpu.VMEM((ew,), jnp.int32),
            pltpu.VMEM_SHARED((NT, 16), jnp.float32),
        ],
    )
    def k(msg_hbm, idx_hbm, zeros_hbm, out_o, msg_v, idx_v, shared):
        cid = lax.axis_index("c")
        sid = lax.axis_index("s")

        @pl.when(sid == 0)
        def _zero():
            pltpu.sync_copy(zeros_hbm, shared)

        plsc.subcore_barrier()
        base = (sid * nc + cid) * ew
        pltpu.sync_copy(msg_hbm.at[pl.ds(base, ew)], msg_v)
        pltpu.sync_copy(idx_hbm.at[pl.ds(base, ew)], idx_v)
        pltpu.sync_copy(msg_v, shared.at[idx_v], add=True)
        plsc.subcore_barrier()
        rb = sid * rpt
        pltpu.sync_copy(shared.at[pl.ds(rb, rpt)],
                        out_o.at[cid, pl.ds(rb, rpt)])

    return k(msg, dst_eff, zeros_nt)


def kernel(x, pos, params, edge_index):
    src = edge_index[0]
    dst = edge_index[1]
    dst_eff = jnp.where(src == dst, N_NODES, dst).astype(jnp.int32)
    pos_pad = jnp.pad(pos, ((0, 0), (0, 16 - DIM)))
    zeros_nt = jnp.zeros((NT, 16), jnp.float32)

    w1 = _big_weights(params["conv1"])
    w2 = _big_weights(params["conv2"])
    w3 = _big_weights(params["conv3"])

    pos_s, pos_d, xj0 = _sc_gather3(pos_pad, x, src, dst)

    msg1, feats = _edge_messages(pos_s, pos_d, [xj0], w1)
    agg1 = _sc_scatter(msg1, dst_eff, zeros_nt)
    x1 = _node_update(agg1, [x], w1)

    xj1 = _sc_gather1(x1, src)
    msg2 = _edge_messages_cached(feats, [xj0, xj1], w2)
    agg2 = _sc_scatter(msg2, dst_eff, zeros_nt)
    x2 = _node_update(agg2, [x, x1], w2)

    xj2 = _sc_gather1(x2, src)
    msg3 = _edge_messages_cached(feats, [xj0, xj1, xj2], w3)
    agg3 = _sc_scatter(msg3, dst_eff, zeros_nt)
    return _node_update(agg3, [x, x1, x2], w3, xres=x)

# --- scband reference (transcript-rebuilt; emitter-appended) ---
"""Pipeline reference for scband-rdb-10926396801884 (READ-ONLY COPY).

The authoritative reference and input builder live on the scoring server;
editing this copy changes nothing except your own understanding.
"""

import jax, jax.numpy as jnp
import numpy as np

N_NODES = 10000
N_EDGES = 160000
D_IN = 16
D_GROWTH = 16
DIM = 3
OMEGA = 100.0
BETA = 0.2


def _uniform(key, shape, bound):
    return jax.random.uniform(key, shape, minval=-bound, maxval=bound, dtype=jnp.float32)


def _make_conv_params(key, in_size, hidden, out_ch):
    ks = jax.random.split(key, 8)
    return {
        's0W': _uniform(ks[0], (hidden, DIM + 1), 1.0 / (DIM + 1)),
        's0b': _uniform(ks[1], (hidden,), 1.0 / np.sqrt(DIM + 1)),
        's1W': _uniform(ks[2], (hidden, hidden), 1.0 / hidden),
        's1b': _uniform(ks[3], (hidden,), 1.0 / np.sqrt(hidden)),
        's2W': _uniform(ks[4], (hidden, hidden), 1.0 / hidden),
        's2b': _uniform(ks[5], (hidden,), 1.0 / np.sqrt(hidden)),
        'linW': _uniform(ks[6], (in_size, hidden), 1.0 / np.sqrt(hidden)),
        'linb': _uniform(ks[7], (in_size,), 1.0 / np.sqrt(hidden)),
        'bias': jnp.zeros((1, out_ch), jnp.float32),
    }


def setup_inputs(seed: int = 0):
    key = jax.random.key(seed)
    kx, kp, ke, k1, k2, k3 = jax.random.split(key, 6)
    x = jax.random.normal(kx, (N_NODES, D_IN), dtype=jnp.float32)
    pos = jax.random.normal(kp, (N_NODES, DIM), dtype=jnp.float32)
    edge_index = jax.random.randint(ke, (2, N_EDGES), 0, N_NODES, dtype=jnp.int32)
    params = {
        'conv1': _make_conv_params(k1, D_IN, D_IN, D_GROWTH),
        'conv2': _make_conv_params(k2, D_IN + D_GROWTH, D_IN, D_GROWTH),
        'conv3': _make_conv_params(k3, D_IN + 2 * D_GROWTH, D_IN, D_IN),
    }
    return {'x': x, 'pos': pos, 'params': params, 'edge_index': edge_index}


def _kernel_mlp(rel_pos, channel, p):
    # spherical coords, with grad-safe guards for zero-length self-loop edges
    sq = jnp.sum(rel_pos * rel_pos, axis=1)
    rho = jnp.where(sq > 0, jnp.sqrt(jnp.where(sq > 0, sq, 1.0)), 0.0)
    x0, y0, z0 = rel_pos[:, 0], rel_pos[:, 1], rel_pos[:, 2]
    xy_zero = (x0 == 0) & (y0 == 0)
    theta = jnp.arctan2(y0, jnp.where(xy_zero, 1.0, x0))
    phi = jnp.arcsin(z0 / jnp.where(rho == 0, 1.0, rho))
    feats = jnp.stack((rho, theta / jnp.pi, phi / jnp.pi), axis=1)
    ch = jnp.full((feats.shape[0], 1), channel, dtype=feats.dtype)
    h = jnp.concatenate((feats, ch), axis=1)
    h = jnp.sin(OMEGA * (h @ p['s0W'].T + p['s0b']))
    h = jnp.sin(OMEGA * (h @ p['s1W'].T + p['s1b']))
    h = jnp.sin(OMEGA * (h @ p['s2W'].T + p['s2b']))
    return h @ p['linW'].T + p['linb']


def _conv(x_in, src, dst, rel_pos, mask, p, out_ch):
    x_j = x_in[src]
    msgs = [jnp.sum(_kernel_mlp(rel_pos, float(c), p) * x_j, axis=1) for c in range(out_ch)]
    msg = jnp.stack(msgs, axis=1)
    msg = jnp.where(mask[:, None], msg, jnp.zeros((), x_in.dtype))
    agg = jnp.zeros((x_in.shape[0], out_ch), x_in.dtype).at[dst].add(msg)
    return agg + p['bias']


def _add_remaining_self_loops(edge_index, num_nodes):
    # PyG semantics: drop existing self loops, then add one per node
    src, dst = edge_index[0], edge_index[1]
    keep = src != dst
    loops = jnp.arange(num_nodes, dtype=edge_index.dtype)
    src = jnp.concatenate((src, loops))
    dst = jnp.concatenate((dst, loops))
    mask = jnp.concatenate((keep, jnp.ones((num_nodes,), dtype=jnp.bool_)))
    return src, dst, mask


def _rdb_forward(x, pos, params, src, dst, mask):
    rel_pos = pos[dst] - pos[src]
    x1 = jax.nn.selu(_conv(x, src, dst, rel_pos, mask, params['conv1'], D_GROWTH))
    x2 = jax.nn.selu(_conv(jnp.concatenate((x, x1), 1), src, dst, rel_pos, mask, params['conv2'], D_GROWTH))
    x3 = jax.nn.selu(_conv(jnp.concatenate((x, x1, x2), 1), src, dst, rel_pos, mask, params['conv3'], D_IN))
    return x + BETA * x3


def reference(x, pos, params, edge_index):
    src, dst, mask = _add_remaining_self_loops(edge_index, x.shape[0])
    return _rdb_forward(x, pos, params, src, dst, mask)

if __name__ == "__main__":
    import jax
    _d = setup_inputs()
    print(jax.jit(kernel)(*tuple(_d.values())))

</pallas_src>

<mosaic_0001>
#map = affine_map<(d0, d1) -> (0, 0)>
#map1 = affine_map<(d0, d1) -> (0)>
#map2 = affine_map<(d0, d1) -> (0, 0, 0)>
module attributes {stable_mosaic.version = 14 : i64} {
  func.func @k(%arg0: i32, %arg1: i32, %arg2: memref<160000x16xf32, #tpu.memory_space<hbm>>, %arg3: memref<160000xi32, #tpu.memory_space<hbm>>, %arg4: memref<10016x16xf32, #tpu.memory_space<hbm>>, %arg5: memref<2x10000x16xf32, #tpu.memory_space<hbm>>, %arg6: memref<5000x16xf32, #tpu.memory_space<vmem>>, %arg7: memref<5000xi32, #tpu.memory_space<vmem>>, %arg8: memref<10016x16xf32, #tpu.memory_space<vmem_shared>>) attributes {dimension_semantics = [#tpu.dimension_semantics<core_parallel>, #tpu.dimension_semantics<subcore_parallel>], iteration_bounds = array<i64: 2, 16>, scalar_prefetch = 0 : i64, scratch_operands = 3 : i64, tpu.core_type = #tpu.core_type<sc_vector_subcore>, window_params = [{transform_indices = #map}, {transform_indices = #map1}, {transform_indices = #map}, {transform_indices = #map2}]} {
    %eq3A = arith.constant 0 : i32
    %eq3A_0 = arith.cmpi eq, %arg1, %eq3A : i32
    %convert_element_type3A = arith.extui %eq3A_0 : i1 to i32
    %cond3A = arith.constant 0 : i32
    %cond3A_1 = arith.cmpi ne, %convert_element_type3A, %cond3A : i32
    scf.if %cond3A_1 {
      "tpu.region"() ({
        %run_scoped3A = tpu.sem_alloc : memref<!tpu.dma_semaphore, #tpu.memory_space<semaphore_mem>>
        tpu.enqueue_dma source(%arg4 : memref<10016x16xf32, #tpu.memory_space<hbm>>) target(%arg8 : memref<10016x16xf32, #tpu.memory_space<vmem_shared>>) target_semaphore(%run_scoped3A : memref<!tpu.dma_semaphore, #tpu.memory_space<semaphore_mem>>)
        tpu.wait_dma2 semaphore(%run_scoped3A : memref<!tpu.dma_semaphore, #tpu.memory_space<semaphore_mem>>) src(%arg4 : memref<10016x16xf32, #tpu.memory_space<hbm>>) dst(%arg8 : memref<10016x16xf32, #tpu.memory_space<vmem_shared>>)
        tpu.yield
      }) : () -> ()
    } else {
    }
    %barrier3A = arith.constant 0 : index
    tpu.barrier barrier_id(%barrier3A)
    %mul3A = arith.constant 2 : i32
    %mul3A_2 = arith.muli %arg1, %mul3A : i32
    %add3A = arith.addi %mul3A_2, %arg0 : i32
    %mul3A_3 = arith.constant 5000 : i32
    %mul3A_4 = arith.muli %add3A, %mul3A_3 : i32
    "tpu.region"() ({
      %run_scoped3A = tpu.sem_alloc : memref<!tpu.dma_semaphore, #tpu.memory_space<semaphore_mem>>
      %dma_start3A = arith.constant 0 : i32
      %dma_start3A_8 = tpu.memref_slice %arg2[%mul3A_4, %dma_start3A] : memref<160000x16xf32, #tpu.memory_space<hbm>> -> memref<5000x16xf32, #tpu.memory_space<hbm>>
      %dma_start3A_9 = arith.constant 0 : i32
      %dma_start3A_10 = tpu.memref_slice %arg2[%mul3A_4, %dma_start3A_9] : memref<160000x16xf32, #tpu.memory_space<hbm>> -> memref<5000x16xf32, #tpu.memory_space<hbm>>
      tpu.enqueue_dma source(%dma_start3A_10 : memref<5000x16xf32, #tpu.memory_space<hbm>>) target(%arg6 : memref<5000x16xf32, #tpu.memory_space<vmem>>) target_semaphore(%run_scoped3A : memref<!tpu.dma_semaphore, #tpu.memory_space<semaphore_mem>>)
      %dma_wait3A = arith.constant 0 : i32
      %dma_wait3A_11 = tpu.memref_slice %arg2[%mul3A_4, %dma_wait3A] : memref<160000x16xf32, #tpu.memory_space<hbm>> -> memref<5000x16xf32, #tpu.memory_space<hbm>>
      %dma_wait3A_12 = arith.constant 0 : i32
      %dma_wait3A_13 = tpu.memref_slice %arg2[%mul3A_4, %dma_wait3A_12] : memref<160000x16xf32, #tpu.memory_space<hbm>> -> memref<5000x16xf32, #tpu.memory_space<hbm>>
      tpu.wait_dma2 semaphore(%run_scoped3A : memref<!tpu.dma_semaphore, #tpu.memory_space<semaphore_mem>>) src(%dma_wait3A_13 : memref<5000x16xf32, #tpu.memory_space<hbm>>) dst(%arg6 : memref<5000x16xf32, #tpu.memory_space<vmem>>)
      tpu.yield
    }) : () -> ()
    "tpu.region"() ({
      %run_scoped3A = tpu.sem_alloc : memref<!tpu.dma_semaphore, #tpu.memory_space<semaphore_mem>>
      %dma_start3A = tpu.memref_slice %arg3[%mul3A_4] : memref<160000xi32, #tpu.memory_space<hbm>> -> memref<5000xi32, #tpu.memory_space<hbm>>
      %dma_start3A_8 = tpu.memref_slice %arg3[%mul3A_4] : memref<160000xi32, #tpu.memory_space<hbm>> -> memref<5000xi32, #tpu.memory_space<hbm>>
      tpu.enqueue_dma source(%dma_start3A_8 : memref<5000xi32, #tpu.memory_space<hbm>>) target(%arg7 : memref<5000xi32, #tpu.memory_space<vmem>>) target_semaphore(%run_scoped3A : memref<!tpu.dma_semaphore, #tpu.memory_space<semaphore_mem>>)
      %dma_wait3A = tpu.memref_slice %arg3[%mul3A_4] : memref<160000xi32, #tpu.memory_space<hbm>> -> memref<5000xi32, #tpu.memory_space<hbm>>
      %dma_wait3A_9 = tpu.memref_slice %arg3[%mul3A_4] : memref<160000xi32, #tpu.memory_space<hbm>> -> memref<5000xi32, #tpu.memory_space<hbm>>
      tpu.wait_dma2 semaphore(%run_scoped3A : memref<!tpu.dma_semaphore, #tpu.memory_space<semaphore_mem>>) src(%dma_wait3A_9 : memref<5000xi32, #tpu.memory_space<hbm>>) dst(%arg7 : memref<5000xi32, #tpu.memory_space<vmem>>)
      tpu.yield
    }) : () -> ()
    "tpu.region"() ({
      %run_scoped3A = tpu.sem_alloc : memref<!tpu.dma_semaphore, #tpu.memory_space<semaphore_mem>>
      %dma_start3A = arith.constant 0 : i32
      %dma_start3A_8 = arith.constant 0 : i32
      %dma_start3A_9 = tpu.memref_slice %arg8[%dma_start3A, %dma_start3A_8] : memref<10016x16xf32, #tpu.memory_space<vmem_shared>> -> memref<10016x16xf32, #tpu.memory_space<vmem_shared>>
      tpu.enqueue_indirect_dma source(%arg6 : memref<5000x16xf32, #tpu.memory_space<vmem>>) target(%dma_start3A_9 : memref<10016x16xf32, #tpu.memory_space<vmem_shared>>) offsets(%arg7 : memref<5000xi32, #tpu.memory_space<vmem>>) semaphore(%run_scoped3A : memref<!tpu.dma_semaphore, #tpu.memory_space<semaphore_mem>>) {add = true}
      %dma_wait3A = arith.constant 0 : i32
      %dma_wait3A_10 = arith.constant 0 : i32
      %dma_wait3A_11 = tpu.memref_slice %arg8[%dma_wait3A, %dma_wait3A_10] : memref<10016x16xf32, #tpu.memory_space<vmem_shared>> -> memref<10016x16xf32, #tpu.memory_space<vmem_shared>>
      tpu.wait_indirect_dma semaphore(%run_scoped3A : memref<!tpu.dma_semaphore, #tpu.memory_space<semaphore_mem>>) src(%arg6 : memref<5000x16xf32, #tpu.memory_space<vmem>>) dst(%dma_wait3A_11 : memref<10016x16xf32, #tpu.memory_space<vmem_shared>>)
      tpu.yield
    }) : () -> ()
    %barrier3A_5 = arith.constant 0 : index
    tpu.barrier barrier_id(%barrier3A_5)
    %mul3A_6 = arith.constant 625 : i32
    %mul3A_7 = arith.muli %arg1, %mul3A_6 : i32
    "tpu.region"() ({
      %run_scoped3A = tpu.sem_alloc : memref<!tpu.dma_semaphore, #tpu.memory_space<semaphore_mem>>
      %dma_start3A = arith.constant 0 : i32
      %dma_start3A_8 = tpu.memref_slice %arg5[%arg0, %mul3A_7, %dma_start3A] : memref<2x10000x16xf32, #tpu.memory_space<hbm>> -> memref<1x625x16xf32, #tpu.memory_space<hbm>>
      %dma_start3A_9 = tpu.memref_squeeze %dma_start3A_8 : memref<1x625x16xf32, #tpu.memory_space<hbm>> -> memref<625x16xf32, #tpu.memory_space<hbm>>
      %dma_start3A_10 = arith.constant 0 : i32
      %dma_start3A_11 = tpu.memref_slice %arg8[%mul3A_7, %dma_start3A_10] : memref<10016x16xf32, #tpu.memory_space<vmem_shared>> -> memref<625x16xf32, #tpu.memory_space<vmem_shared>>
      tpu.enqueue_dma source(%dma_start3A_11 : memref<625x16xf32, #tpu.memory_space<vmem_shared>>) target(%dma_start3A_9 : memref<625x16xf32, #tpu.memory_space<hbm>>) target_semaphore(%run_scoped3A : memref<!tpu.dma_semaphore, #tpu.memory_space<semaphore_mem>>)
      %dma_wait3A = arith.constant 0 : i32
      %dma_wait3A_12 = tpu.memref_slice %arg5[%arg0, %mul3A_7, %dma_wait3A] : memref<2x10000x16xf32, #tpu.memory_space<hbm>> -> memref<1x625x16xf32, #tpu.memory_space<hbm>>
      %dma_wait3A_13 = tpu.memref_squeeze %dma_wait3A_12 : memref<1x625x16xf32, #tpu.memory_space<hbm>> -> memref<625x16xf32, #tpu.memory_space<hbm>>
      %dma_wait3A_14 = arith.constant 0 : i32
      %dma_wait3A_15 = tpu.memref_slice %arg8[%mul3A_7, %dma_wait3A_14] : memref<10016x16xf32, #tpu.memory_space<vmem_shared>> -> memref<625x16xf32, #tpu.memory_space<vmem_shared>>
      tpu.wait_dma2 semaphore(%run_scoped3A : memref<!tpu.dma_semaphore, #tpu.memory_space<semaphore_mem>>) src(%dma_wait3A_15 : memref<625x16xf32, #tpu.memory_space<vmem_shared>>) dst(%dma_wait3A_13 : memref<625x16xf32, #tpu.memory_space<hbm>>)
      tpu.yield
    }) : () -> ()
    return
  }
}

#map = affine_map<(d0, d1) -> (0, 0)>
#map1 = affine_map<(d0, d1) -> (0)>
module attributes {stable_mosaic.version = 14 : i64} {
  func.func @k(%arg0: i32, %arg1: i32, %arg2: memref<10000x16xf32, #tpu.memory_space<hbm>>, %arg3: memref<160000xi32, #tpu.memory_space<hbm>>, %arg4: memref<160000x16xf32, #tpu.memory_space<hbm>>, %arg5: memref<5000xi32, #tpu.memory_space<vmem>>, %arg6: memref<5000x16xf32, #tpu.memory_space<vmem>>, %arg7: memref<!tpu.dma_semaphore, #tpu.memory_space<semaphore_mem>>) attributes {dimension_semantics = [#tpu.dimension_semantics<core_parallel>, #tpu.dimension_semantics<subcore_parallel>], iteration_bounds = array<i64: 2, 16>, scalar_prefetch = 0 : i64, scratch_operands = 3 : i64, tpu.core_type = #tpu.core_type<sc_vector_subcore>, window_params = [{transform_indices = #map}, {transform_indices = #map1}, {transform_indices = #map}]} {
    %mul3A = arith.constant 2 : i32
    %mul3A_0 = arith.muli %arg1, %mul3A : i32
    %add3A = arith.addi %mul3A_0, %arg0 : i32
    %mul3A_1 = arith.constant 5000 : i32
    %mul3A_2 = arith.muli %add3A, %mul3A_1 : i32
    "tpu.region"() ({
      %run_scoped3A = tpu.sem_alloc : memref<!tpu.dma_semaphore, #tpu.memory_space<semaphore_mem>>
      %dma_start3A_7 = tpu.memref_slice %arg3[%mul3A_2] : memref<160000xi32, #tpu.memory_space<hbm>> -> memref<5000xi32, #tpu.memory_space<hbm>>
      %dma_start3A_8 = tpu.memref_slice %arg3[%mul3A_2] : memref<160000xi32, #tpu.memory_space<hbm>> -> memref<5000xi32, #tpu.memory_space<hbm>>
      tpu.enqueue_dma source(%dma_start3A_8 : memref<5000xi32, #tpu.memory_space<hbm>>) target(%arg5 : memref<5000xi32, #tpu.memory_space<vmem>>) target_semaphore(%run_scoped3A : memref<!tpu.dma_semaphore, #tpu.memory_space<semaphore_mem>>)
      %dma_wait3A_9 = tpu.memref_slice %arg3[%mul3A_2] : memref<160000xi32, #tpu.memory_space<hbm>> -> memref<5000xi32, #tpu.memory_space<hbm>>
      %dma_wait3A_10 = tpu.memref_slice %arg3[%mul3A_2] : memref<160000xi32, #tpu.memory_space<hbm>> -> memref<5000xi32, #tpu.memory_space<hbm>>
      tpu.wait_dma2 semaphore(%run_scoped3A : memref<!tpu.dma_semaphore, #tpu.memory_space<semaphore_mem>>) src(%dma_wait3A_10 : memref<5000xi32, #tpu.memory_space<hbm>>) dst(%arg5 : memref<5000xi32, #tpu.memory_space<vmem>>)
      tpu.yield
    }) : () -> ()
    %dma_start3A = arith.constant 0 : i32
    %dma_start3A_3 = arith.constant 0 : i32
    %dma_start3A_4 = tpu.memref_slice %arg2[%dma_start3A, %dma_start3A_3] : memref<10000x16xf32, #tpu.memory_space<hbm>> -> memref<10000x16xf32, #tpu.memory_space<hbm>>
    tpu.enqueue_indirect_dma source(%dma_start3A_4 : memref<10000x16xf32, #tpu.memory_space<hbm>>) target(%arg6 : memref<5000x16xf32, #tpu.memory_space<vmem>>) offsets(%arg5 : memref<5000xi32, #tpu.memory_space<vmem>>) semaphore(%arg7 : memref<!tpu.dma_semaphore, #tpu.memory_space<semaphore_mem>>)
    %dma_wait3A = arith.constant 0 : i32
    %dma_wait3A_5 = arith.constant 0 : i32
    %dma_wait3A_6 = tpu.memref_slice %arg2[%dma_wait3A, %dma_wait3A_5] : memref<10000x16xf32, #tpu.memory_space<hbm>> -> memref<10000x16xf32, #tpu.memory_space<hbm>>
    tpu.wait_indirect_dma semaphore(%arg7 : memref<!tpu.dma_semaphore, #tpu.memory_space<semaphore_mem>>) src(%dma_wait3A_6 : memref<10000x16xf32, #tpu.memory_space<hbm>>) dst(%arg6 : memref<5000x16xf32, #tpu.memory_space<vmem>>)
    "tpu.region"() ({
      %run_scoped3A = tpu.sem_alloc : memref<!tpu.dma_semaphore, #tpu.memory_space<semaphore_mem>>
      %dma_start3A_7 = arith.constant 0 : i32
      %dma_start3A_8 = tpu.memref_slice %arg4[%mul3A_2, %dma_start3A_7] : memref<160000x16xf32, #tpu.memory_space<hbm>> -> memref<5000x16xf32, #tpu.memory_space<hbm>>
      %dma_start3A_9 = arith.constant 0 : i32
      %dma_start3A_10 = tpu.memref_slice %arg4[%mul3A_2, %dma_start3A_9] : memref<160000x16xf32, #tpu.memory_space<hbm>> -> memref<5000x16xf32, #tpu.memory_space<hbm>>
      tpu.enqueue_dma source(%arg6 : memref<5000x16xf32, #tpu.memory_space<vmem>>) target(%dma_start3A_10 : memref<5000x16xf32, #tpu.memory_space<hbm>>) target_semaphore(%run_scoped3A : memref<!tpu.dma_semaphore, #tpu.memory_space<semaphore_mem>>)
      %dma_wait3A_11 = arith.constant 0 : i32
      %dma_wait3A_12 = tpu.memref_slice %arg4[%mul3A_2, %dma_wait3A_11] : memref<160000x16xf32, #tpu.memory_space<hbm>> -> memref<5000x16xf32, #tpu.memory_space<hbm>>
      %dma_wait3A_13 = arith.constant 0 : i32
      %dma_wait3A_14 = tpu.memref_slice %arg4[%mul3A_2, %dma_wait3A_13] : memref<160000x16xf32, #tpu.memory_space<hbm>> -> memref<5000x16xf32, #tpu.memory_space<hbm>>
      tpu.wait_dma2 semaphore(%run_scoped3A : memref<!tpu.dma_semaphore, #tpu.memory_space<semaphore_mem>>) src(%arg6 : memref<5000x16xf32, #tpu.memory_space<vmem>>) dst(%dma_wait3A_14 : memref<5000x16xf32, #tpu.memory_space<hbm>>)
      tpu.yield
    }) : () -> ()
    return
  }
}

#map = affine_map<(d0, d1) -> (0, 0)>
#map1 = affine_map<(d0, d1) -> (0)>
module attributes {stable_mosaic.version = 14 : i64} {
  func.func @k(%arg0: i32, %arg1: i32, %arg2: memref<10000x16xf32, #tpu.memory_space<hbm>>, %arg3: memref<10000x16xf32, #tpu.memory_space<hbm>>, %arg4: memref<160000xi32, #tpu.memory_space<hbm>>, %arg5: memref<160000xi32, #tpu.memory_space<hbm>>, %arg6: memref<160000x16xf32, #tpu.memory_space<hbm>>, %arg7: memref<160000x16xf32, #tpu.memory_space<hbm>>, %arg8: memref<160000x16xf32, #tpu.memory_space<hbm>>, %arg9: memref<5000xi32, #tpu.memory_space<vmem>>, %arg10: memref<5000xi32, #tpu.memory_space<vmem>>, %arg11: memref<5000x16xf32, #tpu.memory_space<vmem>>, %arg12: memref<!tpu.dma_semaphore, #tpu.memory_space<semaphore_mem>>) attributes {dimension_semantics = [#tpu.dimension_semantics<core_parallel>, #tpu.dimension_semantics<subcore_parallel>], iteration_bounds = array<i64: 2, 16>, scalar_prefetch = 0 : i64, scratch_operands = 4 : i64, tpu.core_type = #tpu.core_type<sc_vector_subcore>, window_params = [{transform_indices = #map}, {transform_indices = #map}, {transform_indices = #map1}, {transform_indices = #map1}, {transform_indices = #map}, {transform_indices = #map}, {transform_indices = #map}]} {
    %mul3A = arith.constant 2 : i32
    %mul3A_0 = arith.muli %arg1, %mul3A : i32
    %add3A = arith.addi %mul3A_0, %arg0 : i32
    %mul3A_1 = arith.constant 5000 : i32
    %mul3A_2 = arith.muli %add3A, %mul3A_1 : i32
    "tpu.region"() ({
      %run_scoped3A = tpu.sem_alloc : memref<!tpu.dma_semaphore, #tpu.memory_space<semaphore_mem>>
      %dma_start3A_19 = tpu.memref_slice %arg4[%mul3A_2] : memref<160000xi32, #tpu.memory_space<hbm>> -> memref<5000xi32, #tpu.memory_space<hbm>>
      %dma_start3A_20 = tpu.memref_slice %arg4[%mul3A_2] : memref<160000xi32, #tpu.memory_space<hbm>> -> memref<5000xi32, #tpu.memory_space<hbm>>
      tpu.enqueue_dma source(%dma_start3A_20 : memref<5000xi32, #tpu.memory_space<hbm>>) target(%arg9 : memref<5000xi32, #tpu.memory_space<vmem>>) target_semaphore(%run_scoped3A : memref<!tpu.dma_semaphore, #tpu.memory_space<semaphore_mem>>)
      %dma_wait3A_21 = tpu.memref_slice %arg4[%mul3A_2] : memref<160000xi32, #tpu.memory_space<hbm>> -> memref<5000xi32, #tpu.memory_space<hbm>>
      %dma_wait3A_22 = tpu.memref_slice %arg4[%mul3A_2] : memref<160000xi32, #tpu.memory_space<hbm>> -> memref<5000xi32, #tpu.memory_space<hbm>>
      tpu.wait_dma2 semaphore(%run_scoped3A : memref<!tpu.dma_semaphore, #tpu.memory_space<semaphore_mem>>) src(%dma_wait3A_22 : memref<5000xi32, #tpu.memory_space<hbm>>) dst(%arg9 : memref<5000xi32, #tpu.memory_space<vmem>>)
      tpu.yield
    }) : () -> ()
    "tpu.region"() ({
      %run_scoped3A = tpu.sem_alloc : memref<!tpu.dma_semaphore, #tpu.memory_space<semaphore_mem>>
      %dma_start3A_19 = tpu.memref_slice %arg5[%mul3A_2] : memref<160000xi32, #tpu.memory_space<hbm>> -> memref<5000xi32, #tpu.memory_space<hbm>>
      %dma_start3A_20 = tpu.memref_slice %arg5[%mul3A_2] : memref<160000xi32, #tpu.memory_space<hbm>> -> memref<5000xi32, #tpu.memory_space<hbm>>
      tpu.enqueue_dma source(%dma_start3A_20 : memref<5000xi32, #tpu.memory_space<hbm>>) target(%arg10 : memref<5000xi32, #tpu.memory_space<vmem>>) target_semaphore(%run_scoped3A : memref<!tpu.dma_semaphore, #tpu.memory_space<semaphore_mem>>)
      %dma_wait3A_21 = tpu.memref_slice %arg5[%mul3A_2] : memref<160000xi32, #tpu.memory_space<hbm>> -> memref<5000xi32, #tpu.memory_space<hbm>>
      %dma_wait3A_22 = tpu.memref_slice %arg5[%mul3A_2] : memref<160000xi32, #tpu.memory_space<hbm>> -> memref<5000xi32, #tpu.memory_space<hbm>>
      tpu.wait_dma2 semaphore(%run_scoped3A : memref<!tpu.dma_semaphore, #tpu.memory_space<semaphore_mem>>) src(%dma_wait3A_22 : memref<5000xi32, #tpu.memory_space<hbm>>) dst(%arg10 : memref<5000xi32, #tpu.memory_space<vmem>>)
      tpu.yield
    }) : () -> ()
    %dma_start3A = arith.constant 0 : i32
    %dma_start3A_3 = arith.constant 0 : i32
    %dma_start3A_4 = tpu.memref_slice %arg2[%dma_start3A, %dma_start3A_3] : memref<10000x16xf32, #tpu.memory_space<hbm>> -> memref<10000x16xf32, #tpu.memory_space<hbm>>
    tpu.enqueue_indirect_dma source(%dma_start3A_4 : memref<10000x16xf32, #tpu.memory_space<hbm>>) target(%arg11 : memref<5000x16xf32, #tpu.memory_space<vmem>>) offsets(%arg9 : memref<5000xi32, #tpu.memory_space<vmem>>) semaphore(%arg12 : memref<!tpu.dma_semaphore, #tpu.memory_space<semaphore_mem>>)
    %dma_wait3A = arith.constant 0 : i32
    %dma_wait3A_5 = arith.constant 0 : i32
    %dma_wait3A_6 = tpu.memref_slice %arg2[%dma_wait3A, %dma_wait3A_5] : memref<10000x16xf32, #tpu.memory_space<hbm>> -> memref<10000x16xf32, #tpu.memory_space<hbm>>
    tpu.wait_indirect_dma semaphore(%arg12 : memref<!tpu.dma_semaphore, #tpu.memory_space<semaphore_mem>>) src(%dma_wait3A_6 : memref<10000x16xf32, #tpu.memory_space<hbm>>) dst(%arg11 : memref<5000x16xf32, #tpu.memory_space<vmem>>)
    "tpu.region"() ({
      %run_scoped3A = tpu.sem_alloc : memref<!tpu.dma_semaphore, #tpu.memory_space<semaphore_mem>>
      %dma_start3A_19 = arith.constant 0 : i32
      %dma_start3A_20 = tpu.memref_slice %arg6[%mul3A_2, %dma_start3A_19] : memref<160000x16xf32, #tpu.memory_space<hbm>> -> memref<5000x16xf32, #tpu.memory_space<hbm>>
      %dma_start3A_21 = arith.constant 0 : i32
      %dma_start3A_22 = tpu.memref_slice %arg6[%mul3A_2, %dma_start3A_21] : memref<160000x16xf32, #tpu.memory_space<hbm>> -> memref<5000x16xf32, #tpu.memory_space<hbm>>
      tpu.enqueue_dma source(%arg11 : memref<5000x16xf32, #tpu.memory_space<vmem>>) target(%dma_start3A_22 : memref<5000x16xf32, #tpu.memory_space<hbm>>) target_semaphore(%run_scoped3A : memref<!tpu.dma_semaphore, #tpu.memory_space<semaphore_mem>>)
      %dma_wait3A_23 = arith.constant 0 : i32
      %dma_wait3A_24 = tpu.memref_slice %arg6[%mul3A_2, %dma_wait3A_23] : memref<160000x16xf32, #tpu.memory_space<hbm>> -> memref<5000x16xf32, #tpu.memory_space<hbm>>
      %dma_wait3A_25 = arith.constant 0 : i32
      %dma_wait3A_26 = tpu.memref_slice %arg6[%mul3A_2, %dma_wait3A_25] : memref<160000x16xf32, #tpu.memory_space<hbm>> -> memref<5000x16xf32, #tpu.memory_space<hbm>>
      tpu.wait_dma2 semaphore(%run_scoped3A : memref<!tpu.dma_semaphore, #tpu.memory_space<semaphore_mem>>) src(%arg11 : memref<5000x16xf32, #tpu.memory_space<vmem>>) dst(%dma_wait3A_26 : memref<5000x16xf32, #tpu.memory_space<hbm>>)
      tpu.yield
    }) : () -> ()
    %dma_start3A_7 = arith.constant 0 : i32
    %dma_start3A_8 = arith.constant 0 : i32
    %dma_start3A_9 = tpu.memref_slice %arg2[%dma_start3A_7, %dma_start3A_8] : memref<10000x16xf32, #tpu.memory_space<hbm>> -> memref<10000x16xf32, #tpu.memory_space<hbm>>
    tpu.enqueue_indirect_dma source(%dma_start3A_9 : memref<10000x16xf32, #tpu.memory_space<hbm>>) target(%arg11 : memref<5000x16xf32, #tpu.memory_space<vmem>>) offsets(%arg10 : memref<5000xi32, #tpu.memory_space<vmem>>) semaphore(%arg12 : memref<!tpu.dma_semaphore, #tpu.memory_space<semaphore_mem>>)
    %dma_wait3A_10 = arith.constant 0 : i32
    %dma_wait3A_11 = arith.constant 0 : i32
    %dma_wait3A_12 = tpu.memref_slice %arg2[%dma_wait3A_10, %dma_wait3A_11] : memref<10000x16xf32, #tpu.memory_space<hbm>> -> memref<10000x16xf32, #tpu.memory_space<hbm>>
    tpu.wait_indirect_dma semaphore(%arg12 : memref<!tpu.dma_semaphore, #tpu.memory_space<semaphore_mem>>) src(%dma_wait3A_12 : memref<10000x16xf32, #tpu.memory_space<hbm>>) dst(%arg11 : memref<5000x16xf32, #tpu.memory_space<vmem>>)
    "tpu.region"() ({
      %run_scoped3A = tpu.sem_alloc : memref<!tpu.dma_semaphore, #tpu.memory_space<semaphore_mem>>
      %dma_start3A_19 = arith.constant 0 : i32
      %dma_start3A_20 = tpu.memref_slice %arg7[%mul3A_2, %dma_start3A_19] : memref<160000x16xf32, #tpu.memory_space<hbm>> -> memref<5000x16xf32, #tpu.memory_space<hbm>>
      %dma_start3A_21 = arith.constant 0 : i32
      %dma_start3A_22 = tpu.memref_slice %arg7[%mul3A_2, %dma_start3A_21] : memref<160000x16xf32, #tpu.memory_space<hbm>> -> memref<5000x16xf32, #tpu.memory_space<hbm>>
      tpu.enqueue_dma source(%arg11 : memref<5000x16xf32, #tpu.memory_space<vmem>>) target(%dma_start3A_22 : memref<5000x16xf32, #tpu.memory_space<hbm>>) target_semaphore(%run_scoped3A : memref<!tpu.dma_semaphore, #tpu.memory_space<semaphore_mem>>)
      %dma_wait3A_23 = arith.constant 0 : i32
      %dma_wait3A_24 = tpu.memref_slice %arg7[%mul3A_2, %dma_wait3A_23] : memref<160000x16xf32, #tpu.memory_space<hbm>> -> memref<5000x16xf32, #tpu.memory_space<hbm>>
      %dma_wait3A_25 = arith.constant 0 : i32
      %dma_wait3A_26 = tpu.memref_slice %arg7[%mul3A_2, %dma_wait3A_25] : memref<160000x16xf32, #tpu.memory_space<hbm>> -> memref<5000x16xf32, #tpu.memory_space<hbm>>
      tpu.wait_dma2 semaphore(%run_scoped3A : memref<!tpu.dma_semaphore, #tpu.memory_space<semaphore_mem>>) src(%arg11 : memref<5000x16xf32, #tpu.memory_space<vmem>>) dst(%dma_wait3A_26 : memref<5000x16xf32, #tpu.memory_space<hbm>>)
      tpu.yield
    }) : () -> ()
    %dma_start3A_13 = arith.constant 0 : i32
    %dma_start3A_14 = arith.constant 0 : i32
    %dma_start3A_15 = tpu.memref_slice %arg3[%dma_start3A_13, %dma_start3A_14] : memref<10000x16xf32, #tpu.memory_space<hbm>> -> memref<10000x16xf32, #tpu.memory_space<hbm>>
    tpu.enqueue_indirect_dma source(%dma_start3A_15 : memref<10000x16xf32, #tpu.memory_space<hbm>>) target(%arg11 : memref<5000x16xf32, #tpu.memory_space<vmem>>) offsets(%arg9 : memref<5000xi32, #tpu.memory_space<vmem>>) semaphore(%arg12 : memref<!tpu.dma_semaphore, #tpu.memory_space<semaphore_mem>>)
    %dma_wait3A_16 = arith.constant 0 : i32
    %dma_wait3A_17 = arith.constant 0 : i32
    %dma_wait3A_18 = tpu.memref_slice %arg3[%dma_wait3A_16, %dma_wait3A_17] : memref<10000x16xf32, #tpu.memory_space<hbm>> -> memref<10000x16xf32, #tpu.memory_space<hbm>>
    tpu.wait_indirect_dma semaphore(%arg12 : memref<!tpu.dma_semaphore, #tpu.memory_space<semaphore_mem>>) src(%dma_wait3A_18 : memref<10000x16xf32, #tpu.memory_space<hbm>>) dst(%arg11 : memref<5000x16xf32, #tpu.memory_space<vmem>>)
    "tpu.region"() ({
      %run_scoped3A = tpu.sem_alloc : memref<!tpu.dma_semaphore, #tpu.memory_space<semaphore_mem>>
      %dma_start3A_19 = arith.constant 0 : i32
      %dma_start3A_20 = tpu.memref_slice %arg8[%mul3A_2, %dma_start3A_19] : memref<160000x16xf32, #tpu.memory_space<hbm>> -> memref<5000x16xf32, #tpu.memory_space<hbm>>
      %dma_start3A_21 = arith.constant 0 : i32
      %dma_start3A_22 = tpu.memref_slice %arg8[%mul3A_2, %dma_start3A_21] : memref<160000x16xf32, #tpu.memory_space<hbm>> -> memref<5000x16xf32, #tpu.memory_space<hbm>>
      tpu.enqueue_dma source(%arg11 : memref<5000x16xf32, #tpu.memory_space<vmem>>) target(%dma_start3A_22 : memref<5000x16xf32, #tpu.memory_space<hbm>>) target_semaphore(%run_scoped3A : memref<!tpu.dma_semaphore, #tpu.memory_space<semaphore_mem>>)
      %dma_wait3A_23 = arith.constant 0 : i32
      %dma_wait3A_24 = tpu.memref_slice %arg8[%mul3A_2, %dma_wait3A_23] : memref<160000x16xf32, #tpu.memory_space<hbm>> -> memref<5000x16xf32, #tpu.memory_space<hbm>>
      %dma_wait3A_25 = arith.constant 0 : i32
      %dma_wait3A_26 = tpu.memref_slice %arg8[%mul3A_2, %dma_wait3A_25] : memref<160000x16xf32, #tpu.memory_space<hbm>> -> memref<5000x16xf32, #tpu.memory_space<hbm>>
      tpu.wait_dma2 semaphore(%run_scoped3A : memref<!tpu.dma_semaphore, #tpu.memory_space<semaphore_mem>>) src(%arg11 : memref<5000x16xf32, #tpu.memory_space<vmem>>) dst(%dma_wait3A_26 : memref<5000x16xf32, #tpu.memory_space<hbm>>)
      tpu.yield
    }) : () -> ()
    return
  }
}

#map = affine_map<(d0, d1) -> (0, 0)>
#map1 = affine_map<(d0, d1) -> (0)>
#map2 = affine_map<(d0, d1) -> (0, 0, 0)>
module attributes {stable_mosaic.version = 14 : i64} {
  func.func @k(%arg0: i32, %arg1: i32, %arg2: memref<160000x16xf32, #tpu.memory_space<hbm>>, %arg3: memref<160000xi32, #tpu.memory_space<hbm>>, %arg4: memref<10016x16xf32, #tpu.memory_space<hbm>>, %arg5: memref<2x10000x16xf32, #tpu.memory_space<hbm>>, %arg6: memref<5000x16xf32, #tpu.memory_space<vmem>>, %arg7: memref<5000xi32, #tpu.memory_space<vmem>>, %arg8: memref<10016x16xf32, #tpu.memory_space<vmem_shared>>) attributes {dimension_semantics = [#tpu.dimension_semantics<core_parallel>, #tpu.dimension_semantics<subcore_parallel>], iteration_bounds = array<i64: 2, 16>, scalar_prefetch = 0 : i64, scratch_operands = 3 : i64, tpu.core_type = #tpu.core_type<sc_vector_subcore>, window_params = [{transform_indices = #map}, {transform_indices = #map1}, {transform_indices = #map}, {transform_indices = #map2}]} {
    %eq3A = arith.constant 0 : i32
    %eq3A_0 = arith.cmpi eq, %arg1, %eq3A : i32
    %convert_element_type3A = arith.extui %eq3A_0 : i1 to i32
    %cond3A = arith.constant 0 : i32
    %cond3A_1 = arith.cmpi ne, %convert_element_type3A, %cond3A : i32
    scf.if %cond3A_1 {
      "tpu.region"() ({
        %run_scoped3A = tpu.sem_alloc : memref<!tpu.dma_semaphore, #tpu.memory_space<semaphore_mem>>
        tpu.enqueue_dma source(%arg4 : memref<10016x16xf32, #tpu.memory_space<hbm>>) target(%arg8 : memref<10016x16xf32, #tpu.memory_space<vmem_shared>>) target_semaphore(%run_scoped3A : memref<!tpu.dma_semaphore, #tpu.memory_space<semaphore_mem>>)
        tpu.wait_dma2 semaphore(%run_scoped3A : memref<!tpu.dma_semaphore, #tpu.memory_space<semaphore_mem>>) src(%arg4 : memref<10016x16xf32, #tpu.memory_space<hbm>>) dst(%arg8 : memref<10016x16xf32, #tpu.memory_space<vmem_shared>>)
        tpu.yield
      }) : () -> ()
    } else {
    }
    %barrier3A = arith.constant 0 : index
    tpu.barrier barrier_id(%barrier3A)
    %mul3A = arith.constant 2 : i32
    %mul3A_2 = arith.muli %arg1, %mul3A : i32
    %add3A = arith.addi %mul3A_2, %arg0 : i32
    %mul3A_3 = arith.constant 5000 : i32
    %mul3A_4 = arith.muli %add3A, %mul3A_3 : i32
    "tpu.region"() ({
      %run_scoped3A = tpu.sem_alloc : memref<!tpu.dma_semaphore, #tpu.memory_space<semaphore_mem>>
      %dma_start3A = arith.constant 0 : i32
      %dma_start3A_8 = tpu.memref_slice %arg2[%mul3A_4, %dma_start3A] : memref<160000x16xf32, #tpu.memory_space<hbm>> -> memref<5000x16xf32, #tpu.memory_space<hbm>>
      %dma_start3A_9 = arith.constant 0 : i32
      %dma_start3A_10 = tpu.memref_slice %arg2[%mul3A_4, %dma_start3A_9] : memref<160000x16xf32, #tpu.memory_space<hbm>> -> memref<5000x16xf32, #tpu.memory_space<hbm>>
      tpu.enqueue_dma source(%dma_start3A_10 : memref<5000x16xf32, #tpu.memory_space<hbm>>) target(%arg6 : memref<5000x16xf32, #tpu.memory_space<vmem>>) target_semaphore(%run_scoped3A : memref<!tpu.dma_semaphore, #tpu.memory_space<semaphore_mem>>)
      %dma_wait3A = arith.constant 0 : i32
      %dma_wait3A_11 = tpu.memref_slice %arg2[%mul3A_4, %dma_wait3A] : memref<160000x16xf32, #tpu.memory_space<hbm>> -> memref<5000x16xf32, #tpu.memory_space<hbm>>
      %dma_wait3A_12 = arith.constant 0 : i32
      %dma_wait3A_13 = tpu.memref_slice %arg2[%mul3A_4, %dma_wait3A_12] : memref<160000x16xf32, #tpu.memory_space<hbm>> -> memref<5000x16xf32, #tpu.memory_space<hbm>>
      tpu.wait_dma2 semaphore(%run_scoped3A : memref<!tpu.dma_semaphore, #tpu.memory_space<semaphore_mem>>) src(%dma_wait3A_13 : memref<5000x16xf32, #tpu.memory_space<hbm>>) dst(%arg6 : memref<5000x16xf32, #tpu.memory_space<vmem>>)
      tpu.yield
    }) : () -> ()
    "tpu.region"() ({
      %run_scoped3A = tpu.sem_alloc : memref<!tpu.dma_semaphore, #tpu.memory_space<semaphore_mem>>
      %dma_start3A = tpu.memref_slice %arg3[%mul3A_4] : memref<160000xi32, #tpu.memory_space<hbm>> -> memref<5000xi32, #tpu.memory_space<hbm>>
      %dma_start3A_8 = tpu.memref_slice %arg3[%mul3A_4] : memref<160000xi32, #tpu.memory_space<hbm>> -> memref<5000xi32, #tpu.memory_space<hbm>>
      tpu.enqueue_dma source(%dma_start3A_8 : memref<5000xi32, #tpu.memory_space<hbm>>) target(%arg7 : memref<5000xi32, #tpu.memory_space<vmem>>) target_semaphore(%run_scoped3A : memref<!tpu.dma_semaphore, #tpu.memory_space<semaphore_mem>>)
      %dma_wait3A = tpu.memref_slice %arg3[%mul3A_4] : memref<160000xi32, #tpu.memory_space<hbm>> -> memref<5000xi32, #tpu.memory_space<hbm>>
      %dma_wait3A_9 = tpu.memref_slice %arg3[%mul3A_4] : memref<160000xi32, #tpu.memory_space<hbm>> -> memref<5000xi32, #tpu.memory_space<hbm>>
      tpu.wait_dma2 semaphore(%run_scoped3A : memref<!tpu.dma_semaphore, #tpu.memory_space<semaphore_mem>>) src(%dma_wait3A_9 : memref<5000xi32, #tpu.memory_space<hbm>>) dst(%arg7 : memref<5000xi32, #tpu.memory_space<vmem>>)
      tpu.yield
    }) : () -> ()
    "tpu.region"() ({
      %run_scoped3A = tpu.sem_alloc : memref<!tpu.dma_semaphore, #tpu.memory_space<semaphore_mem>>
      %dma_start3A = arith.constant 0 : i32
      %dma_start3A_8 = arith.constant 0 : i32
      %dma_start3A_9 = tpu.memref_slice %arg8[%dma_start3A, %dma_start3A_8] : memref<10016x16xf32, #tpu.memory_space<vmem_shared>> -> memref<10016x16xf32, #tpu.memory_space<vmem_shared>>
      tpu.enqueue_indirect_dma source(%arg6 : memref<5000x16xf32, #tpu.memory_space<vmem>>) target(%dma_start3A_9 : memref<10016x16xf32, #tpu.memory_space<vmem_shared>>) offsets(%arg7 : memref<5000xi32, #tpu.memory_space<vmem>>) semaphore(%run_scoped3A : memref<!tpu.dma_semaphore, #tpu.memory_space<semaphore_mem>>) {add = true}
      %dma_wait3A = arith.constant 0 : i32
      %dma_wait3A_10 = arith.constant 0 : i32
      %dma_wait3A_11 = tpu.memref_slice %arg8[%dma_wait3A, %dma_wait3A_10] : memref<10016x16xf32, #tpu.memory_space<vmem_shared>> -> memref<10016x16xf32, #tpu.memory_space<vmem_shared>>
      tpu.wait_indirect_dma semaphore(%run_scoped3A : memref<!tpu.dma_semaphore, #tpu.memory_space<semaphore_mem>>) src(%arg6 : memref<5000x16xf32, #tpu.memory_space<vmem>>) dst(%dma_wait3A_11 : memref<10016x16xf32, #tpu.memory_space<vmem_shared>>)
      tpu.yield
    }) : () -> ()
    %barrier3A_5 = arith.constant 0 : index
    tpu.barrier barrier_id(%barrier3A_5)
    %mul3A_6 = arith.constant 625 : i32
    %mul3A_7 = arith.muli %arg1, %mul3A_6 : i32
    "tpu.region"() ({
      %run_scoped3A = tpu.sem_alloc : memref<!tpu.dma_semaphore, #tpu.memory_space<semaphore_mem>>
      %dma_start3A = arith.constant 0 : i32
      %dma_start3A_8 = tpu.memref_slice %arg5[%arg0, %mul3A_7, %dma_start3A] : memref<2x10000x16xf32, #tpu.memory_space<hbm>> -> memref<1x625x16xf32, #tpu.memory_space<hbm>>
      %dma_start3A_9 = tpu.memref_squeeze %dma_start3A_8 : memref<1x625x16xf32, #tpu.memory_space<hbm>> -> memref<625x16xf32, #tpu.memory_space<hbm>>
      %dma_start3A_10 = arith.constant 0 : i32
      %dma_start3A_11 = tpu.memref_slice %arg8[%mul3A_7, %dma_start3A_10] : memref<10016x16xf32, #tpu.memory_space<vmem_shared>> -> memref<625x16xf32, #tpu.memory_space<vmem_shared>>
      tpu.enqueue_dma source(%dma_start3A_11 : memref<625x16xf32, #tpu.memory_space<vmem_shared>>) target(%dma_start3A_9 : memref<625x16xf32, #tpu.memory_space<hbm>>) target_semaphore(%run_scoped3A : memref<!tpu.dma_semaphore, #tpu.memory_space<semaphore_mem>>)
      %dma_wait3A = arith.constant 0 : i32
      %dma_wait3A_12 = tpu.memref_slice %arg5[%arg0, %mul3A_7, %dma_wait3A] : memref<2x10000x16xf32, #tpu.memory_space<hbm>> -> memref<1x625x16xf32, #tpu.memory_space<hbm>>
      %dma_wait3A_13 = tpu.memref_squeeze %dma_wait3A_12 : memref<1x625x16xf32, #tpu.memory_space<hbm>> -> memref<625x16xf32, #tpu.memory_space<hbm>>
      %dma_wait3A_14 = arith.constant 0 : i32
      %dma_wait3A_15 = tpu.memref_slice %arg8[%mul3A_7, %dma_wait3A_14] : memref<10016x16xf32, #tpu.memory_space<vmem_shared>> -> memref<625x16xf32, #tpu.memory_space<vmem_shared>>
      tpu.wait_dma2 semaphore(%run_scoped3A : memref<!tpu.dma_semaphore, #tpu.memory_space<semaphore_mem>>) src(%dma_wait3A_15 : memref<625x16xf32, #tpu.memory_space<vmem_shared>>) dst(%dma_wait3A_13 : memref<625x16xf32, #tpu.memory_space<hbm>>)
      tpu.yield
    }) : () -> ()
    return
  }
}

#map = affine_map<(d0, d1) -> (0, 0)>
#map1 = affine_map<(d0, d1) -> (0)>
module attributes {stable_mosaic.version = 14 : i64} {
  func.func @k(%arg0: i32, %arg1: i32, %arg2: memref<10000x16xf32, #tpu.memory_space<hbm>>, %arg3: memref<160000xi32, #tpu.memory_space<hbm>>, %arg4: memref<160000x16xf32, #tpu.memory_space<hbm>>, %arg5: memref<5000xi32, #tpu.memory_space<vmem>>, %arg6: memref<5000x16xf32, #tpu.memory_space<vmem>>, %arg7: memref<!tpu.dma_semaphore, #tpu.memory_space<semaphore_mem>>) attributes {dimension_semantics = [#tpu.dimension_semantics<core_parallel>, #tpu.dimension_semantics<subcore_parallel>], iteration_bounds = array<i64: 2, 16>, scalar_prefetch = 0 : i64, scratch_operands = 3 : i64, tpu.core_type = #tpu.core_type<sc_vector_subcore>, window_params = [{transform_indices = #map}, {transform_indices = #map1}, {transform_indices = #map}]} {
    %mul3A = arith.constant 2 : i32
    %mul3A_0 = arith.muli %arg1, %mul3A : i32
    %add3A = arith.addi %mul3A_0, %arg0 : i32
    %mul3A_1 = arith.constant 5000 : i32
    %mul3A_2 = arith.muli %add3A, %mul3A_1 : i32
    "tpu.region"() ({
      %run_scoped3A = tpu.sem_alloc : memref<!tpu.dma_semaphore, #tpu.memory_space<semaphore_mem>>
      %dma_start3A_7 = tpu.memref_slice %arg3[%mul3A_2] : memref<160000xi32, #tpu.memory_space<hbm>> -> memref<5000xi32, #tpu.memory_space<hbm>>
      %dma_start3A_8 = tpu.memref_slice %arg3[%mul3A_2] : memref<160000xi32, #tpu.memory_space<hbm>> -> memref<5000xi32, #tpu.memory_space<hbm>>
      tpu.enqueue_dma source(%dma_start3A_8 : memref<5000xi32, #tpu.memory_space<hbm>>) target(%arg5 : memref<5000xi32, #tpu.memory_space<vmem>>) target_semaphore(%run_scoped3A : memref<!tpu.dma_semaphore, #tpu.memory_space<semaphore_mem>>)
      %dma_wait3A_9 = tpu.memref_slice %arg3[%mul3A_2] : memref<160000xi32, #tpu.memory_space<hbm>> -> memref<5000xi32, #tpu.memory_space<hbm>>
      %dma_wait3A_10 = tpu.memref_slice %arg3[%mul3A_2] : memref<160000xi32, #tpu.memory_space<hbm>> -> memref<5000xi32, #tpu.memory_space<hbm>>
      tpu.wait_dma2 semaphore(%run_scoped3A : memref<!tpu.dma_semaphore, #tpu.memory_space<semaphore_mem>>) src(%dma_wait3A_10 : memref<5000xi32, #tpu.memory_space<hbm>>) dst(%arg5 : memref<5000xi32, #tpu.memory_space<vmem>>)
      tpu.yield
    }) : () -> ()
    %dma_start3A = arith.constant 0 : i32
    %dma_start3A_3 = arith.constant 0 : i32
    %dma_start3A_4 = tpu.memref_slice %arg2[%dma_start3A, %dma_start3A_3] : memref<10000x16xf32, #tpu.memory_space<hbm>> -> memref<10000x16xf32, #tpu.memory_space<hbm>>
    tpu.enqueue_indirect_dma source(%dma_start3A_4 : memref<10000x16xf32, #tpu.memory_space<hbm>>) target(%arg6 : memref<5000x16xf32, #tpu.memory_space<vmem>>) offsets(%arg5 : memref<5000xi32, #tpu.memory_space<vmem>>) semaphore(%arg7 : memref<!tpu.dma_semaphore, #tpu.memory_space<semaphore_mem>>)
    %dma_wait3A = arith.constant 0 : i32
    %dma_wait3A_5 = arith.constant 0 : i32
    %dma_wait3A_6 = tpu.memref_slice %arg2[%dma_wait3A, %dma_wait3A_5] : memref<10000x16xf32, #tpu.memory_space<hbm>> -> memref<10000x16xf32, #tpu.memory_space<hbm>>
    tpu.wait_indirect_dma semaphore(%arg7 : memref<!tpu.dma_semaphore, #tpu.memory_space<semaphore_mem>>) src(%dma_wait3A_6 : memref<10000x16xf32, #tpu.memory_space<hbm>>) dst(%arg6 : memref<5000x16xf32, #tpu.memory_space<vmem>>)
    "tpu.region"() ({
      %run_scoped3A = tpu.sem_alloc : memref<!tpu.dma_semaphore, #tpu.memory_space<semaphore_mem>>
      %dma_start3A_7 = arith.constant 0 : i32
      %dma_start3A_8 = tpu.memref_slice %arg4[%mul3A_2, %dma_start3A_7] : memref<160000x16xf32, #tpu.memory_space<hbm>> -> memref<5000x16xf32, #tpu.memory_space<hbm>>
      %dma_start3A_9 = arith.constant 0 : i32
      %dma_start3A_10 = tpu.memref_slice %arg4[%mul3A_2, %dma_start3A_9] : memref<160000x16xf32, #tpu.memory_space<hbm>> -> memref<5000x16xf32, #tpu.memory_space<hbm>>
      tpu.enqueue_dma source(%arg6 : memref<5000x16xf32, #tpu.memory_space<vmem>>) target(%dma_start3A_10 : memref<5000x16xf32, #tpu.memory_space<hbm>>) target_semaphore(%run_scoped3A : memref<!tpu.dma_semaphore, #tpu.memory_space<semaphore_mem>>)
      %dma_wait3A_11 = arith.constant 0 : i32
      %dma_wait3A_12 = tpu.memref_slice %arg4[%mul3A_2, %dma_wait3A_11] : memref<160000x16xf32, #tpu.memory_space<hbm>> -> memref<5000x16xf32, #tpu.memory_space<hbm>>
      %dma_wait3A_13 = arith.constant 0 : i32
      %dma_wait3A_14 = tpu.memref_slice %arg4[%mul3A_2, %dma_wait3A_13] : memref<160000x16xf32, #tpu.memory_space<hbm>> -> memref<5000x16xf32, #tpu.memory_space<hbm>>
      tpu.wait_dma2 semaphore(%run_scoped3A : memref<!tpu.dma_semaphore, #tpu.memory_space<semaphore_mem>>) src(%arg6 : memref<5000x16xf32, #tpu.memory_space<vmem>>) dst(%dma_wait3A_14 : memref<5000x16xf32, #tpu.memory_space<hbm>>)
      tpu.yield
    }) : () -> ()
    return
  }
}

#map = affine_map<(d0, d1) -> (0, 0)>
#map1 = affine_map<(d0, d1) -> (0)>
#map2 = affine_map<(d0, d1) -> (0, 0, 0)>
module attributes {stable_mosaic.version = 14 : i64} {
  func.func @k(%arg0: i32, %arg1: i32, %arg2: memref<160000x16xf32, #tpu.memory_space<hbm>>, %arg3: memref<160000xi32, #tpu.memory_space<hbm>>, %arg4: memref<10016x16xf32, #tpu.memory_space<hbm>>, %arg5: memref<2x10000x16xf32, #tpu.memory_space<hbm>>, %arg6: memref<5000x16xf32, #tpu.memory_space<vmem>>, %arg7: memref<5000xi32, #tpu.memory_space<vmem>>, %arg8: memref<10016x16xf32, #tpu.memory_space<vmem_shared>>) attributes {dimension_semantics = [#tpu.dimension_semantics<core_parallel>, #tpu.dimension_semantics<subcore_parallel>], iteration_bounds = array<i64: 2, 16>, scalar_prefetch = 0 : i64, scratch_operands = 3 : i64, tpu.core_type = #tpu.core_type<sc_vector_subcore>, window_params = [{transform_indices = #map}, {transform_indices = #map1}, {transform_indices = #map}, {transform_indices = #map2}]} {
    %eq3A = arith.constant 0 : i32
    %eq3A_0 = arith.cmpi eq, %arg1, %eq3A : i32
    %convert_element_type3A = arith.extui %eq3A_0 : i1 to i32
    %cond3A = arith.constant 0 : i32
    %cond3A_1 = arith.cmpi ne, %convert_element_type3A, %cond3A : i32
    scf.if %cond3A_1 {
      "tpu.region"() ({
        %run_scoped3A = tpu.sem_alloc : memref<!tpu.dma_semaphore, #tpu.memory_space<semaphore_mem>>
        tpu.enqueue_dma source(%arg4 : memref<10016x16xf32, #tpu.memory_space<hbm>>) target(%arg8 : memref<10016x16xf32, #tpu.memory_space<vmem_shared>>) target_semaphore(%run_scoped3A : memref<!tpu.dma_semaphore, #tpu.memory_space<semaphore_mem>>)
        tpu.wait_dma2 semaphore(%run_scoped3A : memref<!tpu.dma_semaphore, #tpu.memory_space<semaphore_mem>>) src(%arg4 : memref<10016x16xf32, #tpu.memory_space<hbm>>) dst(%arg8 : memref<10016x16xf32, #tpu.memory_space<vmem_shared>>)
        tpu.yield
      }) : () -> ()
    } else {
    }
    %barrier3A = arith.constant 0 : index
    tpu.barrier barrier_id(%barrier3A)
    %mul3A = arith.constant 2 : i32
    %mul3A_2 = arith.muli %arg1, %mul3A : i32
    %add3A = arith.addi %mul3A_2, %arg0 : i32
    %mul3A_3 = arith.constant 5000 : i32
    %mul3A_4 = arith.muli %add3A, %mul3A_3 : i32
    "tpu.region"() ({
      %run_scoped3A = tpu.sem_alloc : memref<!tpu.dma_semaphore, #tpu.memory_space<semaphore_mem>>
      %dma_start3A = arith.constant 0 : i32
      %dma_start3A_8 = tpu.memref_slice %arg2[%mul3A_4, %dma_start3A] : memref<160000x16xf32, #tpu.memory_space<hbm>> -> memref<5000x16xf32, #tpu.memory_space<hbm>>
      %dma_start3A_9 = arith.constant 0 : i32
      %dma_start3A_10 = tpu.memref_slice %arg2[%mul3A_4, %dma_start3A_9] : memref<160000x16xf32, #tpu.memory_space<hbm>> -> memref<5000x16xf32, #tpu.memory_space<hbm>>
      tpu.enqueue_dma source(%dma_start3A_10 : memref<5000x16xf32, #tpu.memory_space<hbm>>) target(%arg6 : memref<5000x16xf32, #tpu.memory_space<vmem>>) target_semaphore(%run_scoped3A : memref<!tpu.dma_semaphore, #tpu.memory_space<semaphore_mem>>)
      %dma_wait3A = arith.constant 0 : i32
      %dma_wait3A_11 = tpu.memref_slice %arg2[%mul3A_4, %dma_wait3A] : memref<160000x16xf32, #tpu.memory_space<hbm>> -> memref<5000x16xf32, #tpu.memory_space<hbm>>
      %dma_wait3A_12 = arith.constant 0 : i32
      %dma_wait3A_13 = tpu.memref_slice %arg2[%mul3A_4, %dma_wait3A_12] : memref<160000x16xf32, #tpu.memory_space<hbm>> -> memref<5000x16xf32, #tpu.memory_space<hbm>>
      tpu.wait_dma2 semaphore(%run_scoped3A : memref<!tpu.dma_semaphore, #tpu.memory_space<semaphore_mem>>) src(%dma_wait3A_13 : memref<5000x16xf32, #tpu.memory_space<hbm>>) dst(%arg6 : memref<5000x16xf32, #tpu.memory_space<vmem>>)
      tpu.yield
    }) : () -> ()
    "tpu.region"() ({
      %run_scoped3A = tpu.sem_alloc : memref<!tpu.dma_semaphore, #tpu.memory_space<semaphore_mem>>
      %dma_start3A = tpu.memref_slice %arg3[%mul3A_4] : memref<160000xi32, #tpu.memory_space<hbm>> -> memref<5000xi32, #tpu.memory_space<hbm>>
      %dma_start3A_8 = tpu.memref_slice %arg3[%mul3A_4] : memref<160000xi32, #tpu.memory_space<hbm>> -> memref<5000xi32, #tpu.memory_space<hbm>>
      tpu.enqueue_dma source(%dma_start3A_8 : memref<5000xi32, #tpu.memory_space<hbm>>) target(%arg7 : memref<5000xi32, #tpu.memory_space<vmem>>) target_semaphore(%run_scoped3A : memref<!tpu.dma_semaphore, #tpu.memory_space<semaphore_mem>>)
      %dma_wait3A = tpu.memref_slice %arg3[%mul3A_4] : memref<160000xi32, #tpu.memory_space<hbm>> -> memref<5000xi32, #tpu.memory_space<hbm>>
      %dma_wait3A_9 = tpu.memref_slice %arg3[%mul3A_4] : memref<160000xi32, #tpu.memory_space<hbm>> -> memref<5000xi32, #tpu.memory_space<hbm>>
      tpu.wait_dma2 semaphore(%run_scoped3A : memref<!tpu.dma_semaphore, #tpu.memory_space<semaphore_mem>>) src(%dma_wait3A_9 : memref<5000xi32, #tpu.memory_space<hbm>>) dst(%arg7 : memref<5000xi32, #tpu.memory_space<vmem>>)
      tpu.yield
    }) : () -> ()
    "tpu.region"() ({
      %run_scoped3A = tpu.sem_alloc : memref<!tpu.dma_semaphore, #tpu.memory_space<semaphore_mem>>
      %dma_start3A = arith.constant 0 : i32
      %dma_start3A_8 = arith.constant 0 : i32
      %dma_start3A_9 = tpu.memref_slice %arg8[%dma_start3A, %dma_start3A_8] : memref<10016x16xf32, #tpu.memory_space<vmem_shared>> -> memref<10016x16xf32, #tpu.memory_space<vmem_shared>>
      tpu.enqueue_indirect_dma source(%arg6 : memref<5000x16xf32, #tpu.memory_space<vmem>>) target(%dma_start3A_9 : memref<10016x16xf32, #tpu.memory_space<vmem_shared>>) offsets(%arg7 : memref<5000xi32, #tpu.memory_space<vmem>>) semaphore(%run_scoped3A : memref<!tpu.dma_semaphore, #tpu.memory_space<semaphore_mem>>) {add = true}
      %dma_wait3A = arith.constant 0 : i32
      %dma_wait3A_10 = arith.constant 0 : i32
      %dma_wait3A_11 = tpu.memref_slice %arg8[%dma_wait3A, %dma_wait3A_10] : memref<10016x16xf32, #tpu.memory_space<vmem_shared>> -> memref<10016x16xf32, #tpu.memory_space<vmem_shared>>
      tpu.wait_indirect_dma semaphore(%run_scoped3A : memref<!tpu.dma_semaphore, #tpu.memory_space<semaphore_mem>>) src(%arg6 : memref<5000x16xf32, #tpu.memory_space<vmem>>) dst(%dma_wait3A_11 : memref<10016x16xf32, #tpu.memory_space<vmem_shared>>)
      tpu.yield
    }) : () -> ()
    %barrier3A_5 = arith.constant 0 : index
    tpu.barrier barrier_id(%barrier3A_5)
    %mul3A_6 = arith.constant 625 : i32
    %mul3A_7 = arith.muli %arg1, %mul3A_6 : i32
    "tpu.region"() ({
      %run_scoped3A = tpu.sem_alloc : memref<!tpu.dma_semaphore, #tpu.memory_space<semaphore_mem>>
      %dma_start3A = arith.constant 0 : i32
      %dma_start3A_8 = tpu.memref_slice %arg5[%arg0, %mul3A_7, %dma_start3A] : memref<2x10000x16xf32, #tpu.memory_space<hbm>> -> memref<1x625x16xf32, #tpu.memory_space<hbm>>
      %dma_start3A_9 = tpu.memref_squeeze %dma_start3A_8 : memref<1x625x16xf32, #tpu.memory_space<hbm>> -> memref<625x16xf32, #tpu.memory_space<hbm>>
      %dma_start3A_10 = arith.constant 0 : i32
      %dma_start3A_11 = tpu.memref_slice %arg8[%mul3A_7, %dma_start3A_10] : memref<10016x16xf32, #tpu.memory_space<vmem_shared>> -> memref<625x16xf32, #tpu.memory_space<vmem_shared>>
      tpu.enqueue_dma source(%dma_start3A_11 : memref<625x16xf32, #tpu.memory_space<vmem_shared>>) target(%dma_start3A_9 : memref<625x16xf32, #tpu.memory_space<hbm>>) target_semaphore(%run_scoped3A : memref<!tpu.dma_semaphore, #tpu.memory_space<semaphore_mem>>)
      %dma_wait3A = arith.constant 0 : i32
      %dma_wait3A_12 = tpu.memref_slice %arg5[%arg0, %mul3A_7, %dma_wait3A] : memref<2x10000x16xf32, #tpu.memory_space<hbm>> -> memref<1x625x16xf32, #tpu.memory_space<hbm>>
      %dma_wait3A_13 = tpu.memref_squeeze %dma_wait3A_12 : memref<1x625x16xf32, #tpu.memory_space<hbm>> -> memref<625x16xf32, #tpu.memory_space<hbm>>
      %dma_wait3A_14 = arith.constant 0 : i32
      %dma_wait3A_15 = tpu.memref_slice %arg8[%mul3A_7, %dma_wait3A_14] : memref<10016x16xf32, #tpu.memory_space<vmem_shared>> -> memref<625x16xf32, #tpu.memory_space<vmem_shared>>
      tpu.wait_dma2 semaphore(%run_scoped3A : memref<!tpu.dma_semaphore, #tpu.memory_space<semaphore_mem>>) src(%dma_wait3A_15 : memref<625x16xf32, #tpu.memory_space<vmem_shared>>) dst(%dma_wait3A_13 : memref<625x16xf32, #tpu.memory_space<hbm>>)
      tpu.yield
    }) : () -> ()
    return
  }
}

module attributes {stable_mosaic.version = 14 : i64} {
  func.func @_edge_body(%arg0: i32, %arg1: memref<2000x16xf32, #tpu.memory_space<vmem>>, %arg2: memref<2000x16xf32, #tpu.memory_space<vmem>>, %arg3: memref<2000x16xf32, #tpu.memory_space<vmem>>, %arg4: memref<4x256xbf16, #tpu.memory_space<vmem>>, %arg5: memref<1x256xf32, #tpu.memory_space<vmem>>, %arg6: memref<1x256xf32, #tpu.memory_space<vmem>>, %arg7: memref<256x256xbf16, #tpu.memory_space<vmem>>, %arg8: memref<1x256xf32, #tpu.memory_space<vmem>>, %arg9: memref<256x256xbf16, #tpu.memory_space<vmem>>, %arg10: memref<1x256xf32, #tpu.memory_space<vmem>>, %arg11: memref<256x16xf32, #tpu.memory_space<vmem>>, %arg12: memref<16x16xf32, #tpu.memory_space<vmem>>, %arg13: memref<16x1xf32, #tpu.memory_space<vmem>>, %arg14: memref<2000x16xf32, #tpu.memory_space<vmem>>, %arg15: memref<2000x4xf32, #tpu.memory_space<vmem>>) attributes {dimension_semantics = [#tpu.dimension_semantics<arbitrary>], iteration_bounds = array<i64: 80>, scalar_prefetch = 0 : i64, scratch_operands = 0 : i64, tpu.core_type = #tpu.core_type<tc>, window_params = [{transform_indices = @transform_0, window_bounds = array<i64: 2000, 16>}, {transform_indices = @transform_1, window_bounds = array<i64: 2000, 16>}, {transform_indices = @transform_2, window_bounds = array<i64: 2000, 16>}, {pipeline_mode = #tpu.pipeline_mode<synchronous>, transform_indices = @transform_3, window_bounds = array<i64: 4, 256>}, {pipeline_mode = #tpu.pipeline_mode<synchronous>, transform_indices = @transform_4, window_bounds = array<i64: 1, 256>}, {pipeline_mode = #tpu.pipeline_mode<synchronous>, transform_indices = @transform_5, window_bounds = array<i64: 1, 256>}, {pipeline_mode = #tpu.pipeline_mode<synchronous>, transform_indices = @transform_6, window_bounds = array<i64: 256, 256>}, {pipeline_mode = #tpu.pipeline_mode<synchronous>, transform_indices = @transform_7, window_bounds = array<i64: 1, 256>}, {pipeline_mode = #tpu.pipeline_mode<synchronous>, transform_indices = @transform_8, window_bounds = array<i64: 256, 256>}, {pipeline_mode = #tpu.pipeline_mode<synchronous>, transform_indices = @transform_9, window_bounds = array<i64: 1, 256>}, {pipeline_mode = #tpu.pipeline_mode<synchronous>, transform_indices = @transform_10, window_bounds = array<i64: 256, 16>}, {pipeline_mode = #tpu.pipeline_mode<synchronous>, transform_indices = @transform_11, window_bounds = array<i64: 16, 16>}, {pipeline_mode = #tpu.pipeline_mode<synchronous>, transform_indices = @transform_12, window_bounds = array<i64: 16, 1>}, {transform_indices = @transform_13, window_bounds = array<i64: 2000, 16>}, {transform_indices = @transform_14, window_bounds = array<i64: 2000, 4>}]} {
    %get3A = arith.constant 0 : index
    %get3A_0 = arith.constant 0 : index
    %get3A_1 = vector.load %arg4[%get3A, %get3A_0] : memref<4x256xbf16, #tpu.memory_space<vmem>>, vector<4x256xbf16>
    %get3A_2 = arith.constant 0 : index
    %get3A_3 = arith.constant 0 : index
    %get3A_4 = vector.load %arg5[%get3A_2, %get3A_3] : memref<1x256xf32, #tpu.memory_space<vmem>>, vector<1x256xf32>
    %get3A_5 = arith.constant 0 : index
    %get3A_6 = arith.constant 0 : index
    %get3A_7 = vector.load %arg6[%get3A_5, %get3A_6] : memref<1x256xf32, #tpu.memory_space<vmem>>, vector<1x256xf32>
    %get3A_8 = arith.constant 0 : index
    %get3A_9 = arith.constant 0 : index
    %get3A_10 = vector.load %arg7[%get3A_8, %get3A_9] : memref<256x256xbf16, #tpu.memory_space<vmem>>, vector<256x256xbf16>
    %get3A_11 = arith.constant 0 : index
    %get3A_12 = arith.constant 0 : index
    %get3A_13 = vector.load %arg8[%get3A_11, %get3A_12] : memref<1x256xf32, #tpu.memory_space<vmem>>, vector<1x256xf32>
    %get3A_14 = arith.constant 0 : index
    %get3A_15 = arith.constant 0 : index
    %get3A_16 = vector.load %arg9[%get3A_14, %get3A_15] : memref<256x256xbf16, #tpu.memory_space<vmem>>, vector<256x256xbf16>
    %get3A_17 = arith.constant 0 : index
    %get3A_18 = arith.constant 0 : index
    %get3A_19 = vector.load %arg10[%get3A_17, %get3A_18] : memref<1x256xf32, #tpu.memory_space<vmem>>, vector<1x256xf32>
    %get3A_20 = arith.constant 0 : index
    %get3A_21 = arith.constant 0 : index
    %get3A_22 = vector.load %arg11[%get3A_20, %get3A_21] : memref<256x16xf32, #tpu.memory_space<vmem>>, vector<256x16xf32>
    %get3A_23 = arith.constant 0 : index
    %get3A_24 = arith.constant 0 : index
    %get3A_25 = vector.load %arg2[%get3A_23, %get3A_24] : memref<2000x16xf32, #tpu.memory_space<vmem>>, vector<2000x16xf32>
    %get3A_26 = arith.constant 0 : index
    %get3A_27 = arith.constant 0 : index
    %get3A_28 = vector.load %arg1[%get3A_26, %get3A_27] : memref<2000x16xf32, #tpu.memory_space<vmem>>, vector<2000x16xf32>
    %sub3A = arith.subf %get3A_25, %get3A_28 : vector<2000x16xf32>
    %slice3A = vector.extract_strided_slice %sub3A {offsets = [0, 0], sizes = [2000, 1], strides = [1, 1]} : vector<2000x16xf32> to vector<2000x1xf32>
    %slice3A_29 = vector.extract_strided_slice %sub3A {offsets = [0, 1], sizes = [2000, 1], strides = [1, 1]} : vector<2000x16xf32> to vector<2000x1xf32>
    %slice3A_30 = vector.extract_strided_slice %sub3A {offsets = [0, 2], sizes = [2000, 1], strides = [1, 1]} : vector<2000x16xf32> to vector<2000x1xf32>
    %mul3A = arith.mulf %slice3A, %slice3A : vector<2000x1xf32>
    %mul3A_31 = arith.mulf %slice3A_29, %slice3A_29 : vector<2000x1xf32>
    %add3A = arith.addf %mul3A, %mul3A_31 : vector<2000x1xf32>
    %mul3A_32 = arith.mulf %slice3A_30, %slice3A_30 : vector<2000x1xf32>
    %add3A_33 = arith.addf %add3A, %mul3A_32 : vector<2000x1xf32>
    %gt3A = arith.constant 0.000000e+00 : f32
    %gt3A_34 = vector.broadcast %gt3A : f32 to vector<2000x1xf32>
    %gt3A_35 = arith.cmpf ogt, %add3A_33, %gt3A_34 : vector<2000x1xf32>
    %jit3A = arith.constant 1.000000e+00 : f32
    %broadcast_in_dim3A = vector.broadcast %jit3A : f32 to vector<2000x1xf32>
    %select_n3A = arith.select %gt3A_35, %add3A_33, %broadcast_in_dim3A : vector<2000x1xi1>, vector<2000x1xf32>
    %sqrt3A = math.sqrt %select_n3A : vector<2000x1xf32>
    %jit3A_36 = arith.constant 0.000000e+00 : f32
    %broadcast_in_dim3A_37 = vector.broadcast %jit3A_36 : f32 to vector<2000x1xf32>
    %select_n3A_38 = arith.select %gt3A_35, %sqrt3A, %broadcast_in_dim3A_37 : vector<2000x1xi1>, vector<2000x1xf32>
    %eq3A = arith.constant 0.000000e+00 : f32
    %eq3A_39 = vector.broadcast %eq3A : f32 to vector<2000x1xf32>
    %eq3A_40 = arith.cmpf oeq, %slice3A, %eq3A_39 : vector<2000x1xf32>
    %eq3A_41 = arith.constant 0.000000e+00 : f32
    %eq3A_42 = vector.broadcast %eq3A_41 : f32 to vector<2000x1xf32>
    %eq3A_43 = arith.cmpf oeq, %slice3A_29, %eq3A_42 : vector<2000x1xf32>
    %and3A = arith.andi %eq3A_40, %eq3A_43 : vector<2000x1xi1>
    %jit3A_44 = arith.constant 1.000000e+00 : f32
    %broadcast_in_dim3A_45 = vector.broadcast %jit3A_44 : f32 to vector<2000x1xf32>
    %select_n3A_46 = arith.select %and3A, %broadcast_in_dim3A_45, %slice3A : vector<2000x1xi1>, vector<2000x1xf32>
    %atan23A = math.atan2 %slice3A_29, %select_n3A_46 : vector<2000x1xf32>
    %eq3A_47 = arith.constant 0.000000e+00 : f32
    %eq3A_48 = vector.broadcast %eq3A_47 : f32 to vector<2000x1xf32>
    %eq3A_49 = arith.cmpf oeq, %select_n3A_38, %eq3A_48 : vector<2000x1xf32>
    %jit3A_50 = arith.constant 1.000000e+00 : f32
    %broadcast_in_dim3A_51 = vector.broadcast %jit3A_50 : f32 to vector<2000x1xf32>
    %select_n3A_52 = arith.select %eq3A_49, %broadcast_in_dim3A_51, %select_n3A_38 : vector<2000x1xi1>, vector<2000x1xf32>
    %div3A = arith.divf %slice3A_30, %select_n3A_52 : vector<2000x1xf32>
    %sub3A_53 = arith.constant 1.000000e+00 : f32
    %sub3A_54 = vector.broadcast %sub3A_53 : f32 to vector<2000x1xf32>
    %sub3A_55 = arith.subf %sub3A_54, %div3A : vector<2000x1xf32>
    %add3A_56 = arith.constant 1.000000e+00 : f32
    %add3A_57 = vector.broadcast %add3A_56 : f32 to vector<2000x1xf32>
    %add3A_58 = arith.addf %div3A, %add3A_57 : vector<2000x1xf32>
    %mul3A_59 = arith.mulf %sub3A_55, %add3A_58 : vector<2000x1xf32>
    %sqrt3A_60 = math.sqrt %mul3A_59 : vector<2000x1xf32>
    %add3A_61 = arith.constant 1.000000e+00 : f32
    %add3A_62 = vector.broadcast %add3A_61 : f32 to vector<2000x1xf32>
    %add3A_63 = arith.addf %sqrt3A_60, %add3A_62 : vector<2000x1xf32>
    %atan23A_64 = math.atan2 %div3A, %add3A_63 : vector<2000x1xf32>
    %add3A_65 = arith.addf %atan23A_64, %atan23A_64 : vector<2000x1xf32>
    %mul3A_66 = arith.constant 0.318309873 : f32
    %mul3A_67 = vector.broadcast %mul3A_66 : f32 to vector<2000x1xf32>
    %mul3A_68 = arith.mulf %atan23A, %mul3A_67 : vector<2000x1xf32>
    %mul3A_69 = arith.constant 0.318309873 : f32
    %mul3A_70 = vector.broadcast %mul3A_69 : f32 to vector<2000x1xf32>
    %mul3A_71 = arith.mulf %add3A_65, %mul3A_70 : vector<2000x1xf32>
    %broadcast_in_dim3A_72 = arith.constant 0.000000e+00 : f32
    %broadcast_in_dim3A_73 = vector.broadcast %broadcast_in_dim3A_72 : f32 to vector<2000x1xf32>
    %concatenate3A = tpu.concatenate %select_n3A_38, %mul3A_68, %mul3A_71, %broadcast_in_dim3A_73 in 1 : vector<2000x1xf32>, vector<2000x1xf32>, vector<2000x1xf32>, vector<2000x1xf32> -> vector<2000x4xf32>
    %swap3A = arith.constant 0 : index
    %swap3A_74 = arith.constant 0 : index
    %swap3A_75 = vector.load %arg15[%swap3A, %swap3A_74] : memref<2000x4xf32, #tpu.memory_space<vmem>>, vector<2000x4xf32>
    tpu.vector_store %arg15[%swap3A, %swap3A_74], %concatenate3A {strides = array<i32>} : memref<2000x4xf32, #tpu.memory_space<vmem>>, vector<2000x4xf32>,
    %convert_element_type3A = arith.truncf %concatenate3A : vector<2000x4xf32> to vector<2000x4xbf16>
    %dot_general3A = arith.constant dense<0.000000e+00> : vector<2000x256xf32>
    %dot_general3A_76 = tpu.matmul %convert_element_type3A, %get3A_1, %dot_general3A {dimension_numbers = #tpu.dot_dimension_numbers<[1], [0], [0], [1], [0, 0, 1, 1], [], []>, transpose_lhs_hint = false} : vector<2000x4xbf16>, vector<4x256xbf16>, vector<2000x256xf32> -> vector<2000x256xf32>
    %add3A_77 = vector.broadcast %get3A_4 : vector<1x256xf32> to vector<2000x256xf32>
    %add3A_78 = arith.addf %dot_general3A_76, %add3A_77 : vector<2000x256xf32>
    %add3A_79 = vector.broadcast %get3A_7 : vector<1x256xf32> to vector<2000x256xf32>
    %add3A_80 = arith.addf %add3A_78, %add3A_79 : vector<2000x256xf32>
    %mul3A_81 = arith.constant 1.000000e+02 : f32
    %mul3A_82 = vector.broadcast %mul3A_81 : f32 to vector<2000x256xf32>
    %mul3A_83 = arith.mulf %add3A_80, %mul3A_82 : vector<2000x256xf32>
    %sin3A = math.sin %mul3A_83 : vector<2000x256xf32>
    %convert_element_type3A_84 = arith.truncf %sin3A : vector<2000x256xf32> to vector<2000x256xbf16>
    %dot_general3A_85 = arith.constant dense<0.000000e+00> : vector<2000x256xf32>
    %dot_general3A_86 = tpu.matmul %convert_element_type3A_84, %get3A_10, %dot_general3A_85 {dimension_numbers = #tpu.dot_dimension_numbers<[1], [0], [0], [1], [0, 0, 1, 1], [], []>, transpose_lhs_hint = false} : vector<2000x256xbf16>, vector<256x256xbf16>, vector<2000x256xf32> -> vector<2000x256xf32>
    %add3A_87 = vector.broadcast %get3A_13 : vector<1x256xf32> to vector<2000x256xf32>
    %add3A_88 = arith.addf %dot_general3A_86, %add3A_87 : vector<2000x256xf32>
    %mul3A_89 = arith.constant 1.000000e+02 : f32
    %mul3A_90 = vector.broadcast %mul3A_89 : f32 to vector<2000x256xf32>
    %mul3A_91 = arith.mulf %add3A_88, %mul3A_90 : vector<2000x256xf32>
    %sin3A_92 = math.sin %mul3A_91 : vector<2000x256xf32>
    %convert_element_type3A_93 = arith.truncf %sin3A_92 : vector<2000x256xf32> to vector<2000x256xbf16>
    %dot_general3A_94 = arith.constant dense<0.000000e+00> : vector<2000x256xf32>
    %dot_general3A_95 = tpu.matmul %convert_element_type3A_93, %get3A_16, %dot_general3A_94 {dimension_numbers = #tpu.dot_dimension_numbers<[1], [0], [0], [1], [0, 0, 1, 1], [], []>, transpose_lhs_hint = false} : vector<2000x256xbf16>, vector<256x256xbf16>, vector<2000x256xf32> -> vector<2000x256xf32>
    %add3A_96 = vector.broadcast %get3A_19 : vector<1x256xf32> to vector<2000x256xf32>
    %add3A_97 = arith.addf %dot_general3A_95, %add3A_96 : vector<2000x256xf32>
    %mul3A_98 = arith.constant 1.000000e+02 : f32
    %mul3A_99 = vector.broadcast %mul3A_98 : f32 to vector<2000x256xf32>
    %mul3A_100 = arith.mulf %add3A_97, %mul3A_99 : vector<2000x256xf32>
    %sin3A_101 = math.sin %mul3A_100 : vector<2000x256xf32>
    %convert_element_type3A_102 = arith.truncf %sin3A_101 : vector<2000x256xf32> to vector<2000x256xbf16>
    %convert_element_type3A_103 = arith.extf %convert_element_type3A_102 : vector<2000x256xbf16> to vector<2000x256xf32>
    %get3A_104 = arith.constant 0 : index
    %get3A_105 = arith.constant 0 : index
    %get3A_106 = vector.load %arg3[%get3A_104, %get3A_105] : memref<2000x16xf32, #tpu.memory_space<vmem>>, vector<2000x16xf32>
    %get3A_107 = arith.constant 0 : index
    %get3A_108 = arith.constant 0 : index
    %get3A_109 = vector.load %arg12[%get3A_107, %get3A_108] : memref<16x16xf32, #tpu.memory_space<vmem>>, vector<16x16xf32>
    %dot_general3A_110 = arith.constant dense<0.000000e+00> : vector<2000x16xf32>
    %dot_general3A_111 = tpu.matmul %get3A_106, %get3A_109, %dot_general3A_110 {dimension_numbers = #tpu.dot_dimension_numbers<[1], [0], [0], [1], [0, 0, 1, 1], [], []>, precision = #tpu.contract_precision<fp32>, transpose_lhs_hint = false} : vector<2000x16xf32>, vector<16x16xf32>, vector<2000x16xf32> -> vector<2000x16xf32>
    %get3A_112 = arith.constant 0 : index
    %get3A_113 = arith.constant 0 : index
    %get3A_114 = vector.load %arg13[%get3A_112, %get3A_113] : memref<16x1xf32, #tpu.memory_space<vmem>>, vector<16x1xf32>
    %dot_general3A_115 = arith.constant dense<0.000000e+00> : vector<2000x1xf32>
    %dot_general3A_116 = tpu.matmul %get3A_106, %get3A_114, %dot_general3A_115 {dimension_numbers = #tpu.dot_dimension_numbers<[1], [0], [0], [1], [0, 0, 1, 1], [], []>, precision = #tpu.contract_precision<fp32>, transpose_lhs_hint = false} : vector<2000x16xf32>, vector<16x1xf32>, vector<2000x1xf32> -> vector<2000x1xf32>
    %tile3A = tpu.concatenate %dot_general3A_111, %dot_general3A_111, %dot_general3A_111, %dot_general3A_111, %dot_general3A_111, %dot_general3A_111, %dot_general3A_111, %dot_general3A_111, %dot_general3A_111, %dot_general3A_111, %dot_general3A_111, %dot_general3A_111, %dot_general3A_111, %dot_general3A_111, %dot_general3A_111, %dot_general3A_111 in 1 : vector<2000x16xf32>, vector<2000x16xf32>, vector<2000x16xf32>, vector<2000x16xf32>, vector<2000x16xf32>, vector<2000x16xf32>, vector<2000x16xf32>, vector<2000x16xf32>, vector<2000x16xf32>, vector<2000x16xf32>, vector<2000x16xf32>, vector<2000x16xf32>, vector<2000x16xf32>, vector<2000x16xf32>, vector<2000x16xf32>, vector<2000x16xf32> -> vector<2000x256xf32>
    %mul3A_117 = arith.mulf %convert_element_type3A_103, %tile3A : vector<2000x256xf32>
    %dot_general3A_118 = arith.constant dense<0.000000e+00> : vector<2000x16xf32>
    %dot_general3A_119 = tpu.matmul %mul3A_117, %get3A_22, %dot_general3A_118 {dimension_numbers = #tpu.dot_dimension_numbers<[1], [0], [0], [1], [0, 0, 1, 1], [], []>, precision = #tpu.contract_precision<fp32>, transpose_lhs_hint = false} : vector<2000x256xf32>, vector<256x16xf32>, vector<2000x16xf32> -> vector<2000x16xf32>
    %add3A_120 = vector.broadcast %dot_general3A_116 : vector<2000x1xf32> to vector<2000x16xf32>
    %add3A_121 = arith.addf %dot_general3A_119, %add3A_120 : vector<2000x16xf32>
    %swap3A_122 = arith.constant 0 : index
    %swap3A_123 = arith.constant 0 : index
    %swap3A_124 = vector.load %arg14[%swap3A_122, %swap3A_123] : memref<2000x16xf32, #tpu.memory_space<vmem>>, vector<2000x16xf32>
    tpu.vector_store %arg14[%swap3A_122, %swap3A_123], %add3A_121 {strides = array<i32>} : memref<2000x16xf32, #tpu.memory_space<vmem>>, vector<2000x16xf32>,
    return
  }
  func.func @transform_0(%arg0: i32) -> (i32, i32) {
    %c0_i32 = arith.constant 0 : i32
    %c0_i32_0 = arith.constant 0 : i32
    return %arg0, %c0_i32 : i32, i32
  }
  func.func @transform_1(%arg0: i32) -> (i32, i32) {
    %c0_i32 = arith.constant 0 : i32
    %c0_i32_0 = arith.constant 0 : i32
    return %arg0, %c0_i32 : i32, i32
  }
  func.func @transform_2(%arg0: i32) -> (i32, i32) {
    %c0_i32 = arith.constant 0 : i32
    %c0_i32_0 = arith.constant 0 : i32
    return %arg0, %c0_i32 : i32, i32
  }
  func.func @transform_3(%arg0: i32) -> (i32, i32) {
    %c0_i32 = arith.constant 0 : i32
    %c0_i32_0 = arith.constant 0 : i32
    %c0_i32_1 = arith.constant 0 : i32
    return %c0_i32, %c0_i32_0 : i32, i32
  }
  func.func @transform_4(%arg0: i32) -> (i32, i32) {
    %c0_i32 = arith.constant 0 : i32
    %c0_i32_0 = arith.constant 0 : i32
    %c0_i32_1 = arith.constant 0 : i32
    return %c0_i32, %c0_i32_0 : i32, i32
  }
  func.func @transform_5(%arg0: i32) -> (i32, i32) {
    %c0_i32 = arith.constant 0 : i32
    %c0_i32_0 = arith.constant 0 : i32
    %c0_i32_1 = arith.constant 0 : i32
    return %c0_i32, %c0_i32_0 : i32, i32
  }
  func.func @transform_6(%arg0: i32) -> (i32, i32) {
    %c0_i32 = arith.constant 0 : i32
    %c0_i32_0 = arith.constant 0 : i32
    %c0_i32_1 = arith.constant 0 : i32
    return %c0_i32, %c0_i32_0 : i32, i32
  }
  func.func @transform_7(%arg0: i32) -> (i32, i32) {
    %c0_i32 = arith.constant 0 : i32
    %c0_i32_0 = arith.constant 0 : i32
    %c0_i32_1 = arith.constant 0 : i32
    return %c0_i32, %c0_i32_0 : i32, i32
  }
  func.func @transform_8(%arg0: i32) -> (i32, i32) {
    %c0_i32 = arith.constant 0 : i32
    %c0_i32_0 = arith.constant 0 : i32
    %c0_i32_1 = arith.constant 0 : i32
    return %c0_i32, %c0_i32_0 : i32, i32
  }
  func.func @transform_9(%arg0: i32) -> (i32, i32) {
    %c0_i32 = arith.constant 0 : i32
    %c0_i32_0 = arith.constant 0 : i32
    %c0_i32_1 = arith.constant 0 : i32
    return %c0_i32, %c0_i32_0 : i32, i32
  }
  func.func @transform_10(%arg0: i32) -> (i32, i32) {
    %c0_i32 = arith.constant 0 : i32
    %c0_i32_0 = arith.constant 0 : i32
    %c0_i32_1 = arith.constant 0 : i32
    return %c0_i32, %c0_i32_0 : i32, i32
  }
  func.func @transform_11(%arg0: i32) -> (i32, i32) {
    %c0_i32 = arith.constant 0 : i32
    %c0_i32_0 = arith.constant 0 : i32
    %c0_i32_1 = arith.constant 0 : i32
    return %c0_i32, %c0_i32_0 : i32, i32
  }
  func.func @transform_12(%arg0: i32) -> (i32, i32) {
    %c0_i32 = arith.constant 0 : i32
    %c0_i32_0 = arith.constant 0 : i32
    %c0_i32_1 = arith.constant 0 : i32
    return %c0_i32, %c0_i32_0 : i32, i32
  }
  func.func @transform_13(%arg0: i32) -> (i32, i32) {
    %c0_i32 = arith.constant 0 : i32
    %c0_i32_0 = arith.constant 0 : i32
    return %arg0, %c0_i32 : i32, i32
  }
  func.func @transform_14(%arg0: i32) -> (i32, i32) {
    %c0_i32 = arith.constant 0 : i32
    %c0_i32_0 = arith.constant 0 : i32
    return %arg0, %c0_i32 : i32, i32
  }
}

module attributes {stable_mosaic.version = 14 : i64} {
  func.func @_node_body(%arg0: i32, %arg1: memref<2x2000x16xf32, #tpu.memory_space<vmem>>, %arg2: memref<2000x16xf32, #tpu.memory_space<vmem>>, %arg3: memref<4x256xbf16, #tpu.memory_space<vmem>>, %arg4: memref<1x256xf32, #tpu.memory_space<vmem>>, %arg5: memref<1x256xf32, #tpu.memory_space<vmem>>, %arg6: memref<256x256xbf16, #tpu.memory_space<vmem>>, %arg7: memref<1x256xf32, #tpu.memory_space<vmem>>, %arg8: memref<256x256xbf16, #tpu.memory_space<vmem>>, %arg9: memref<1x256xf32, #tpu.memory_space<vmem>>, %arg10: memref<256x16xf32, #tpu.memory_space<vmem>>, %arg11: memref<16x16xf32, #tpu.memory_space<vmem>>, %arg12: memref<16x1xf32, #tpu.memory_space<vmem>>, %arg13: memref<1x16xf32, #tpu.memory_space<vmem>>, %arg14: memref<2000x16xf32, #tpu.memory_space<vmem>>) attributes {dimension_semantics = [#tpu.dimension_semantics<arbitrary>], iteration_bounds = array<i64: 5>, scalar_prefetch = 0 : i64, scratch_operands = 0 : i64, tpu.core_type = #tpu.core_type<tc>, window_params = [{transform_indices = @transform_0, window_bounds = array<i64: 2, 2000, 16>}, {transform_indices = @transform_1, window_bounds = array<i64: 2000, 16>}, {pipeline_mode = #tpu.pipeline_mode<synchronous>, transform_indices = @transform_2, window_bounds = array<i64: 4, 256>}, {pipeline_mode = #tpu.pipeline_mode<synchronous>, transform_indices = @transform_3, window_bounds = array<i64: 1, 256>}, {pipeline_mode = #tpu.pipeline_mode<synchronous>, transform_indices = @transform_4, window_bounds = array<i64: 1, 256>}, {pipeline_mode = #tpu.pipeline_mode<synchronous>, transform_indices = @transform_5, window_bounds = array<i64: 256, 256>}, {pipeline_mode = #tpu.pipeline_mode<synchronous>, transform_indices = @transform_6, window_bounds = array<i64: 1, 256>}, {pipeline_mode = #tpu.pipeline_mode<synchronous>, transform_indices = @transform_7, window_bounds = array<i64: 256, 256>}, {pipeline_mode = #tpu.pipeline_mode<synchronous>, transform_indices = @transform_8, window_bounds = array<i64: 1, 256>}, {pipeline_mode = #tpu.pipeline_mode<synchronous>, transform_indices = @transform_9, window_bounds = array<i64: 256, 16>}, {pipeline_mode = #tpu.pipeline_mode<synchronous>, transform_indices = @transform_10, window_bounds = array<i64: 16, 16>}, {pipeline_mode = #tpu.pipeline_mode<synchronous>, transform_indices = @transform_11, window_bounds = array<i64: 16, 1>}, {pipeline_mode = #tpu.pipeline_mode<synchronous>, transform_indices = @transform_12, window_bounds = array<i64: 1, 16>}, {transform_indices = @transform_13, window_bounds = array<i64: 2000, 16>}]} {
    %get3A = arith.constant 0 : index
    %get3A_0 = arith.constant 0 : index
    %get3A_1 = vector.load %arg3[%get3A, %get3A_0] : memref<4x256xbf16, #tpu.memory_space<vmem>>, vector<4x256xbf16>
    %get3A_2 = arith.constant 0 : index
    %get3A_3 = arith.constant 0 : index
    %get3A_4 = vector.load %arg4[%get3A_2, %get3A_3] : memref<1x256xf32, #tpu.memory_space<vmem>>, vector<1x256xf32>
    %get3A_5 = arith.constant 0 : index
    %get3A_6 = arith.constant 0 : index
    %get3A_7 = vector.load %arg5[%get3A_5, %get3A_6] : memref<1x256xf32, #tpu.memory_space<vmem>>, vector<1x256xf32>
    %get3A_8 = arith.constant 0 : index
    %get3A_9 = arith.constant 0 : index
    %get3A_10 = vector.load %arg6[%get3A_8, %get3A_9] : memref<256x256xbf16, #tpu.memory_space<vmem>>, vector<256x256xbf16>
    %get3A_11 = arith.constant 0 : index
    %get3A_12 = arith.constant 0 : index
    %get3A_13 = vector.load %arg7[%get3A_11, %get3A_12] : memref<1x256xf32, #tpu.memory_space<vmem>>, vector<1x256xf32>
    %get3A_14 = arith.constant 0 : index
    %get3A_15 = arith.constant 0 : index
    %get3A_16 = vector.load %arg8[%get3A_14, %get3A_15] : memref<256x256xbf16, #tpu.memory_space<vmem>>, vector<256x256xbf16>
    %get3A_17 = arith.constant 0 : index
    %get3A_18 = arith.constant 0 : index
    %get3A_19 = vector.load %arg9[%get3A_17, %get3A_18] : memref<1x256xf32, #tpu.memory_space<vmem>>, vector<1x256xf32>
    %get3A_20 = arith.constant 0 : index
    %get3A_21 = arith.constant 0 : index
    %get3A_22 = vector.load %arg10[%get3A_20, %get3A_21] : memref<256x16xf32, #tpu.memory_space<vmem>>, vector<256x16xf32>
    %broadcast_in_dim3A = arith.constant 0.000000e+00 : f32
    %broadcast_in_dim3A_23 = vector.broadcast %broadcast_in_dim3A : f32 to vector<1x4xf32>
    %convert_element_type3A = arith.truncf %broadcast_in_dim3A_23 : vector<1x4xf32> to vector<1x4xbf16>
    %dot_general3A = arith.constant dense<0.000000e+00> : vector<1x256xf32>
    %dot_general3A_24 = tpu.matmul %convert_element_type3A, %get3A_1, %dot_general3A {dimension_numbers = #tpu.dot_dimension_numbers<[1], [0], [0], [1], [0, 0, 1, 1], [], []>, transpose_lhs_hint = false} : vector<1x4xbf16>, vector<4x256xbf16>, vector<1x256xf32> -> vector<1x256xf32>
    %add3A = arith.addf %dot_general3A_24, %get3A_4 : vector<1x256xf32>
    %add3A_25 = arith.addf %add3A, %get3A_7 : vector<1x256xf32>
    %mul3A = arith.constant 1.000000e+02 : f32
    %mul3A_26 = vector.broadcast %mul3A : f32 to vector<1x256xf32>
    %mul3A_27 = arith.mulf %add3A_25, %mul3A_26 : vector<1x256xf32>
    %sin3A = math.sin %mul3A_27 : vector<1x256xf32>
    %convert_element_type3A_28 = arith.truncf %sin3A : vector<1x256xf32> to vector<1x256xbf16>
    %dot_general3A_29 = arith.constant dense<0.000000e+00> : vector<1x256xf32>
    %dot_general3A_30 = tpu.matmul %convert_element_type3A_28, %get3A_10, %dot_general3A_29 {dimension_numbers = #tpu.dot_dimension_numbers<[1], [0], [0], [1], [0, 0, 1, 1], [], []>, transpose_lhs_hint = false} : vector<1x256xbf16>, vector<256x256xbf16>, vector<1x256xf32> -> vector<1x256xf32>
    %add3A_31 = arith.addf %dot_general3A_30, %get3A_13 : vector<1x256xf32>
    %mul3A_32 = arith.constant 1.000000e+02 : f32
    %mul3A_33 = vector.broadcast %mul3A_32 : f32 to vector<1x256xf32>
    %mul3A_34 = arith.mulf %add3A_31, %mul3A_33 : vector<1x256xf32>
    %sin3A_35 = math.sin %mul3A_34 : vector<1x256xf32>
    %convert_element_type3A_36 = arith.truncf %sin3A_35 : vector<1x256xf32> to vector<1x256xbf16>
    %dot_general3A_37 = arith.constant dense<0.000000e+00> : vector<1x256xf32>
    %dot_general3A_38 = tpu.matmul %convert_element_type3A_36, %get3A_16, %dot_general3A_37 {dimension_numbers = #tpu.dot_dimension_numbers<[1], [0], [0], [1], [0, 0, 1, 1], [], []>, transpose_lhs_hint = false} : vector<1x256xbf16>, vector<256x256xbf16>, vector<1x256xf32> -> vector<1x256xf32>
    %add3A_39 = arith.addf %dot_general3A_38, %get3A_19 : vector<1x256xf32>
    %mul3A_40 = arith.constant 1.000000e+02 : f32
    %mul3A_41 = vector.broadcast %mul3A_40 : f32 to vector<1x256xf32>
    %mul3A_42 = arith.mulf %add3A_39, %mul3A_41 : vector<1x256xf32>
    %sin3A_43 = math.sin %mul3A_42 : vector<1x256xf32>
    %convert_element_type3A_44 = arith.truncf %sin3A_43 : vector<1x256xf32> to vector<1x256xbf16>
    %convert_element_type3A_45 = arith.extf %convert_element_type3A_44 : vector<1x256xbf16> to vector<1x256xf32>
    %get3A_46 = arith.constant 0 : index
    %get3A_47 = arith.constant 0 : index
    %get3A_48 = vector.load %arg2[%get3A_46, %get3A_47] : memref<2000x16xf32, #tpu.memory_space<vmem>>, vector<2000x16xf32>
    %get3A_49 = arith.constant 0 : index
    %get3A_50 = arith.constant 0 : index
    %get3A_51 = vector.load %arg11[%get3A_49, %get3A_50] : memref<16x16xf32, #tpu.memory_space<vmem>>, vector<16x16xf32>
    %dot_general3A_52 = arith.constant dense<0.000000e+00> : vector<2000x16xf32>
    %dot_general3A_53 = tpu.matmul %get3A_48, %get3A_51, %dot_general3A_52 {dimension_numbers = #tpu.dot_dimension_numbers<[1], [0], [0], [1], [0, 0, 1, 1], [], []>, precision = #tpu.contract_precision<fp32>, transpose_lhs_hint = false} : vector<2000x16xf32>, vector<16x16xf32>, vector<2000x16xf32> -> vector<2000x16xf32>
    %get3A_54 = arith.constant 0 : index
    %get3A_55 = arith.constant 0 : index
    %get3A_56 = vector.load %arg12[%get3A_54, %get3A_55] : memref<16x1xf32, #tpu.memory_space<vmem>>, vector<16x1xf32>
    %dot_general3A_57 = arith.constant dense<0.000000e+00> : vector<2000x1xf32>
    %dot_general3A_58 = tpu.matmul %get3A_48, %get3A_56, %dot_general3A_57 {dimension_numbers = #tpu.dot_dimension_numbers<[1], [0], [0], [1], [0, 0, 1, 1], [], []>, precision = #tpu.contract_precision<fp32>, transpose_lhs_hint = false} : vector<2000x16xf32>, vector<16x1xf32>, vector<2000x1xf32> -> vector<2000x1xf32>
    %tile3A = tpu.concatenate %dot_general3A_53, %dot_general3A_53, %dot_general3A_53, %dot_general3A_53, %dot_general3A_53, %dot_general3A_53, %dot_general3A_53, %dot_general3A_53, %dot_general3A_53, %dot_general3A_53, %dot_general3A_53, %dot_general3A_53, %dot_general3A_53, %dot_general3A_53, %dot_general3A_53, %dot_general3A_53 in 1 : vector<2000x16xf32>, vector<2000x16xf32>, vector<2000x16xf32>, vector<2000x16xf32>, vector<2000x16xf32>, vector<2000x16xf32>, vector<2000x16xf32>, vector<2000x16xf32>, vector<2000x16xf32>, vector<2000x16xf32>, vector<2000x16xf32>, vector<2000x16xf32>, vector<2000x16xf32>, vector<2000x16xf32>, vector<2000x16xf32>, vector<2000x16xf32> -> vector<2000x256xf32>
    %mul3A_59 = vector.broadcast %convert_element_type3A_45 : vector<1x256xf32> to vector<2000x256xf32>
    %mul3A_60 = arith.mulf %tile3A, %mul3A_59 : vector<2000x256xf32>
    %dot_general3A_61 = arith.constant dense<0.000000e+00> : vector<2000x16xf32>
    %dot_general3A_62 = tpu.matmul %mul3A_60, %get3A_22, %dot_general3A_61 {dimension_numbers = #tpu.dot_dimension_numbers<[1], [0], [0], [1], [0, 0, 1, 1], [], []>, precision = #tpu.contract_precision<fp32>, transpose_lhs_hint = false} : vector<2000x256xf32>, vector<256x16xf32>, vector<2000x16xf32> -> vector<2000x16xf32>
    %add3A_63 = vector.broadcast %dot_general3A_58 : vector<2000x1xf32> to vector<2000x16xf32>
    %add3A_64 = arith.addf %dot_general3A_62, %add3A_63 : vector<2000x16xf32>
    %get3A_65 = arith.constant 0 : index
    %get3A_66 = arith.constant 0 : index
    %get3A_67 = arith.constant 0 : index
    %get3A_68 = vector.load %arg1[%get3A_65, %get3A_66, %get3A_67] : memref<2x2000x16xf32, #tpu.memory_space<vmem>>, vector<1x2000x16xf32>
    %get3A_69 = vector.shape_cast %get3A_68 : vector<1x2000x16xf32> to vector<2000x16xf32>
    %get3A_70 = arith.constant 1 : index
    %get3A_71 = arith.constant 0 : index
    %get3A_72 = arith.constant 0 : index
    %get3A_73 = vector.load %arg1[%get3A_70, %get3A_71, %get3A_72] : memref<2x2000x16xf32, #tpu.memory_space<vmem>>, vector<1x2000x16xf32>
    %get3A_74 = vector.shape_cast %get3A_73 : vector<1x2000x16xf32> to vector<2000x16xf32>
    %add3A_75 = arith.addf %get3A_69, %get3A_74 : vector<2000x16xf32>
    %add3A_76 = arith.addf %add3A_75, %add3A_64 : vector<2000x16xf32>
    %get3A_77 = arith.constant 0 : index
    %get3A_78 = arith.constant 0 : index
    %get3A_79 = vector.load %arg13[%get3A_77, %get3A_78] : memref<1x16xf32, #tpu.memory_space<vmem>>, vector<1x16xf32>
    %add3A_80 = vector.broadcast %get3A_79 : vector<1x16xf32> to vector<2000x16xf32>
    %add3A_81 = arith.addf %add3A_76, %add3A_80 : vector<2000x16xf32>
    %gt3A = arith.constant 0.000000e+00 : f32
    %gt3A_82 = vector.broadcast %gt3A : f32 to vector<2000x16xf32>
    %gt3A_83 = arith.cmpf ogt, %add3A_81, %gt3A_82 : vector<2000x16xf32>
    %exp3A = math.exp %add3A_81 : vector<2000x16xf32>
    %sub3A = arith.constant 1.000000e+00 : f32
    %sub3A_84 = vector.broadcast %sub3A : f32 to vector<2000x16xf32>
    %sub3A_85 = arith.subf %exp3A, %sub3A_84 : vector<2000x16xf32>
    %mul3A_86 = arith.constant 1.67326319 : f32
    %mul3A_87 = vector.broadcast %mul3A_86 : f32 to vector<2000x16xf32>
    %mul3A_88 = arith.mulf %mul3A_87, %sub3A_85 : vector<2000x16xf32>
    %select_n3A = arith.select %gt3A_83, %add3A_81, %mul3A_88 : vector<2000x16xi1>, vector<2000x16xf32>
    %mul3A_89 = arith.constant 1.05070102 : f32
    %mul3A_90 = vector.broadcast %mul3A_89 : f32 to vector<2000x16xf32>
    %mul3A_91 = arith.mulf %mul3A_90, %select_n3A : vector<2000x16xf32>
    %swap3A = arith.constant 0 : index
    %swap3A_92 = arith.constant 0 : index
    %swap3A_93 = vector.load %arg14[%swap3A, %swap3A_92] : memref<2000x16xf32, #tpu.memory_space<vmem>>, vector<2000x16xf32>
    tpu.vector_store %arg14[%swap3A, %swap3A_92], %mul3A_91 {strides = array<i32>} : memref<2000x16xf32, #tpu.memory_space<vmem>>, vector<2000x16xf32>,
    return
  }
  func.func @transform_0(%arg0: i32) -> (i32, i32, i32) {
    %c0_i32 = arith.constant 0 : i32
    %c0_i32_0 = arith.constant 0 : i32
    %c0_i32_1 = arith.constant 0 : i32
    return %c0_i32, %arg0, %c0_i32_0 : i32, i32, i32
  }
  func.func @transform_1(%arg0: i32) -> (i32, i32) {
    %c0_i32 = arith.constant 0 : i32
    %c0_i32_0 = arith.constant 0 : i32
    return %arg0, %c0_i32 : i32, i32
  }
  func.func @transform_2(%arg0: i32) -> (i32, i32) {
    %c0_i32 = arith.constant 0 : i32
    %c0_i32_0 = arith.constant 0 : i32
    %c0_i32_1 = arith.constant 0 : i32
    return %c0_i32, %c0_i32_0 : i32, i32
  }
  func.func @transform_3(%arg0: i32) -> (i32, i32) {
    %c0_i32 = arith.constant 0 : i32
    %c0_i32_0 = arith.constant 0 : i32
    %c0_i32_1 = arith.constant 0 : i32
    return %c0_i32, %c0_i32_0 : i32, i32
  }
  func.func @transform_4(%arg0: i32) -> (i32, i32) {
    %c0_i32 = arith.constant 0 : i32
    %c0_i32_0 = arith.constant 0 : i32
    %c0_i32_1 = arith.constant 0 : i32
    return %c0_i32, %c0_i32_0 : i32, i32
  }
  func.func @transform_5(%arg0: i32) -> (i32, i32) {
    %c0_i32 = arith.constant 0 : i32
    %c0_i32_0 = arith.constant 0 : i32
    %c0_i32_1 = arith.constant 0 : i32
    return %c0_i32, %c0_i32_0 : i32, i32
  }
  func.func @transform_6(%arg0: i32) -> (i32, i32) {
    %c0_i32 = arith.constant 0 : i32
    %c0_i32_0 = arith.constant 0 : i32
    %c0_i32_1 = arith.constant 0 : i32
    return %c0_i32, %c0_i32_0 : i32, i32
  }
  func.func @transform_7(%arg0: i32) -> (i32, i32) {
    %c0_i32 = arith.constant 0 : i32
    %c0_i32_0 = arith.constant 0 : i32
    %c0_i32_1 = arith.constant 0 : i32
    return %c0_i32, %c0_i32_0 : i32, i32
  }
  func.func @transform_8(%arg0: i32) -> (i32, i32) {
    %c0_i32 = arith.constant 0 : i32
    %c0_i32_0 = arith.constant 0 : i32
    %c0_i32_1 = arith.constant 0 : i32
    return %c0_i32, %c0_i32_0 : i32, i32
  }
  func.func @transform_9(%arg0: i32) -> (i32, i32) {
    %c0_i32 = arith.constant 0 : i32
    %c0_i32_0 = arith.constant 0 : i32
    %c0_i32_1 = arith.constant 0 : i32
    return %c0_i32, %c0_i32_0 : i32, i32
  }
  func.func @transform_10(%arg0: i32) -> (i32, i32) {
    %c0_i32 = arith.constant 0 : i32
    %c0_i32_0 = arith.constant 0 : i32
    %c0_i32_1 = arith.constant 0 : i32
    return %c0_i32, %c0_i32_0 : i32, i32
  }
  func.func @transform_11(%arg0: i32) -> (i32, i32) {
    %c0_i32 = arith.constant 0 : i32
    %c0_i32_0 = arith.constant 0 : i32
    %c0_i32_1 = arith.constant 0 : i32
    return %c0_i32, %c0_i32_0 : i32, i32
  }
  func.func @transform_12(%arg0: i32) -> (i32, i32) {
    %c0_i32 = arith.constant 0 : i32
    %c0_i32_0 = arith.constant 0 : i32
    %c0_i32_1 = arith.constant 0 : i32
    return %c0_i32, %c0_i32_0 : i32, i32
  }
  func.func @transform_13(%arg0: i32) -> (i32, i32) {
    %c0_i32 = arith.constant 0 : i32
    %c0_i32_0 = arith.constant 0 : i32
    return %arg0, %c0_i32 : i32, i32
  }
}

module attributes {stable_mosaic.version = 14 : i64} {
  func.func @body(%arg0: i32, %arg1: memref<2000x4xf32, #tpu.memory_space<vmem>>, %arg2: memref<2000x16xf32, #tpu.memory_space<vmem>>, %arg3: memref<2000x16xf32, #tpu.memory_space<vmem>>, %arg4: memref<4x256xbf16, #tpu.memory_space<vmem>>, %arg5: memref<1x256xf32, #tpu.memory_space<vmem>>, %arg6: memref<1x256xf32, #tpu.memory_space<vmem>>, %arg7: memref<256x256xbf16, #tpu.memory_space<vmem>>, %arg8: memref<1x256xf32, #tpu.memory_space<vmem>>, %arg9: memref<256x256xbf16, #tpu.memory_space<vmem>>, %arg10: memref<1x256xf32, #tpu.memory_space<vmem>>, %arg11: memref<256x16xf32, #tpu.memory_space<vmem>>, %arg12: memref<32x16xf32, #tpu.memory_space<vmem>>, %arg13: memref<32x1xf32, #tpu.memory_space<vmem>>, %arg14: memref<2000x16xf32, #tpu.memory_space<vmem>>) attributes {dimension_semantics = [#tpu.dimension_semantics<arbitrary>], iteration_bounds = array<i64: 80>, scalar_prefetch = 0 : i64, scratch_operands = 0 : i64, tpu.core_type = #tpu.core_type<tc>, window_params = [{transform_indices = @transform_0, window_bounds = array<i64: 2000, 4>}, {transform_indices = @transform_1, window_bounds = array<i64: 2000, 16>}, {transform_indices = @transform_2, window_bounds = array<i64: 2000, 16>}, {pipeline_mode = #tpu.pipeline_mode<synchronous>, transform_indices = @transform_3, window_bounds = array<i64: 4, 256>}, {pipeline_mode = #tpu.pipeline_mode<synchronous>, transform_indices = @transform_4, window_bounds = array<i64: 1, 256>}, {pipeline_mode = #tpu.pipeline_mode<synchronous>, transform_indices = @transform_5, window_bounds = array<i64: 1, 256>}, {pipeline_mode = #tpu.pipeline_mode<synchronous>, transform_indices = @transform_6, window_bounds = array<i64: 256, 256>}, {pipeline_mode = #tpu.pipeline_mode<synchronous>, transform_indices = @transform_7, window_bounds = array<i64: 1, 256>}, {pipeline_mode = #tpu.pipeline_mode<synchronous>, transform_indices = @transform_8, window_bounds = array<i64: 256, 256>}, {pipeline_mode = #tpu.pipeline_mode<synchronous>, transform_indices = @transform_9, window_bounds = array<i64: 1, 256>}, {pipeline_mode = #tpu.pipeline_mode<synchronous>, transform_indices = @transform_10, window_bounds = array<i64: 256, 16>}, {pipeline_mode = #tpu.pipeline_mode<synchronous>, transform_indices = @transform_11, window_bounds = array<i64: 32, 16>}, {pipeline_mode = #tpu.pipeline_mode<synchronous>, transform_indices = @transform_12, window_bounds = array<i64: 32, 1>}, {transform_indices = @transform_13, window_bounds = array<i64: 2000, 16>}]} {
    %get3A = arith.constant 0 : index
    %get3A_0 = arith.constant 0 : index
    %get3A_1 = vector.load %arg4[%get3A, %get3A_0] : memref<4x256xbf16, #tpu.memory_space<vmem>>, vector<4x256xbf16>
    %get3A_2 = arith.constant 0 : index
    %get3A_3 = arith.constant 0 : index
    %get3A_4 = vector.load %arg5[%get3A_2, %get3A_3] : memref<1x256xf32, #tpu.memory_space<vmem>>, vector<1x256xf32>
    %get3A_5 = arith.constant 0 : index
    %get3A_6 = arith.constant 0 : index
    %get3A_7 = vector.load %arg6[%get3A_5, %get3A_6] : memref<1x256xf32, #tpu.memory_space<vmem>>, vector<1x256xf32>
    %get3A_8 = arith.constant 0 : index
    %get3A_9 = arith.constant 0 : index
    %get3A_10 = vector.load %arg7[%get3A_8, %get3A_9] : memref<256x256xbf16, #tpu.memory_space<vmem>>, vector<256x256xbf16>
    %get3A_11 = arith.constant 0 : index
    %get3A_12 = arith.constant 0 : index
    %get3A_13 = vector.load %arg8[%get3A_11, %get3A_12] : memref<1x256xf32, #tpu.memory_space<vmem>>, vector<1x256xf32>
    %get3A_14 = arith.constant 0 : index
    %get3A_15 = arith.constant 0 : index
    %get3A_16 = vector.load %arg9[%get3A_14, %get3A_15] : memref<256x256xbf16, #tpu.memory_space<vmem>>, vector<256x256xbf16>
    %get3A_17 = arith.constant 0 : index
    %get3A_18 = arith.constant 0 : index
    %get3A_19 = vector.load %arg10[%get3A_17, %get3A_18] : memref<1x256xf32, #tpu.memory_space<vmem>>, vector<1x256xf32>
    %get3A_20 = arith.constant 0 : index
    %get3A_21 = arith.constant 0 : index
    %get3A_22 = vector.load %arg11[%get3A_20, %get3A_21] : memref<256x16xf32, #tpu.memory_space<vmem>>, vector<256x16xf32>
    %get3A_23 = arith.constant 0 : index
    %get3A_24 = arith.constant 0 : index
    %get3A_25 = vector.load %arg1[%get3A_23, %get3A_24] : memref<2000x4xf32, #tpu.memory_space<vmem>>, vector<2000x4xf32>
    %convert_element_type3A = arith.truncf %get3A_25 : vector<2000x4xf32> to vector<2000x4xbf16>
    %dot_general3A = arith.constant dense<0.000000e+00> : vector<2000x256xf32>
    %dot_general3A_26 = tpu.matmul %convert_element_type3A, %get3A_1, %dot_general3A {dimension_numbers = #tpu.dot_dimension_numbers<[1], [0], [0], [1], [0, 0, 1, 1], [], []>, transpose_lhs_hint = false} : vector<2000x4xbf16>, vector<4x256xbf16>, vector<2000x256xf32> -> vector<2000x256xf32>
    %add3A = vector.broadcast %get3A_4 : vector<1x256xf32> to vector<2000x256xf32>
    %add3A_27 = arith.addf %dot_general3A_26, %add3A : vector<2000x256xf32>
    %add3A_28 = vector.broadcast %get3A_7 : vector<1x256xf32> to vector<2000x256xf32>
    %add3A_29 = arith.addf %add3A_27, %add3A_28 : vector<2000x256xf32>
    %mul3A = arith.constant 1.000000e+02 : f32
    %mul3A_30 = vector.broadcast %mul3A : f32 to vector<2000x256xf32>
    %mul3A_31 = arith.mulf %add3A_29, %mul3A_30 : vector<2000x256xf32>
    %sin3A = math.sin %mul3A_31 : vector<2000x256xf32>
    %convert_element_type3A_32 = arith.truncf %sin3A : vector<2000x256xf32> to vector<2000x256xbf16>
    %dot_general3A_33 = arith.constant dense<0.000000e+00> : vector<2000x256xf32>
    %dot_general3A_34 = tpu.matmul %convert_element_type3A_32, %get3A_10, %dot_general3A_33 {dimension_numbers = #tpu.dot_dimension_numbers<[1], [0], [0], [1], [0, 0, 1, 1], [], []>, transpose_lhs_hint = false} : vector<2000x256xbf16>, vector<256x256xbf16>, vector<2000x256xf32> -> vector<2000x256xf32>
    %add3A_35 = vector.broadcast %get3A_13 : vector<1x256xf32> to vector<2000x256xf32>
    %add3A_36 = arith.addf %dot_general3A_34, %add3A_35 : vector<2000x256xf32>
    %mul3A_37 = arith.constant 1.000000e+02 : f32
    %mul3A_38 = vector.broadcast %mul3A_37 : f32 to vector<2000x256xf32>
    %mul3A_39 = arith.mulf %add3A_36, %mul3A_38 : vector<2000x256xf32>
    %sin3A_40 = math.sin %mul3A_39 : vector<2000x256xf32>
    %convert_element_type3A_41 = arith.truncf %sin3A_40 : vector<2000x256xf32> to vector<2000x256xbf16>
    %dot_general3A_42 = arith.constant dense<0.000000e+00> : vector<2000x256xf32>
    %dot_general3A_43 = tpu.matmul %convert_element_type3A_41, %get3A_16, %dot_general3A_42 {dimension_numbers = #tpu.dot_dimension_numbers<[1], [0], [0], [1], [0, 0, 1, 1], [], []>, transpose_lhs_hint = false} : vector<2000x256xbf16>, vector<256x256xbf16>, vector<2000x256xf32> -> vector<2000x256xf32>
    %add3A_44 = vector.broadcast %get3A_19 : vector<1x256xf32> to vector<2000x256xf32>
    %add3A_45 = arith.addf %dot_general3A_43, %add3A_44 : vector<2000x256xf32>
    %mul3A_46 = arith.constant 1.000000e+02 : f32
    %mul3A_47 = vector.broadcast %mul3A_46 : f32 to vector<2000x256xf32>
    %mul3A_48 = arith.mulf %add3A_45, %mul3A_47 : vector<2000x256xf32>
    %sin3A_49 = math.sin %mul3A_48 : vector<2000x256xf32>
    %convert_element_type3A_50 = arith.truncf %sin3A_49 : vector<2000x256xf32> to vector<2000x256xbf16>
    %convert_element_type3A_51 = arith.extf %convert_element_type3A_50 : vector<2000x256xbf16> to vector<2000x256xf32>
    %get3A_52 = arith.constant 0 : index
    %get3A_53 = arith.constant 0 : index
    %get3A_54 = vector.load %arg2[%get3A_52, %get3A_53] : memref<2000x16xf32, #tpu.memory_space<vmem>>, vector<2000x16xf32>
    %get3A_55 = arith.constant 0 : index
    %get3A_56 = arith.constant 0 : index
    %get3A_57 = vector.load %arg3[%get3A_55, %get3A_56] : memref<2000x16xf32, #tpu.memory_space<vmem>>, vector<2000x16xf32>
    %concatenate3A = tpu.concatenate %get3A_54, %get3A_57 in 1 : vector<2000x16xf32>, vector<2000x16xf32> -> vector<2000x32xf32>
    %get3A_58 = arith.constant 0 : index
    %get3A_59 = arith.constant 0 : index
    %get3A_60 = vector.load %arg12[%get3A_58, %get3A_59] : memref<32x16xf32, #tpu.memory_space<vmem>>, vector<32x16xf32>
    %dot_general3A_61 = arith.constant dense<0.000000e+00> : vector<2000x16xf32>
    %dot_general3A_62 = tpu.matmul %concatenate3A, %get3A_60, %dot_general3A_61 {dimension_numbers = #tpu.dot_dimension_numbers<[1], [0], [0], [1], [0, 0, 1, 1], [], []>, precision = #tpu.contract_precision<fp32>, transpose_lhs_hint = false} : vector<2000x32xf32>, vector<32x16xf32>, vector<2000x16xf32> -> vector<2000x16xf32>
    %get3A_63 = arith.constant 0 : index
    %get3A_64 = arith.constant 0 : index
    %get3A_65 = vector.load %arg13[%get3A_63, %get3A_64] : memref<32x1xf32, #tpu.memory_space<vmem>>, vector<32x1xf32>
    %dot_general3A_66 = arith.constant dense<0.000000e+00> : vector<2000x1xf32>
    %dot_general3A_67 = tpu.matmul %concatenate3A, %get3A_65, %dot_general3A_66 {dimension_numbers = #tpu.dot_dimension_numbers<[1], [0], [0], [1], [0, 0, 1, 1], [], []>, precision = #tpu.contract_precision<fp32>, transpose_lhs_hint = false} : vector<2000x32xf32>, vector<32x1xf32>, vector<2000x1xf32> -> vector<2000x1xf32>
    %tile3A = tpu.concatenate %dot_general3A_62, %dot_general3A_62, %dot_general3A_62, %dot_general3A_62, %dot_general3A_62, %dot_general3A_62, %dot_general3A_62, %dot_general3A_62, %dot_general3A_62, %dot_general3A_62, %dot_general3A_62, %dot_general3A_62, %dot_general3A_62, %dot_general3A_62, %dot_general3A_62, %dot_general3A_62 in 1 : vector<2000x16xf32>, vector<2000x16xf32>, vector<2000x16xf32>, vector<2000x16xf32>, vector<2000x16xf32>, vector<2000x16xf32>, vector<2000x16xf32>, vector<2000x16xf32>, vector<2000x16xf32>, vector<2000x16xf32>, vector<2000x16xf32>, vector<2000x16xf32>, vector<2000x16xf32>, vector<2000x16xf32>, vector<2000x16xf32>, vector<2000x16xf32> -> vector<2000x256xf32>
    %mul3A_68 = arith.mulf %convert_element_type3A_51, %tile3A : vector<2000x256xf32>
    %dot_general3A_69 = arith.constant dense<0.000000e+00> : vector<2000x16xf32>
    %dot_general3A_70 = tpu.matmul %mul3A_68, %get3A_22, %dot_general3A_69 {dimension_numbers = #tpu.dot_dimension_numbers<[1], [0], [0], [1], [0, 0, 1, 1], [], []>, precision = #tpu.contract_precision<fp32>, transpose_lhs_hint = false} : vector<2000x256xf32>, vector<256x16xf32>, vector<2000x16xf32> -> vector<2000x16xf32>
    %add3A_71 = vector.broadcast %dot_general3A_67 : vector<2000x1xf32> to vector<2000x16xf32>
    %add3A_72 = arith.addf %dot_general3A_70, %add3A_71 : vector<2000x16xf32>
    %swap3A = arith.constant 0 : index
    %swap3A_73 = arith.constant 0 : index
    %swap3A_74 = vector.load %arg14[%swap3A, %swap3A_73] : memref<2000x16xf32, #tpu.memory_space<vmem>>, vector<2000x16xf32>
    tpu.vector_store %arg14[%swap3A, %swap3A_73], %add3A_72 {strides = array<i32>} : memref<2000x16xf32, #tpu.memory_space<vmem>>, vector<2000x16xf32>,
    return
  }
  func.func @transform_0(%arg0: i32) -> (i32, i32) {
    %c0_i32 = arith.constant 0 : i32
    %c0_i32_0 = arith.constant 0 : i32
    return %arg0, %c0_i32 : i32, i32
  }
  func.func @transform_1(%arg0: i32) -> (i32, i32) {
    %c0_i32 = arith.constant 0 : i32
    %c0_i32_0 = arith.constant 0 : i32
    return %arg0, %c0_i32 : i32, i32
  }
  func.func @transform_2(%arg0: i32) -> (i32, i32) {
    %c0_i32 = arith.constant 0 : i32
    %c0_i32_0 = arith.constant 0 : i32
    return %arg0, %c0_i32 : i32, i32
  }
  func.func @transform_3(%arg0: i32) -> (i32, i32) {
    %c0_i32 = arith.constant 0 : i32
    %c0_i32_0 = arith.constant 0 : i32
    %c0_i32_1 = arith.constant 0 : i32
    return %c0_i32, %c0_i32_0 : i32, i32
  }
  func.func @transform_4(%arg0: i32) -> (i32, i32) {
    %c0_i32 = arith.constant 0 : i32
    %c0_i32_0 = arith.constant 0 : i32
    %c0_i32_1 = arith.constant 0 : i32
    return %c0_i32, %c0_i32_0 : i32, i32
  }
  func.func @transform_5(%arg0: i32) -> (i32, i32) {
    %c0_i32 = arith.constant 0 : i32
    %c0_i32_0 = arith.constant 0 : i32
    %c0_i32_1 = arith.constant 0 : i32
    return %c0_i32, %c0_i32_0 : i32, i32
  }
  func.func @transform_6(%arg0: i32) -> (i32, i32) {
    %c0_i32 = arith.constant 0 : i32
    %c0_i32_0 = arith.constant 0 : i32
    %c0_i32_1 = arith.constant 0 : i32
    return %c0_i32, %c0_i32_0 : i32, i32
  }
  func.func @transform_7(%arg0: i32) -> (i32, i32) {
    %c0_i32 = arith.constant 0 : i32
    %c0_i32_0 = arith.constant 0 : i32
    %c0_i32_1 = arith.constant 0 : i32
    return %c0_i32, %c0_i32_0 : i32, i32
  }
  func.func @transform_8(%arg0: i32) -> (i32, i32) {
    %c0_i32 = arith.constant 0 : i32
    %c0_i32_0 = arith.constant 0 : i32
    %c0_i32_1 = arith.constant 0 : i32
    return %c0_i32, %c0_i32_0 : i32, i32
  }
  func.func @transform_9(%arg0: i32) -> (i32, i32) {
    %c0_i32 = arith.constant 0 : i32
    %c0_i32_0 = arith.constant 0 : i32
    %c0_i32_1 = arith.constant 0 : i32
    return %c0_i32, %c0_i32_0 : i32, i32
  }
  func.func @transform_10(%arg0: i32) -> (i32, i32) {
    %c0_i32 = arith.constant 0 : i32
    %c0_i32_0 = arith.constant 0 : i32
    %c0_i32_1 = arith.constant 0 : i32
    return %c0_i32, %c0_i32_0 : i32, i32
  }
  func.func @transform_11(%arg0: i32) -> (i32, i32) {
    %c0_i32 = arith.constant 0 : i32
    %c0_i32_0 = arith.constant 0 : i32
    %c0_i32_1 = arith.constant 0 : i32
    return %c0_i32, %c0_i32_0 : i32, i32
  }
  func.func @transform_12(%arg0: i32) -> (i32, i32) {
    %c0_i32 = arith.constant 0 : i32
    %c0_i32_0 = arith.constant 0 : i32
    %c0_i32_1 = arith.constant 0 : i32
    return %c0_i32, %c0_i32_0 : i32, i32
  }
  func.func @transform_13(%arg0: i32) -> (i32, i32) {
    %c0_i32 = arith.constant 0 : i32
    %c0_i32_0 = arith.constant 0 : i32
    return %arg0, %c0_i32 : i32, i32
  }
}

module attributes {stable_mosaic.version = 14 : i64} {
  func.func @_node_body(%arg0: i32, %arg1: memref<2x2000x16xf32, #tpu.memory_space<vmem>>, %arg2: memref<2000x16xf32, #tpu.memory_space<vmem>>, %arg3: memref<2000x16xf32, #tpu.memory_space<vmem>>, %arg4: memref<4x256xbf16, #tpu.memory_space<vmem>>, %arg5: memref<1x256xf32, #tpu.memory_space<vmem>>, %arg6: memref<1x256xf32, #tpu.memory_space<vmem>>, %arg7: memref<256x256xbf16, #tpu.memory_space<vmem>>, %arg8: memref<1x256xf32, #tpu.memory_space<vmem>>, %arg9: memref<256x256xbf16, #tpu.memory_space<vmem>>, %arg10: memref<1x256xf32, #tpu.memory_space<vmem>>, %arg11: memref<256x16xf32, #tpu.memory_space<vmem>>, %arg12: memref<32x16xf32, #tpu.memory_space<vmem>>, %arg13: memref<32x1xf32, #tpu.memory_space<vmem>>, %arg14: memref<1x16xf32, #tpu.memory_space<vmem>>, %arg15: memref<2000x16xf32, #tpu.memory_space<vmem>>) attributes {dimension_semantics = [#tpu.dimension_semantics<arbitrary>], iteration_bounds = array<i64: 5>, scalar_prefetch = 0 : i64, scratch_operands = 0 : i64, tpu.core_type = #tpu.core_type<tc>, window_params = [{transform_indices = @transform_0, window_bounds = array<i64: 2, 2000, 16>}, {transform_indices = @transform_1, window_bounds = array<i64: 2000, 16>}, {transform_indices = @transform_2, window_bounds = array<i64: 2000, 16>}, {pipeline_mode = #tpu.pipeline_mode<synchronous>, transform_indices = @transform_3, window_bounds = array<i64: 4, 256>}, {pipeline_mode = #tpu.pipeline_mode<synchronous>, transform_indices = @transform_4, window_bounds = array<i64: 1, 256>}, {pipeline_mode = #tpu.pipeline_mode<synchronous>, transform_indices = @transform_5, window_bounds = array<i64: 1, 256>}, {pipeline_mode = #tpu.pipeline_mode<synchronous>, transform_indices = @transform_6, window_bounds = array<i64: 256, 256>}, {pipeline_mode = #tpu.pipeline_mode<synchronous>, transform_indices = @transform_7, window_bounds = array<i64: 1, 256>}, {pipeline_mode = #tpu.pipeline_mode<synchronous>, transform_indices = @transform_8, window_bounds = array<i64: 256, 256>}, {pipeline_mode = #tpu.pipeline_mode<synchronous>, transform_indices = @transform_9, window_bounds = array<i64: 1, 256>}, {pipeline_mode = #tpu.pipeline_mode<synchronous>, transform_indices = @transform_10, window_bounds = array<i64: 256, 16>}, {pipeline_mode = #tpu.pipeline_mode<synchronous>, transform_indices = @transform_11, window_bounds = array<i64: 32, 16>}, {pipeline_mode = #tpu.pipeline_mode<synchronous>, transform_indices = @transform_12, window_bounds = array<i64: 32, 1>}, {pipeline_mode = #tpu.pipeline_mode<synchronous>, transform_indices = @transform_13, window_bounds = array<i64: 1, 16>}, {transform_indices = @transform_14, window_bounds = array<i64: 2000, 16>}]} {
    %get3A = arith.constant 0 : index
    %get3A_0 = arith.constant 0 : index
    %get3A_1 = vector.load %arg4[%get3A, %get3A_0] : memref<4x256xbf16, #tpu.memory_space<vmem>>, vector<4x256xbf16>
    %get3A_2 = arith.constant 0 : index
    %get3A_3 = arith.constant 0 : index
    %get3A_4 = vector.load %arg5[%get3A_2, %get3A_3] : memref<1x256xf32, #tpu.memory_space<vmem>>, vector<1x256xf32>
    %get3A_5 = arith.constant 0 : index
    %get3A_6 = arith.constant 0 : index
    %get3A_7 = vector.load %arg6[%get3A_5, %get3A_6] : memref<1x256xf32, #tpu.memory_space<vmem>>, vector<1x256xf32>
    %get3A_8 = arith.constant 0 : index
    %get3A_9 = arith.constant 0 : index
    %get3A_10 = vector.load %arg7[%get3A_8, %get3A_9] : memref<256x256xbf16, #tpu.memory_space<vmem>>, vector<256x256xbf16>
    %get3A_11 = arith.constant 0 : index
    %get3A_12 = arith.constant 0 : index
    %get3A_13 = vector.load %arg8[%get3A_11, %get3A_12] : memref<1x256xf32, #tpu.memory_space<vmem>>, vector<1x256xf32>
    %get3A_14 = arith.constant 0 : index
    %get3A_15 = arith.constant 0 : index
    %get3A_16 = vector.load %arg9[%get3A_14, %get3A_15] : memref<256x256xbf16, #tpu.memory_space<vmem>>, vector<256x256xbf16>
    %get3A_17 = arith.constant 0 : index
    %get3A_18 = arith.constant 0 : index
    %get3A_19 = vector.load %arg10[%get3A_17, %get3A_18] : memref<1x256xf32, #tpu.memory_space<vmem>>, vector<1x256xf32>
    %get3A_20 = arith.constant 0 : index
    %get3A_21 = arith.constant 0 : index
    %get3A_22 = vector.load %arg11[%get3A_20, %get3A_21] : memref<256x16xf32, #tpu.memory_space<vmem>>, vector<256x16xf32>
    %broadcast_in_dim3A = arith.constant 0.000000e+00 : f32
    %broadcast_in_dim3A_23 = vector.broadcast %broadcast_in_dim3A : f32 to vector<1x4xf32>
    %convert_element_type3A = arith.truncf %broadcast_in_dim3A_23 : vector<1x4xf32> to vector<1x4xbf16>
    %dot_general3A = arith.constant dense<0.000000e+00> : vector<1x256xf32>
    %dot_general3A_24 = tpu.matmul %convert_element_type3A, %get3A_1, %dot_general3A {dimension_numbers = #tpu.dot_dimension_numbers<[1], [0], [0], [1], [0, 0, 1, 1], [], []>, transpose_lhs_hint = false} : vector<1x4xbf16>, vector<4x256xbf16>, vector<1x256xf32> -> vector<1x256xf32>
    %add3A = arith.addf %dot_general3A_24, %get3A_4 : vector<1x256xf32>
    %add3A_25 = arith.addf %add3A, %get3A_7 : vector<1x256xf32>
    %mul3A = arith.constant 1.000000e+02 : f32
    %mul3A_26 = vector.broadcast %mul3A : f32 to vector<1x256xf32>
    %mul3A_27 = arith.mulf %add3A_25, %mul3A_26 : vector<1x256xf32>
    %sin3A = math.sin %mul3A_27 : vector<1x256xf32>
    %convert_element_type3A_28 = arith.truncf %sin3A : vector<1x256xf32> to vector<1x256xbf16>
    %dot_general3A_29 = arith.constant dense<0.000000e+00> : vector<1x256xf32>
    %dot_general3A_30 = tpu.matmul %convert_element_type3A_28, %get3A_10, %dot_general3A_29 {dimension_numbers = #tpu.dot_dimension_numbers<[1], [0], [0], [1], [0, 0, 1, 1], [], []>, transpose_lhs_hint = false} : vector<1x256xbf16>, vector<256x256xbf16>, vector<1x256xf32> -> vector<1x256xf32>
    %add3A_31 = arith.addf %dot_general3A_30, %get3A_13 : vector<1x256xf32>
    %mul3A_32 = arith.constant 1.000000e+02 : f32
    %mul3A_33 = vector.broadcast %mul3A_32 : f32 to vector<1x256xf32>
    %mul3A_34 = arith.mulf %add3A_31, %mul3A_33 : vector<1x256xf32>
    %sin3A_35 = math.sin %mul3A_34 : vector<1x256xf32>
    %convert_element_type3A_36 = arith.truncf %sin3A_35 : vector<1x256xf32> to vector<1x256xbf16>
    %dot_general3A_37 = arith.constant dense<0.000000e+00> : vector<1x256xf32>
    %dot_general3A_38 = tpu.matmul %convert_element_type3A_36, %get3A_16, %dot_general3A_37 {dimension_numbers = #tpu.dot_dimension_numbers<[1], [0], [0], [1], [0, 0, 1, 1], [], []>, transpose_lhs_hint = false} : vector<1x256xbf16>, vector<256x256xbf16>, vector<1x256xf32> -> vector<1x256xf32>
    %add3A_39 = arith.addf %dot_general3A_38, %get3A_19 : vector<1x256xf32>
    %mul3A_40 = arith.constant 1.000000e+02 : f32
    %mul3A_41 = vector.broadcast %mul3A_40 : f32 to vector<1x256xf32>
    %mul3A_42 = arith.mulf %add3A_39, %mul3A_41 : vector<1x256xf32>
    %sin3A_43 = math.sin %mul3A_42 : vector<1x256xf32>
    %convert_element_type3A_44 = arith.truncf %sin3A_43 : vector<1x256xf32> to vector<1x256xbf16>
    %convert_element_type3A_45 = arith.extf %convert_element_type3A_44 : vector<1x256xbf16> to vector<1x256xf32>
    %get3A_46 = arith.constant 0 : index
    %get3A_47 = arith.constant 0 : index
    %get3A_48 = vector.load %arg2[%get3A_46, %get3A_47] : memref<2000x16xf32, #tpu.memory_space<vmem>>, vector<2000x16xf32>
    %get3A_49 = arith.constant 0 : index
    %get3A_50 = arith.constant 0 : index
    %get3A_51 = vector.load %arg3[%get3A_49, %get3A_50] : memref<2000x16xf32, #tpu.memory_space<vmem>>, vector<2000x16xf32>
    %concatenate3A = tpu.concatenate %get3A_48, %get3A_51 in 1 : vector<2000x16xf32>, vector<2000x16xf32> -> vector<2000x32xf32>
    %get3A_52 = arith.constant 0 : index
    %get3A_53 = arith.constant 0 : index
    %get3A_54 = vector.load %arg12[%get3A_52, %get3A_53] : memref<32x16xf32, #tpu.memory_space<vmem>>, vector<32x16xf32>
    %dot_general3A_55 = arith.constant dense<0.000000e+00> : vector<2000x16xf32>
    %dot_general3A_56 = tpu.matmul %concatenate3A, %get3A_54, %dot_general3A_55 {dimension_numbers = #tpu.dot_dimension_numbers<[1], [0], [0], [1], [0, 0, 1, 1], [], []>, precision = #tpu.contract_precision<fp32>, transpose_lhs_hint = false} : vector<2000x32xf32>, vector<32x16xf32>, vector<2000x16xf32> -> vector<2000x16xf32>
    %get3A_57 = arith.constant 0 : index
    %get3A_58 = arith.constant 0 : index
    %get3A_59 = vector.load %arg13[%get3A_57, %get3A_58] : memref<32x1xf32, #tpu.memory_space<vmem>>, vector<32x1xf32>
    %dot_general3A_60 = arith.constant dense<0.000000e+00> : vector<2000x1xf32>
    %dot_general3A_61 = tpu.matmul %concatenate3A, %get3A_59, %dot_general3A_60 {dimension_numbers = #tpu.dot_dimension_numbers<[1], [0], [0], [1], [0, 0, 1, 1], [], []>, precision = #tpu.contract_precision<fp32>, transpose_lhs_hint = false} : vector<2000x32xf32>, vector<32x1xf32>, vector<2000x1xf32> -> vector<2000x1xf32>
    %tile3A = tpu.concatenate %dot_general3A_56, %dot_general3A_56, %dot_general3A_56, %dot_general3A_56, %dot_general3A_56, %dot_general3A_56, %dot_general3A_56, %dot_general3A_56, %dot_general3A_56, %dot_general3A_56, %dot_general3A_56, %dot_general3A_56, %dot_general3A_56, %dot_general3A_56, %dot_general3A_56, %dot_general3A_56 in 1 : vector<2000x16xf32>, vector<2000x16xf32>, vector<2000x16xf32>, vector<2000x16xf32>, vector<2000x16xf32>, vector<2000x16xf32>, vector<2000x16xf32>, vector<2000x16xf32>, vector<2000x16xf32>, vector<2000x16xf32>, vector<2000x16xf32>, vector<2000x16xf32>, vector<2000x16xf32>, vector<2000x16xf32>, vector<2000x16xf32>, vector<2000x16xf32> -> vector<2000x256xf32>
    %mul3A_62 = vector.broadcast %convert_element_type3A_45 : vector<1x256xf32> to vector<2000x256xf32>
    %mul3A_63 = arith.mulf %tile3A, %mul3A_62 : vector<2000x256xf32>
    %dot_general3A_64 = arith.constant dense<0.000000e+00> : vector<2000x16xf32>
    %dot_general3A_65 = tpu.matmul %mul3A_63, %get3A_22, %dot_general3A_64 {dimension_numbers = #tpu.dot_dimension_numbers<[1], [0], [0], [1], [0, 0, 1, 1], [], []>, precision = #tpu.contract_precision<fp32>, transpose_lhs_hint = false} : vector<2000x256xf32>, vector<256x16xf32>, vector<2000x16xf32> -> vector<2000x16xf32>
    %add3A_66 = vector.broadcast %dot_general3A_61 : vector<2000x1xf32> to vector<2000x16xf32>
    %add3A_67 = arith.addf %dot_general3A_65, %add3A_66 : vector<2000x16xf32>
    %get3A_68 = arith.constant 0 : index
    %get3A_69 = arith.constant 0 : index
    %get3A_70 = arith.constant 0 : index
    %get3A_71 = vector.load %arg1[%get3A_68, %get3A_69, %get3A_70] : memref<2x2000x16xf32, #tpu.memory_space<vmem>>, vector<1x2000x16xf32>
    %get3A_72 = vector.shape_cast %get3A_71 : vector<1x2000x16xf32> to vector<2000x16xf32>
    %get3A_73 = arith.constant 1 : index
    %get3A_74 = arith.constant 0 : index
    %get3A_75 = arith.constant 0 : index
    %get3A_76 = vector.load %arg1[%get3A_73, %get3A_74, %get3A_75] : memref<2x2000x16xf32, #tpu.memory_space<vmem>>, vector<1x2000x16xf32>
    %get3A_77 = vector.shape_cast %get3A_76 : vector<1x2000x16xf32> to vector<2000x16xf32>
    %add3A_78 = arith.addf %get3A_72, %get3A_77 : vector<2000x16xf32>
    %add3A_79 = arith.addf %add3A_78, %add3A_67 : vector<2000x16xf32>
    %get3A_80 = arith.constant 0 : index
    %get3A_81 = arith.constant 0 : index
    %get3A_82 = vector.load %arg14[%get3A_80, %get3A_81] : memref<1x16xf32, #tpu.memory_space<vmem>>, vector<1x16xf32>
    %add3A_83 = vector.broadcast %get3A_82 : vector<1x16xf32> to vector<2000x16xf32>
    %add3A_84 = arith.addf %add3A_79, %add3A_83 : vector<2000x16xf32>
    %gt3A = arith.constant 0.000000e+00 : f32
    %gt3A_85 = vector.broadcast %gt3A : f32 to vector<2000x16xf32>
    %gt3A_86 = arith.cmpf ogt, %add3A_84, %gt3A_85 : vector<2000x16xf32>
    %exp3A = math.exp %add3A_84 : vector<2000x16xf32>
    %sub3A = arith.constant 1.000000e+00 : f32
    %sub3A_87 = vector.broadcast %sub3A : f32 to vector<2000x16xf32>
    %sub3A_88 = arith.subf %exp3A, %sub3A_87 : vector<2000x16xf32>
    %mul3A_89 = arith.constant 1.67326319 : f32
    %mul3A_90 = vector.broadcast %mul3A_89 : f32 to vector<2000x16xf32>
    %mul3A_91 = arith.mulf %mul3A_90, %sub3A_88 : vector<2000x16xf32>
    %select_n3A = arith.select %gt3A_86, %add3A_84, %mul3A_91 : vector<2000x16xi1>, vector<2000x16xf32>
    %mul3A_92 = arith.constant 1.05070102 : f32
    %mul3A_93 = vector.broadcast %mul3A_92 : f32 to vector<2000x16xf32>
    %mul3A_94 = arith.mulf %mul3A_93, %select_n3A : vector<2000x16xf32>
    %swap3A = arith.constant 0 : index
    %swap3A_95 = arith.constant 0 : index
    %swap3A_96 = vector.load %arg15[%swap3A, %swap3A_95] : memref<2000x16xf32, #tpu.memory_space<vmem>>, vector<2000x16xf32>
    tpu.vector_store %arg15[%swap3A, %swap3A_95], %mul3A_94 {strides = array<i32>} : memref<2000x16xf32, #tpu.memory_space<vmem>>, vector<2000x16xf32>,
    return
  }
  func.func @transform_0(%arg0: i32) -> (i32, i32, i32) {
    %c0_i32 = arith.constant 0 : i32
    %c0_i32_0 = arith.constant 0 : i32
    %c0_i32_1 = arith.constant 0 : i32
    return %c0_i32, %arg0, %c0_i32_0 : i32, i32, i32
  }
  func.func @transform_1(%arg0: i32) -> (i32, i32) {
    %c0_i32 = arith.constant 0 : i32
    %c0_i32_0 = arith.constant 0 : i32
    return %arg0, %c0_i32 : i32, i32
  }
  func.func @transform_2(%arg0: i32) -> (i32, i32) {
    %c0_i32 = arith.constant 0 : i32
    %c0_i32_0 = arith.constant 0 : i32
    return %arg0, %c0_i32 : i32, i32
  }
  func.func @transform_3(%arg0: i32) -> (i32, i32) {
    %c0_i32 = arith.constant 0 : i32
    %c0_i32_0 = arith.constant 0 : i32
    %c0_i32_1 = arith.constant 0 : i32
    return %c0_i32, %c0_i32_0 : i32, i32
  }
  func.func @transform_4(%arg0: i32) -> (i32, i32) {
    %c0_i32 = arith.constant 0 : i32
    %c0_i32_0 = arith.constant 0 : i32
    %c0_i32_1 = arith.constant 0 : i32
    return %c0_i32, %c0_i32_0 : i32, i32
  }
  func.func @transform_5(%arg0: i32) -> (i32, i32) {
    %c0_i32 = arith.constant 0 : i32
    %c0_i32_0 = arith.constant 0 : i32
    %c0_i32_1 = arith.constant 0 : i32
    return %c0_i32, %c0_i32_0 : i32, i32
  }
  func.func @transform_6(%arg0: i32) -> (i32, i32) {
    %c0_i32 = arith.constant 0 : i32
    %c0_i32_0 = arith.constant 0 : i32
    %c0_i32_1 = arith.constant 0 : i32
    return %c0_i32, %c0_i32_0 : i32, i32
  }
  func.func @transform_7(%arg0: i32) -> (i32, i32) {
    %c0_i32 = arith.constant 0 : i32
    %c0_i32_0 = arith.constant 0 : i32
    %c0_i32_1 = arith.constant 0 : i32
    return %c0_i32, %c0_i32_0 : i32, i32
  }
  func.func @transform_8(%arg0: i32) -> (i32, i32) {
    %c0_i32 = arith.constant 0 : i32
    %c0_i32_0 = arith.constant 0 : i32
    %c0_i32_1 = arith.constant 0 : i32
    return %c0_i32, %c0_i32_0 : i32, i32
  }
  func.func @transform_9(%arg0: i32) -> (i32, i32) {
    %c0_i32 = arith.constant 0 : i32
    %c0_i32_0 = arith.constant 0 : i32
    %c0_i32_1 = arith.constant 0 : i32
    return %c0_i32, %c0_i32_0 : i32, i32
  }
  func.func @transform_10(%arg0: i32) -> (i32, i32) {
    %c0_i32 = arith.constant 0 : i32
    %c0_i32_0 = arith.constant 0 : i32
    %c0_i32_1 = arith.constant 0 : i32
    return %c0_i32, %c0_i32_0 : i32, i32
  }
  func.func @transform_11(%arg0: i32) -> (i32, i32) {
    %c0_i32 = arith.constant 0 : i32
    %c0_i32_0 = arith.constant 0 : i32
    %c0_i32_1 = arith.constant 0 : i32
    return %c0_i32, %c0_i32_0 : i32, i32
  }
  func.func @transform_12(%arg0: i32) -> (i32, i32) {
    %c0_i32 = arith.constant 0 : i32
    %c0_i32_0 = arith.constant 0 : i32
    %c0_i32_1 = arith.constant 0 : i32
    return %c0_i32, %c0_i32_0 : i32, i32
  }
  func.func @transform_13(%arg0: i32) -> (i32, i32) {
    %c0_i32 = arith.constant 0 : i32
    %c0_i32_0 = arith.constant 0 : i32
    %c0_i32_1 = arith.constant 0 : i32
    return %c0_i32, %c0_i32_0 : i32, i32
  }
  func.func @transform_14(%arg0: i32) -> (i32, i32) {
    %c0_i32 = arith.constant 0 : i32
    %c0_i32_0 = arith.constant 0 : i32
    return %arg0, %c0_i32 : i32, i32
  }
}

module attributes {stable_mosaic.version = 14 : i64} {
  func.func @body(%arg0: i32, %arg1: memref<2000x4xf32, #tpu.memory_space<vmem>>, %arg2: memref<2000x16xf32, #tpu.memory_space<vmem>>, %arg3: memref<2000x16xf32, #tpu.memory_space<vmem>>, %arg4: memref<2000x16xf32, #tpu.memory_space<vmem>>, %arg5: memref<4x256xbf16, #tpu.memory_space<vmem>>, %arg6: memref<1x256xf32, #tpu.memory_space<vmem>>, %arg7: memref<1x256xf32, #tpu.memory_space<vmem>>, %arg8: memref<256x256xbf16, #tpu.memory_space<vmem>>, %arg9: memref<1x256xf32, #tpu.memory_space<vmem>>, %arg10: memref<256x256xbf16, #tpu.memory_space<vmem>>, %arg11: memref<1x256xf32, #tpu.memory_space<vmem>>, %arg12: memref<256x16xf32, #tpu.memory_space<vmem>>, %arg13: memref<48x16xf32, #tpu.memory_space<vmem>>, %arg14: memref<48x1xf32, #tpu.memory_space<vmem>>, %arg15: memref<2000x16xf32, #tpu.memory_space<vmem>>) attributes {dimension_semantics = [#tpu.dimension_semantics<arbitrary>], iteration_bounds = array<i64: 80>, scalar_prefetch = 0 : i64, scratch_operands = 0 : i64, tpu.core_type = #tpu.core_type<tc>, window_params = [{transform_indices = @transform_0, window_bounds = array<i64: 2000, 4>}, {transform_indices = @transform_1, window_bounds = array<i64: 2000, 16>}, {transform_indices = @transform_2, window_bounds = array<i64: 2000, 16>}, {transform_indices = @transform_3, window_bounds = array<i64: 2000, 16>}, {pipeline_mode = #tpu.pipeline_mode<synchronous>, transform_indices = @transform_4, window_bounds = array<i64: 4, 256>}, {pipeline_mode = #tpu.pipeline_mode<synchronous>, transform_indices = @transform_5, window_bounds = array<i64: 1, 256>}, {pipeline_mode = #tpu.pipeline_mode<synchronous>, transform_indices = @transform_6, window_bounds = array<i64: 1, 256>}, {pipeline_mode = #tpu.pipeline_mode<synchronous>, transform_indices = @transform_7, window_bounds = array<i64: 256, 256>}, {pipeline_mode = #tpu.pipeline_mode<synchronous>, transform_indices = @transform_8, window_bounds = array<i64: 1, 256>}, {pipeline_mode = #tpu.pipeline_mode<synchronous>, transform_indices = @transform_9, window_bounds = array<i64: 256, 256>}, {pipeline_mode = #tpu.pipeline_mode<synchronous>, transform_indices = @transform_10, window_bounds = array<i64: 1, 256>}, {pipeline_mode = #tpu.pipeline_mode<synchronous>, transform_indices = @transform_11, window_bounds = array<i64: 256, 16>}, {pipeline_mode = #tpu.pipeline_mode<synchronous>, transform_indices = @transform_12, window_bounds = array<i64: 48, 16>}, {pipeline_mode = #tpu.pipeline_mode<synchronous>, transform_indices = @transform_13, window_bounds = array<i64: 48, 1>}, {transform_indices = @transform_14, window_bounds = array<i64: 2000, 16>}]} {
    %get3A = arith.constant 0 : index
    %get3A_0 = arith.constant 0 : index
    %get3A_1 = vector.load %arg5[%get3A, %get3A_0] : memref<4x256xbf16, #tpu.memory_space<vmem>>, vector<4x256xbf16>
    %get3A_2 = arith.constant 0 : index
    %get3A_3 = arith.constant 0 : index
    %get3A_4 = vector.load %arg6[%get3A_2, %get3A_3] : memref<1x256xf32, #tpu.memory_space<vmem>>, vector<1x256xf32>
    %get3A_5 = arith.constant 0 : index
    %get3A_6 = arith.constant 0 : index
    %get3A_7 = vector.load %arg7[%get3A_5, %get3A_6] : memref<1x256xf32, #tpu.memory_space<vmem>>, vector<1x256xf32>
    %get3A_8 = arith.constant 0 : index
    %get3A_9 = arith.constant 0 : index
    %get3A_10 = vector.load %arg8[%get3A_8, %get3A_9] : memref<256x256xbf16, #tpu.memory_space<vmem>>, vector<256x256xbf16>
    %get3A_11 = arith.constant 0 : index
    %get3A_12 = arith.constant 0 : index
    %get3A_13 = vector.load %arg9[%get3A_11, %get3A_12] : memref<1x256xf32, #tpu.memory_space<vmem>>, vector<1x256xf32>
    %get3A_14 = arith.constant 0 : index
    %get3A_15 = arith.constant 0 : index
    %get3A_16 = vector.load %arg10[%get3A_14, %get3A_15] : memref<256x256xbf16, #tpu.memory_space<vmem>>, vector<256x256xbf16>
    %get3A_17 = arith.constant 0 : index
    %get3A_18 = arith.constant 0 : index
    %get3A_19 = vector.load %arg11[%get3A_17, %get3A_18] : memref<1x256xf32, #tpu.memory_space<vmem>>, vector<1x256xf32>
    %get3A_20 = arith.constant 0 : index
    %get3A_21 = arith.constant 0 : index
    %get3A_22 = vector.load %arg12[%get3A_20, %get3A_21] : memref<256x16xf32, #tpu.memory_space<vmem>>, vector<256x16xf32>
    %get3A_23 = arith.constant 0 : index
    %get3A_24 = arith.constant 0 : index
    %get3A_25 = vector.load %arg1[%get3A_23, %get3A_24] : memref<2000x4xf32, #tpu.memory_space<vmem>>, vector<2000x4xf32>
    %convert_element_type3A = arith.truncf %get3A_25 : vector<2000x4xf32> to vector<2000x4xbf16>
    %dot_general3A = arith.constant dense<0.000000e+00> : vector<2000x256xf32>
    %dot_general3A_26 = tpu.matmul %convert_element_type3A, %get3A_1, %dot_general3A {dimension_numbers = #tpu.dot_dimension_numbers<[1], [0], [0], [1], [0, 0, 1, 1], [], []>, transpose_lhs_hint = false} : vector<2000x4xbf16>, vector<4x256xbf16>, vector<2000x256xf32> -> vector<2000x256xf32>
    %add3A = vector.broadcast %get3A_4 : vector<1x256xf32> to vector<2000x256xf32>
    %add3A_27 = arith.addf %dot_general3A_26, %add3A : vector<2000x256xf32>
    %add3A_28 = vector.broadcast %get3A_7 : vector<1x256xf32> to vector<2000x256xf32>
    %add3A_29 = arith.addf %add3A_27, %add3A_28 : vector<2000x256xf32>
    %mul3A = arith.constant 1.000000e+02 : f32
    %mul3A_30 = vector.broadcast %mul3A : f32 to vector<2000x256xf32>
    %mul3A_31 = arith.mulf %add3A_29, %mul3A_30 : vector<2000x256xf32>
    %sin3A = math.sin %mul3A_31 : vector<2000x256xf32>
    %convert_element_type3A_32 = arith.truncf %sin3A : vector<2000x256xf32> to vector<2000x256xbf16>
    %dot_general3A_33 = arith.constant dense<0.000000e+00> : vector<2000x256xf32>
    %dot_general3A_34 = tpu.matmul %convert_element_type3A_32, %get3A_10, %dot_general3A_33 {dimension_numbers = #tpu.dot_dimension_numbers<[1], [0], [0], [1], [0, 0, 1, 1], [], []>, transpose_lhs_hint = false} : vector<2000x256xbf16>, vector<256x256xbf16>, vector<2000x256xf32> -> vector<2000x256xf32>
    %add3A_35 = vector.broadcast %get3A_13 : vector<1x256xf32> to vector<2000x256xf32>
    %add3A_36 = arith.addf %dot_general3A_34, %add3A_35 : vector<2000x256xf32>
    %mul3A_37 = arith.constant 1.000000e+02 : f32
    %mul3A_38 = vector.broadcast %mul3A_37 : f32 to vector<2000x256xf32>
    %mul3A_39 = arith.mulf %add3A_36, %mul3A_38 : vector<2000x256xf32>
    %sin3A_40 = math.sin %mul3A_39 : vector<2000x256xf32>
    %convert_element_type3A_41 = arith.truncf %sin3A_40 : vector<2000x256xf32> to vector<2000x256xbf16>
    %dot_general3A_42 = arith.constant dense<0.000000e+00> : vector<2000x256xf32>
    %dot_general3A_43 = tpu.matmul %convert_element_type3A_41, %get3A_16, %dot_general3A_42 {dimension_numbers = #tpu.dot_dimension_numbers<[1], [0], [0], [1], [0, 0, 1, 1], [], []>, transpose_lhs_hint = false} : vector<2000x256xbf16>, vector<256x256xbf16>, vector<2000x256xf32> -> vector<2000x256xf32>
    %add3A_44 = vector.broadcast %get3A_19 : vector<1x256xf32> to vector<2000x256xf32>
    %add3A_45 = arith.addf %dot_general3A_43, %add3A_44 : vector<2000x256xf32>
    %mul3A_46 = arith.constant 1.000000e+02 : f32
    %mul3A_47 = vector.broadcast %mul3A_46 : f32 to vector<2000x256xf32>
    %mul3A_48 = arith.mulf %add3A_45, %mul3A_47 : vector<2000x256xf32>
    %sin3A_49 = math.sin %mul3A_48 : vector<2000x256xf32>
    %convert_element_type3A_50 = arith.truncf %sin3A_49 : vector<2000x256xf32> to vector<2000x256xbf16>
    %convert_element_type3A_51 = arith.extf %convert_element_type3A_50 : vector<2000x256xbf16> to vector<2000x256xf32>
    %get3A_52 = arith.constant 0 : index
    %get3A_53 = arith.constant 0 : index
    %get3A_54 = vector.load %arg2[%get3A_52, %get3A_53] : memref<2000x16xf32, #tpu.memory_space<vmem>>, vector<2000x16xf32>
    %get3A_55 = arith.constant 0 : index
    %get3A_56 = arith.constant 0 : index
    %get3A_57 = vector.load %arg3[%get3A_55, %get3A_56] : memref<2000x16xf32, #tpu.memory_space<vmem>>, vector<2000x16xf32>
    %get3A_58 = arith.constant 0 : index
    %get3A_59 = arith.constant 0 : index
    %get3A_60 = vector.load %arg4[%get3A_58, %get3A_59] : memref<2000x16xf32, #tpu.memory_space<vmem>>, vector<2000x16xf32>
    %concatenate3A = tpu.concatenate %get3A_54, %get3A_57, %get3A_60 in 1 : vector<2000x16xf32>, vector<2000x16xf32>, vector<2000x16xf32> -> vector<2000x48xf32>
    %get3A_61 = arith.constant 0 : index
    %get3A_62 = arith.constant 0 : index
    %get3A_63 = vector.load %arg13[%get3A_61, %get3A_62] : memref<48x16xf32, #tpu.memory_space<vmem>>, vector<48x16xf32>
    %dot_general3A_64 = arith.constant dense<0.000000e+00> : vector<2000x16xf32>
    %dot_general3A_65 = tpu.matmul %concatenate3A, %get3A_63, %dot_general3A_64 {dimension_numbers = #tpu.dot_dimension_numbers<[1], [0], [0], [1], [0, 0, 1, 1], [], []>, precision = #tpu.contract_precision<fp32>, transpose_lhs_hint = false} : vector<2000x48xf32>, vector<48x16xf32>, vector<2000x16xf32> -> vector<2000x16xf32>
    %get3A_66 = arith.constant 0 : index
    %get3A_67 = arith.constant 0 : index
    %get3A_68 = vector.load %arg14[%get3A_66, %get3A_67] : memref<48x1xf32, #tpu.memory_space<vmem>>, vector<48x1xf32>
    %dot_general3A_69 = arith.constant dense<0.000000e+00> : vector<2000x1xf32>
    %dot_general3A_70 = tpu.matmul %concatenate3A, %get3A_68, %dot_general3A_69 {dimension_numbers = #tpu.dot_dimension_numbers<[1], [0], [0], [1], [0, 0, 1, 1], [], []>, precision = #tpu.contract_precision<fp32>, transpose_lhs_hint = false} : vector<2000x48xf32>, vector<48x1xf32>, vector<2000x1xf32> -> vector<2000x1xf32>
    %tile3A = tpu.concatenate %dot_general3A_65, %dot_general3A_65, %dot_general3A_65, %dot_general3A_65, %dot_general3A_65, %dot_general3A_65, %dot_general3A_65, %dot_general3A_65, %dot_general3A_65, %dot_general3A_65, %dot_general3A_65, %dot_general3A_65, %dot_general3A_65, %dot_general3A_65, %dot_general3A_65, %dot_general3A_65 in 1 : vector<2000x16xf32>, vector<2000x16xf32>, vector<2000x16xf32>, vector<2000x16xf32>, vector<2000x16xf32>, vector<2000x16xf32>, vector<2000x16xf32>, vector<2000x16xf32>, vector<2000x16xf32>, vector<2000x16xf32>, vector<2000x16xf32>, vector<2000x16xf32>, vector<2000x16xf32>, vector<2000x16xf32>, vector<2000x16xf32>, vector<2000x16xf32> -> vector<2000x256xf32>
    %mul3A_71 = arith.mulf %convert_element_type3A_51, %tile3A : vector<2000x256xf32>
    %dot_general3A_72 = arith.constant dense<0.000000e+00> : vector<2000x16xf32>
    %dot_general3A_73 = tpu.matmul %mul3A_71, %get3A_22, %dot_general3A_72 {dimension_numbers = #tpu.dot_dimension_numbers<[1], [0], [0], [1], [0, 0, 1, 1], [], []>, precision = #tpu.contract_precision<fp32>, transpose_lhs_hint = false} : vector<2000x256xf32>, vector<256x16xf32>, vector<2000x16xf32> -> vector<2000x16xf32>
    %add3A_74 = vector.broadcast %dot_general3A_70 : vector<2000x1xf32> to vector<2000x16xf32>
    %add3A_75 = arith.addf %dot_general3A_73, %add3A_74 : vector<2000x16xf32>
    %swap3A = arith.constant 0 : index
    %swap3A_76 = arith.constant 0 : index
    %swap3A_77 = vector.load %arg15[%swap3A, %swap3A_76] : memref<2000x16xf32, #tpu.memory_space<vmem>>, vector<2000x16xf32>
    tpu.vector_store %arg15[%swap3A, %swap3A_76], %add3A_75 {strides = array<i32>} : memref<2000x16xf32, #tpu.memory_space<vmem>>, vector<2000x16xf32>,
    return
  }
  func.func @transform_0(%arg0: i32) -> (i32, i32) {
    %c0_i32 = arith.constant 0 : i32
    %c0_i32_0 = arith.constant 0 : i32
    return %arg0, %c0_i32 : i32, i32
  }
  func.func @transform_1(%arg0: i32) -> (i32, i32) {
    %c0_i32 = arith.constant 0 : i32
    %c0_i32_0 = arith.constant 0 : i32
    return %arg0, %c0_i32 : i32, i32
  }
  func.func @transform_2(%arg0: i32) -> (i32, i32) {
    %c0_i32 = arith.constant 0 : i32
    %c0_i32_0 = arith.constant 0 : i32
    return %arg0, %c0_i32 : i32, i32
  }
  func.func @transform_3(%arg0: i32) -> (i32, i32) {
    %c0_i32 = arith.constant 0 : i32
    %c0_i32_0 = arith.constant 0 : i32
    return %arg0, %c0_i32 : i32, i32
  }
  func.func @transform_4(%arg0: i32) -> (i32, i32) {
    %c0_i32 = arith.constant 0 : i32
    %c0_i32_0 = arith.constant 0 : i32
    %c0_i32_1 = arith.constant 0 : i32
    return %c0_i32, %c0_i32_0 : i32, i32
  }
  func.func @transform_5(%arg0: i32) -> (i32, i32) {
    %c0_i32 = arith.constant 0 : i32
    %c0_i32_0 = arith.constant 0 : i32
    %c0_i32_1 = arith.constant 0 : i32
    return %c0_i32, %c0_i32_0 : i32, i32
  }
  func.func @transform_6(%arg0: i32) -> (i32, i32) {
    %c0_i32 = arith.constant 0 : i32
    %c0_i32_0 = arith.constant 0 : i32
    %c0_i32_1 = arith.constant 0 : i32
    return %c0_i32, %c0_i32_0 : i32, i32
  }
  func.func @transform_7(%arg0: i32) -> (i32, i32) {
    %c0_i32 = arith.constant 0 : i32
    %c0_i32_0 = arith.constant 0 : i32
    %c0_i32_1 = arith.constant 0 : i32
    return %c0_i32, %c0_i32_0 : i32, i32
  }
  func.func @transform_8(%arg0: i32) -> (i32, i32) {
    %c0_i32 = arith.constant 0 : i32
    %c0_i32_0 = arith.constant 0 : i32
    %c0_i32_1 = arith.constant 0 : i32
    return %c0_i32, %c0_i32_0 : i32, i32
  }
  func.func @transform_9(%arg0: i32) -> (i32, i32) {
    %c0_i32 = arith.constant 0 : i32
    %c0_i32_0 = arith.constant 0 : i32
    %c0_i32_1 = arith.constant 0 : i32
    return %c0_i32, %c0_i32_0 : i32, i32
  }
  func.func @transform_10(%arg0: i32) -> (i32, i32) {
    %c0_i32 = arith.constant 0 : i32
    %c0_i32_0 = arith.constant 0 : i32
    %c0_i32_1 = arith.constant 0 : i32
    return %c0_i32, %c0_i32_0 : i32, i32
  }
  func.func @transform_11(%arg0: i32) -> (i32, i32) {
    %c0_i32 = arith.constant 0 : i32
    %c0_i32_0 = arith.constant 0 : i32
    %c0_i32_1 = arith.constant 0 : i32
    return %c0_i32, %c0_i32_0 : i32, i32
  }
  func.func @transform_12(%arg0: i32) -> (i32, i32) {
    %c0_i32 = arith.constant 0 : i32
    %c0_i32_0 = arith.constant 0 : i32
    %c0_i32_1 = arith.constant 0 : i32
    return %c0_i32, %c0_i32_0 : i32, i32
  }
  func.func @transform_13(%arg0: i32) -> (i32, i32) {
    %c0_i32 = arith.constant 0 : i32
    %c0_i32_0 = arith.constant 0 : i32
    %c0_i32_1 = arith.constant 0 : i32
    return %c0_i32, %c0_i32_0 : i32, i32
  }
  func.func @transform_14(%arg0: i32) -> (i32, i32) {
    %c0_i32 = arith.constant 0 : i32
    %c0_i32_0 = arith.constant 0 : i32
    return %arg0, %c0_i32 : i32, i32
  }
}

module attributes {stable_mosaic.version = 14 : i64} {
  func.func @_node_body(%arg0: i32, %arg1: memref<2x2000x16xf32, #tpu.memory_space<vmem>>, %arg2: memref<2000x16xf32, #tpu.memory_space<vmem>>, %arg3: memref<2000x16xf32, #tpu.memory_space<vmem>>, %arg4: memref<2000x16xf32, #tpu.memory_space<vmem>>, %arg5: memref<4x256xbf16, #tpu.memory_space<vmem>>, %arg6: memref<1x256xf32, #tpu.memory_space<vmem>>, %arg7: memref<1x256xf32, #tpu.memory_space<vmem>>, %arg8: memref<256x256xbf16, #tpu.memory_space<vmem>>, %arg9: memref<1x256xf32, #tpu.memory_space<vmem>>, %arg10: memref<256x256xbf16, #tpu.memory_space<vmem>>, %arg11: memref<1x256xf32, #tpu.memory_space<vmem>>, %arg12: memref<256x16xf32, #tpu.memory_space<vmem>>, %arg13: memref<48x16xf32, #tpu.memory_space<vmem>>, %arg14: memref<48x1xf32, #tpu.memory_space<vmem>>, %arg15: memref<1x16xf32, #tpu.memory_space<vmem>>, %arg16: memref<2000x16xf32, #tpu.memory_space<vmem>>, %arg17: memref<2000x16xf32, #tpu.memory_space<vmem>>) attributes {dimension_semantics = [#tpu.dimension_semantics<arbitrary>], iteration_bounds = array<i64: 5>, scalar_prefetch = 0 : i64, scratch_operands = 0 : i64, tpu.core_type = #tpu.core_type<tc>, window_params = [{transform_indices = @transform_0, window_bounds = array<i64: 2, 2000, 16>}, {transform_indices = @transform_1, window_bounds = array<i64: 2000, 16>}, {transform_indices = @transform_2, window_bounds = array<i64: 2000, 16>}, {transform_indices = @transform_3, window_bounds = array<i64: 2000, 16>}, {pipeline_mode = #tpu.pipeline_mode<synchronous>, transform_indices = @transform_4, window_bounds = array<i64: 4, 256>}, {pipeline_mode = #tpu.pipeline_mode<synchronous>, transform_indices = @transform_5, window_bounds = array<i64: 1, 256>}, {pipeline_mode = #tpu.pipeline_mode<synchronous>, transform_indices = @transform_6, window_bounds = array<i64: 1, 256>}, {pipeline_mode = #tpu.pipeline_mode<synchronous>, transform_indices = @transform_7, window_bounds = array<i64: 256, 256>}, {pipeline_mode = #tpu.pipeline_mode<synchronous>, transform_indices = @transform_8, window_bounds = array<i64: 1, 256>}, {pipeline_mode = #tpu.pipeline_mode<synchronous>, transform_indices = @transform_9, window_bounds = array<i64: 256, 256>}, {pipeline_mode = #tpu.pipeline_mode<synchronous>, transform_indices = @transform_10, window_bounds = array<i64: 1, 256>}, {pipeline_mode = #tpu.pipeline_mode<synchronous>, transform_indices = @transform_11, window_bounds = array<i64: 256, 16>}, {pipeline_mode = #tpu.pipeline_mode<synchronous>, transform_indices = @transform_12, window_bounds = array<i64: 48, 16>}, {pipeline_mode = #tpu.pipeline_mode<synchronous>, transform_indices = @transform_13, window_bounds = array<i64: 48, 1>}, {pipeline_mode = #tpu.pipeline_mode<synchronous>, transform_indices = @transform_14, window_bounds = array<i64: 1, 16>}, {transform_indices = @transform_15, window_bounds = array<i64: 2000, 16>}, {transform_indices = @transform_16, window_bounds = array<i64: 2000, 16>}]} {
    %get3A = arith.constant 0 : index
    %get3A_0 = arith.constant 0 : index
    %get3A_1 = vector.load %arg5[%get3A, %get3A_0] : memref<4x256xbf16, #tpu.memory_space<vmem>>, vector<4x256xbf16>
    %get3A_2 = arith.constant 0 : index
    %get3A_3 = arith.constant 0 : index
    %get3A_4 = vector.load %arg6[%get3A_2, %get3A_3] : memref<1x256xf32, #tpu.memory_space<vmem>>, vector<1x256xf32>
    %get3A_5 = arith.constant 0 : index
    %get3A_6 = arith.constant 0 : index
    %get3A_7 = vector.load %arg7[%get3A_5, %get3A_6] : memref<1x256xf32, #tpu.memory_space<vmem>>, vector<1x256xf32>
    %get3A_8 = arith.constant 0 : index
    %get3A_9 = arith.constant 0 : index
    %get3A_10 = vector.load %arg8[%get3A_8, %get3A_9] : memref<256x256xbf16, #tpu.memory_space<vmem>>, vector<256x256xbf16>
    %get3A_11 = arith.constant 0 : index
    %get3A_12 = arith.constant 0 : index
    %get3A_13 = vector.load %arg9[%get3A_11, %get3A_12] : memref<1x256xf32, #tpu.memory_space<vmem>>, vector<1x256xf32>
    %get3A_14 = arith.constant 0 : index
    %get3A_15 = arith.constant 0 : index
    %get3A_16 = vector.load %arg10[%get3A_14, %get3A_15] : memref<256x256xbf16, #tpu.memory_space<vmem>>, vector<256x256xbf16>
    %get3A_17 = arith.constant 0 : index
    %get3A_18 = arith.constant 0 : index
    %get3A_19 = vector.load %arg11[%get3A_17, %get3A_18] : memref<1x256xf32, #tpu.memory_space<vmem>>, vector<1x256xf32>
    %get3A_20 = arith.constant 0 : index
    %get3A_21 = arith.constant 0 : index
    %get3A_22 = vector.load %arg12[%get3A_20, %get3A_21] : memref<256x16xf32, #tpu.memory_space<vmem>>, vector<256x16xf32>
    %broadcast_in_dim3A = arith.constant 0.000000e+00 : f32
    %broadcast_in_dim3A_23 = vector.broadcast %broadcast_in_dim3A : f32 to vector<1x4xf32>
    %convert_element_type3A = arith.truncf %broadcast_in_dim3A_23 : vector<1x4xf32> to vector<1x4xbf16>
    %dot_general3A = arith.constant dense<0.000000e+00> : vector<1x256xf32>
    %dot_general3A_24 = tpu.matmul %convert_element_type3A, %get3A_1, %dot_general3A {dimension_numbers = #tpu.dot_dimension_numbers<[1], [0], [0], [1], [0, 0, 1, 1], [], []>, transpose_lhs_hint = false} : vector<1x4xbf16>, vector<4x256xbf16>, vector<1x256xf32> -> vector<1x256xf32>
    %add3A = arith.addf %dot_general3A_24, %get3A_4 : vector<1x256xf32>
    %add3A_25 = arith.addf %add3A, %get3A_7 : vector<1x256xf32>
    %mul3A = arith.constant 1.000000e+02 : f32
    %mul3A_26 = vector.broadcast %mul3A : f32 to vector<1x256xf32>
    %mul3A_27 = arith.mulf %add3A_25, %mul3A_26 : vector<1x256xf32>
    %sin3A = math.sin %mul3A_27 : vector<1x256xf32>
    %convert_element_type3A_28 = arith.truncf %sin3A : vector<1x256xf32> to vector<1x256xbf16>
    %dot_general3A_29 = arith.constant dense<0.000000e+00> : vector<1x256xf32>
    %dot_general3A_30 = tpu.matmul %convert_element_type3A_28, %get3A_10, %dot_general3A_29 {dimension_numbers = #tpu.dot_dimension_numbers<[1], [0], [0], [1], [0, 0, 1, 1], [], []>, transpose_lhs_hint = false} : vector<1x256xbf16>, vector<256x256xbf16>, vector<1x256xf32> -> vector<1x256xf32>
    %add3A_31 = arith.addf %dot_general3A_30, %get3A_13 : vector<1x256xf32>
    %mul3A_32 = arith.constant 1.000000e+02 : f32
    %mul3A_33 = vector.broadcast %mul3A_32 : f32 to vector<1x256xf32>
    %mul3A_34 = arith.mulf %add3A_31, %mul3A_33 : vector<1x256xf32>
    %sin3A_35 = math.sin %mul3A_34 : vector<1x256xf32>
    %convert_element_type3A_36 = arith.truncf %sin3A_35 : vector<1x256xf32> to vector<1x256xbf16>
    %dot_general3A_37 = arith.constant dense<0.000000e+00> : vector<1x256xf32>
    %dot_general3A_38 = tpu.matmul %convert_element_type3A_36, %get3A_16, %dot_general3A_37 {dimension_numbers = #tpu.dot_dimension_numbers<[1], [0], [0], [1], [0, 0, 1, 1], [], []>, transpose_lhs_hint = false} : vector<1x256xbf16>, vector<256x256xbf16>, vector<1x256xf32> -> vector<1x256xf32>
    %add3A_39 = arith.addf %dot_general3A_38, %get3A_19 : vector<1x256xf32>
    %mul3A_40 = arith.constant 1.000000e+02 : f32
    %mul3A_41 = vector.broadcast %mul3A_40 : f32 to vector<1x256xf32>
    %mul3A_42 = arith.mulf %add3A_39, %mul3A_41 : vector<1x256xf32>
    %sin3A_43 = math.sin %mul3A_42 : vector<1x256xf32>
    %convert_element_type3A_44 = arith.truncf %sin3A_43 : vector<1x256xf32> to vector<1x256xbf16>
    %convert_element_type3A_45 = arith.extf %convert_element_type3A_44 : vector<1x256xbf16> to vector<1x256xf32>
    %get3A_46 = arith.constant 0 : index
    %get3A_47 = arith.constant 0 : index
    %get3A_48 = vector.load %arg2[%get3A_46, %get3A_47] : memref<2000x16xf32, #tpu.memory_space<vmem>>, vector<2000x16xf32>
    %get3A_49 = arith.constant 0 : index
    %get3A_50 = arith.constant 0 : index
    %get3A_51 = vector.load %arg3[%get3A_49, %get3A_50] : memref<2000x16xf32, #tpu.memory_space<vmem>>, vector<2000x16xf32>
    %get3A_52 = arith.constant 0 : index
    %get3A_53 = arith.constant 0 : index
    %get3A_54 = vector.load %arg4[%get3A_52, %get3A_53] : memref<2000x16xf32, #tpu.memory_space<vmem>>, vector<2000x16xf32>
    %concatenate3A = tpu.concatenate %get3A_48, %get3A_51, %get3A_54 in 1 : vector<2000x16xf32>, vector<2000x16xf32>, vector<2000x16xf32> -> vector<2000x48xf32>
    %get3A_55 = arith.constant 0 : index
    %get3A_56 = arith.constant 0 : index
    %get3A_57 = vector.load %arg13[%get3A_55, %get3A_56] : memref<48x16xf32, #tpu.memory_space<vmem>>, vector<48x16xf32>
    %dot_general3A_58 = arith.constant dense<0.000000e+00> : vector<2000x16xf32>
    %dot_general3A_59 = tpu.matmul %concatenate3A, %get3A_57, %dot_general3A_58 {dimension_numbers = #tpu.dot_dimension_numbers<[1], [0], [0], [1], [0, 0, 1, 1], [], []>, precision = #tpu.contract_precision<fp32>, transpose_lhs_hint = false} : vector<2000x48xf32>, vector<48x16xf32>, vector<2000x16xf32> -> vector<2000x16xf32>
    %get3A_60 = arith.constant 0 : index
    %get3A_61 = arith.constant 0 : index
    %get3A_62 = vector.load %arg14[%get3A_60, %get3A_61] : memref<48x1xf32, #tpu.memory_space<vmem>>, vector<48x1xf32>
    %dot_general3A_63 = arith.constant dense<0.000000e+00> : vector<2000x1xf32>
    %dot_general3A_64 = tpu.matmul %concatenate3A, %get3A_62, %dot_general3A_63 {dimension_numbers = #tpu.dot_dimension_numbers<[1], [0], [0], [1], [0, 0, 1, 1], [], []>, precision = #tpu.contract_precision<fp32>, transpose_lhs_hint = false} : vector<2000x48xf32>, vector<48x1xf32>, vector<2000x1xf32> -> vector<2000x1xf32>
    %tile3A = tpu.concatenate %dot_general3A_59, %dot_general3A_59, %dot_general3A_59, %dot_general3A_59, %dot_general3A_59, %dot_general3A_59, %dot_general3A_59, %dot_general3A_59, %dot_general3A_59, %dot_general3A_59, %dot_general3A_59, %dot_general3A_59, %dot_general3A_59, %dot_general3A_59, %dot_general3A_59, %dot_general3A_59 in 1 : vector<2000x16xf32>, vector<2000x16xf32>, vector<2000x16xf32>, vector<2000x16xf32>, vector<2000x16xf32>, vector<2000x16xf32>, vector<2000x16xf32>, vector<2000x16xf32>, vector<2000x16xf32>, vector<2000x16xf32>, vector<2000x16xf32>, vector<2000x16xf32>, vector<2000x16xf32>, vector<2000x16xf32>, vector<2000x16xf32>, vector<2000x16xf32> -> vector<2000x256xf32>
    %mul3A_65 = vector.broadcast %convert_element_type3A_45 : vector<1x256xf32> to vector<2000x256xf32>
    %mul3A_66 = arith.mulf %tile3A, %mul3A_65 : vector<2000x256xf32>
    %dot_general3A_67 = arith.constant dense<0.000000e+00> : vector<2000x16xf32>
    %dot_general3A_68 = tpu.matmul %mul3A_66, %get3A_22, %dot_general3A_67 {dimension_numbers = #tpu.dot_dimension_numbers<[1], [0], [0], [1], [0, 0, 1, 1], [], []>, precision = #tpu.contract_precision<fp32>, transpose_lhs_hint = false} : vector<2000x256xf32>, vector<256x16xf32>, vector<2000x16xf32> -> vector<2000x16xf32>
    %add3A_69 = vector.broadcast %dot_general3A_64 : vector<2000x1xf32> to vector<2000x16xf32>
    %add3A_70 = arith.addf %dot_general3A_68, %add3A_69 : vector<2000x16xf32>
    %get3A_71 = arith.constant 0 : index
    %get3A_72 = arith.constant 0 : index
    %get3A_73 = arith.constant 0 : index
    %get3A_74 = vector.load %arg1[%get3A_71, %get3A_72, %get3A_73] : memref<2x2000x16xf32, #tpu.memory_space<vmem>>, vector<1x2000x16xf32>
    %get3A_75 = vector.shape_cast %get3A_74 : vector<1x2000x16xf32> to vector<2000x16xf32>
    %get3A_76 = arith.constant 1 : index
    %get3A_77 = arith.constant 0 : index
    %get3A_78 = arith.constant 0 : index
    %get3A_79 = vector.load %arg1[%get3A_76, %get3A_77, %get3A_78] : memref<2x2000x16xf32, #tpu.memory_space<vmem>>, vector<1x2000x16xf32>
    %get3A_80 = vector.shape_cast %get3A_79 : vector<1x2000x16xf32> to vector<2000x16xf32>
    %add3A_81 = arith.addf %get3A_75, %get3A_80 : vector<2000x16xf32>
    %add3A_82 = arith.addf %add3A_81, %add3A_70 : vector<2000x16xf32>
    %get3A_83 = arith.constant 0 : index
    %get3A_84 = arith.constant 0 : index
    %get3A_85 = vector.load %arg15[%get3A_83, %get3A_84] : memref<1x16xf32, #tpu.memory_space<vmem>>, vector<1x16xf32>
    %add3A_86 = vector.broadcast %get3A_85 : vector<1x16xf32> to vector<2000x16xf32>
    %add3A_87 = arith.addf %add3A_82, %add3A_86 : vector<2000x16xf32>
    %gt3A = arith.constant 0.000000e+00 : f32
    %gt3A_88 = vector.broadcast %gt3A : f32 to vector<2000x16xf32>
    %gt3A_89 = arith.cmpf ogt, %add3A_87, %gt3A_88 : vector<2000x16xf32>
    %exp3A = math.exp %add3A_87 : vector<2000x16xf32>
    %sub3A = arith.constant 1.000000e+00 : f32
    %sub3A_90 = vector.broadcast %sub3A : f32 to vector<2000x16xf32>
    %sub3A_91 = arith.subf %exp3A, %sub3A_90 : vector<2000x16xf32>
    %mul3A_92 = arith.constant 1.67326319 : f32
    %mul3A_93 = vector.broadcast %mul3A_92 : f32 to vector<2000x16xf32>
    %mul3A_94 = arith.mulf %mul3A_93, %sub3A_91 : vector<2000x16xf32>
    %select_n3A = arith.select %gt3A_89, %add3A_87, %mul3A_94 : vector<2000x16xi1>, vector<2000x16xf32>
    %mul3A_95 = arith.constant 1.05070102 : f32
    %mul3A_96 = vector.broadcast %mul3A_95 : f32 to vector<2000x16xf32>
    %mul3A_97 = arith.mulf %mul3A_96, %select_n3A : vector<2000x16xf32>
    %get3A_98 = arith.constant 0 : index
    %get3A_99 = arith.constant 0 : index
    %get3A_100 = vector.load %arg16[%get3A_98, %get3A_99] : memref<2000x16xf32, #tpu.memory_space<vmem>>, vector<2000x16xf32>
    %mul3A_101 = arith.constant 2.000000e-01 : f32
    %mul3A_102 = vector.broadcast %mul3A_101 : f32 to vector<2000x16xf32>
    %mul3A_103 = arith.mulf %mul3A_102, %mul3A_97 : vector<2000x16xf32>
    %add3A_104 = arith.addf %get3A_100, %mul3A_103 : vector<2000x16xf32>
    %swap3A = arith.constant 0 : index
    %swap3A_105 = arith.constant 0 : index
    %swap3A_106 = vector.load %arg17[%swap3A, %swap3A_105] : memref<2000x16xf32, #tpu.memory_space<vmem>>, vector<2000x16xf32>
    tpu.vector_store %arg17[%swap3A, %swap3A_105], %add3A_104 {strides = array<i32>} : memref<2000x16xf32, #tpu.memory_space<vmem>>, vector<2000x16xf32>,
    return
  }
  func.func @transform_0(%arg0: i32) -> (i32, i32, i32) {
    %c0_i32 = arith.constant 0 : i32
    %c0_i32_0 = arith.constant 0 : i32
    %c0_i32_1 = arith.constant 0 : i32
    return %c0_i32, %arg0, %c0_i32_0 : i32, i32, i32
  }
  func.func @transform_1(%arg0: i32) -> (i32, i32) {
    %c0_i32 = arith.constant 0 : i32
    %c0_i32_0 = arith.constant 0 : i32
    return %arg0, %c0_i32 : i32, i32
  }
  func.func @transform_2(%arg0: i32) -> (i32, i32) {
    %c0_i32 = arith.constant 0 : i32
    %c0_i32_0 = arith.constant 0 : i32
    return %arg0, %c0_i32 : i32, i32
  }
  func.func @transform_3(%arg0: i32) -> (i32, i32) {
    %c0_i32 = arith.constant 0 : i32
    %c0_i32_0 = arith.constant 0 : i32
    return %arg0, %c0_i32 : i32, i32
  }
  func.func @transform_4(%arg0: i32) -> (i32, i32) {
    %c0_i32 = arith.constant 0 : i32
    %c0_i32_0 = arith.constant 0 : i32
    %c0_i32_1 = arith.constant 0 : i32
    return %c0_i32, %c0_i32_0 : i32, i32
  }
  func.func @transform_5(%arg0: i32) -> (i32, i32) {
    %c0_i32 = arith.constant 0 : i32
    %c0_i32_0 = arith.constant 0 : i32
    %c0_i32_1 = arith.constant 0 : i32
    return %c0_i32, %c0_i32_0 : i32, i32
  }
  func.func @transform_6(%arg0: i32) -> (i32, i32) {
    %c0_i32 = arith.constant 0 : i32
    %c0_i32_0 = arith.constant 0 : i32
    %c0_i32_1 = arith.constant 0 : i32
    return %c0_i32, %c0_i32_0 : i32, i32
  }
  func.func @transform_7(%arg0: i32) -> (i32, i32) {
    %c0_i32 = arith.constant 0 : i32
    %c0_i32_0 = arith.constant 0 : i32
    %c0_i32_1 = arith.constant 0 : i32
    return %c0_i32, %c0_i32_0 : i32, i32
  }
  func.func @transform_8(%arg0: i32) -> (i32, i32) {
    %c0_i32 = arith.constant 0 : i32
    %c0_i32_0 = arith.constant 0 : i32
    %c0_i32_1 = arith.constant 0 : i32
    return %c0_i32, %c0_i32_0 : i32, i32
  }
  func.func @transform_9(%arg0: i32) -> (i32, i32) {
    %c0_i32 = arith.constant 0 : i32
    %c0_i32_0 = arith.constant 0 : i32
    %c0_i32_1 = arith.constant 0 : i32
    return %c0_i32, %c0_i32_0 : i32, i32
  }
  func.func @transform_10(%arg0: i32) -> (i32, i32) {
    %c0_i32 = arith.constant 0 : i32
    %c0_i32_0 = arith.constant 0 : i32
    %c0_i32_1 = arith.constant 0 : i32
    return %c0_i32, %c0_i32_0 : i32, i32
  }
  func.func @transform_11(%arg0: i32) -> (i32, i32) {
    %c0_i32 = arith.constant 0 : i32
    %c0_i32_0 = arith.constant 0 : i32
    %c0_i32_1 = arith.constant 0 : i32
    return %c0_i32, %c0_i32_0 : i32, i32
  }
  func.func @transform_12(%arg0: i32) -> (i32, i32) {
    %c0_i32 = arith.constant 0 : i32
    %c0_i32_0 = arith.constant 0 : i32
    %c0_i32_1 = arith.constant 0 : i32
    return %c0_i32, %c0_i32_0 : i32, i32
  }
  func.func @transform_13(%arg0: i32) -> (i32, i32) {
    %c0_i32 = arith.constant 0 : i32
    %c0_i32_0 = arith.constant 0 : i32
    %c0_i32_1 = arith.constant 0 : i32
    return %c0_i32, %c0_i32_0 : i32, i32
  }
  func.func @transform_14(%arg0: i32) -> (i32, i32) {
    %c0_i32 = arith.constant 0 : i32
    %c0_i32_0 = arith.constant 0 : i32
    %c0_i32_1 = arith.constant 0 : i32
    return %c0_i32, %c0_i32_0 : i32, i32
  }
  func.func @transform_15(%arg0: i32) -> (i32, i32) {
    %c0_i32 = arith.constant 0 : i32
    %c0_i32_0 = arith.constant 0 : i32
    return %arg0, %c0_i32 : i32, i32
  }
  func.func @transform_16(%arg0: i32) -> (i32, i32) {
    %c0_i32 = arith.constant 0 : i32
    %c0_i32_0 = arith.constant 0 : i32
    return %arg0, %c0_i32 : i32, i32
  }
}

</mosaic_0001>

<sc_bundles>
// kernel: kernel.14.cloned.1.call-start
scs
__scs_entry_jumppad:
0x0: {  	(pc) =	sbr.rel $0x88, $3  }
0x1: {  	(tag) =	ssettag $0x0;
	lr =	simm.s32 $0x1  }
0x2: {  	[smem:$0x3F83] =	sst lr;
	_ =	strace $0xD0000000  }
0x3: {  	_ = 	snop  }
0x4: {  	_ = 	snop  }
0x5: {  	_ = 	snop  }
0x6: {  	_ = 	snop  }
0x7: {  	_ = 	snop  }
__scs_overlays_trampoline_lowered:
0x8: {  	[smem:$0x3F92] =	sst s0  }
0x9: {  	[smem:$0x3F93] =	sst s1  }
0xa: {  	[smem:$0x3F94] =	sst s2  }
0xb: {  	[smem:$0x3F95] =	sst s3  }
0xc: {  	[smem:$0x3F96] =	sst s4  }
0xd: {  	[smem:$0x3F97] =	sst s5  }
0xe: {  	[smem:$0x3F98] =	sst s6  }
0xf: {  	[smem:$0x3F99] =	sst s7  }
0x10: {  	[smem:$0x3F9A] =	sst s8  }
0x11: {  	[smem:$0x3F9B] =	sst s9;
	s0 =	simm.s32 @!p0 $0x0  }
0x12: {  	s1 =	sld [smem:$0x3F81];
	s0 =	simm.s32 @p0 $0x1  }
0x13: {  	[smem:$0x3F9C] =	sst s0;
	s0 =	simm.s32 @!p1 $0x0  }
0x14: {  	s2 =	sld [smem:$0x3F80];
	s0 =	simm.s32 @p1 $0x1  }
0x15: {  	[smem:$0x3F9D] =	sst s0;
	s0 =	simm.s32 @!p2 $0x0  }
0x16: {  	s3 =	sld [smem:$0x3FDB];
	s0 =	simm.s32 @p2 $0x1  }
0x17: {  	s4 =	simm.s32 $0x1BF5;
	[smem:$0x3F9F] =	sst s0  }
0x18: {  	s0 =	sld [smem:$0x3F82];
	_ =	swait.ge [sflag:s4], $0x0  }
0x19: {  	s7 =	sld [smem:$0x3F83]  }
0x1a: {  	s8 =	sadd.s32 $0xFFFFE003, lr  }
0x1b: {  	s9 =	sadd.s32 $0xFFFFFEF7, lr;
	s5 =	simm.s32 $0xFFFFFFFF;
	p2 =	slt.u32 s8, $0xFFFFF086  }
0x1c: {  	p1 =	slt.u32 s9, $0xF7A;
	s5 =	simm.s32 @!p2 $0x0  }
0x1d: {  	s5 =	simm.s32 @p1 $0x1;
	p0 =	seq.s32 s7, s2  }
0x1e: {  	s7 =	smul.u32 @!p0 $0xF7A, s2;
	p2 =	seq.s32 @!p0 s5, $0x0  }
0x1f: {  	s9 =	smul.u32 $0xF7A, s1;
	s8 =	simm.s32 @!p0 $0x1BF5;
	p2 =	por !p2, p0  }
0x20: {  	[sflag:s8] =	ssyncset.s32 @!p0 $0xFFFFF086;
	s6 =	sadd.s32 @!p0 s3, s7;
	s7 =	simm.s32 @!p0 $0x108  }
0x21: {  	s3 =	sadd.s32 s3, s9;
	s6 =	sadd.s32 @!p0 $0x88, s6;
	s7 =	simm.s32 @p2 $0x1082  }
0x22: {  	[simem:s7], [sflag:s8] =	dma.local @!p0 [hbm:s6], $0xF7A  }
0x23: {  	s9 =	sor.u32 $0xD0000000, s2;
	s6 =	simm.s32 $0x108;
	_ =	swait.ge @!p0 [sflag:s8], $0x0  }
0x24: {  	s3 =	sadd.s32 $0x88, s3;
	s6 =	simm.s32 @!p1 $0x1082;
	[sflag:s4] =	ssyncset.s32 $0xFFFFF086  }
0x25: {  	[simem:s6], [sflag:s4] =	dma.local [hbm:s3], $0xF7A  }
0x26: {  	[smem:$0x3F83] =	sst s1;
	(tag) =	ssettag s2;
	_ =	strace s9  }
0x27: {  	s1 =	sld [smem:$0x3F93]  }
0x28: {  	s2 =	sld [smem:$0x3F94]  }
0x29: {  	s4 =	sld [smem:$0x3F96]  }
0x2a: {  	p0 =	seq.s32 s5, $0x0;
	s5 =	sld [smem:$0x3F97]  }
0x2b: {  	s6 =	sld [smem:$0x3F98]  }
0x2c: {  	s7 =	sld [smem:$0x3F99]  }
0x2d: {  	s3 =	simm.s32 $0x108;
	s8 =	sld [smem:$0x3F9A]  }
0x2e: {  	s3 =	simm.s32 @!p0 $0x1082;
	s9 =	sld [smem:$0x3F9B]  }
0x2f: {  	lr =	sadd.s32 s0, s3;
	s0 =	sld [smem:$0x3F92]  }
0x30: {  	s3 =	sld [smem:$0x3F95]  }
0x31: {  	[smem:$0x3F9E] =	sst s10  }
0x32: {  	s10 =	sld [smem:$0x3F9C];
	_ =	sdelay $0x3  }
0x33: {  	p0 =	seq.s32 s10, $0x1;
	s10 =	sld [smem:$0x3F9E];
	_ =	sdelay $0x3  }
0x34: {  	[smem:$0x3F9E] =	sst s10  }
0x35: {  	s10 =	sld [smem:$0x3F9D];
	_ =	sdelay $0x3  }
0x36: {  	p1 =	seq.s32 s10, $0x1;
	s10 =	sld [smem:$0x3F9E];
	_ =	sdelay $0x3  }
0x37: {  	[smem:$0x3F9E] =	sst s10  }
0x38: {  	s10 =	sld [smem:$0x3F9F]  }
0x39: {  	_ = 	snop;
	(pc) =	sbr.ind lr, $3  }
0x3a: {  	_ = 	snop  }
0x3b: {  	_ = 	snop  }
0x3c: {  	p2 =	seq.s32 s10, $0x1;
	s10 =	sld [smem:$0x3F9E]  }
0x3d: {  	_ =	shalt  }
0x3e: {  	_ =	shalt  }
0x3f: {  	_ =	shalt  }
0x40: {  	_ =	shalt  }
0x41: {  	_ =	shalt  }
0x42: {  	_ =	shalt  }
0x43: {  	_ =	shalt  }
0x44: {  	_ =	shalt  }
0x45: {  	_ =	shalt  }
0x46: {  	_ =	shalt  }
0x47: {  	_ =	shalt  }
0x48: {  	_ =	shalt  }
0x49: {  	_ =	shalt  }
0x4a: {  	_ =	shalt  }
0x4b: {  	_ =	shalt  }
0x4c: {  	_ =	shalt  }
0x4d: {  	_ =	shalt  }
0x4e: {  	_ =	shalt  }
0x4f: {  	_ =	shalt  }
0x50: {  	_ =	shalt  }
0x51: {  	_ =	shalt  }
0x52: {  	_ =	shalt  }
0x53: {  	_ =	shalt  }
0x54: {  	_ =	shalt  }
0x55: {  	_ =	shalt  }
0x56: {  	_ =	shalt  }
0x57: {  	_ =	shalt  }
0x58: {  	_ =	shalt  }
0x59: {  	_ =	shalt  }
0x5a: {  	_ =	shalt  }
0x5b: {  	_ =	shalt  }
0x5c: {  	_ =	shalt  }
0x5d: {  	_ =	shalt  }
0x5e: {  	_ =	shalt  }
0x5f: {  	_ =	shalt  }
0x60: {  	_ =	shalt  }
0x61: {  	_ =	shalt  }
0x62: {  	_ =	shalt  }
0x63: {  	_ =	shalt  }
0x64: {  	_ =	shalt  }
0x65: {  	_ =	shalt  }
0x66: {  	_ =	shalt  }
0x67: {  	_ =	shalt  }
0x68: {  	_ =	shalt  }
0x69: {  	_ =	shalt  }
0x6a: {  	_ =	shalt  }
0x6b: {  	_ =	shalt  }
0x6c: {  	_ =	shalt  }
0x6d: {  	_ =	shalt  }
0x6e: {  	_ =	shalt  }
0x6f: {  	_ =	shalt  }
0x70: {  	_ =	shalt  }
0x71: {  	_ =	shalt  }
0x72: {  	_ =	shalt  }
0x73: {  	_ =	shalt  }
0x74: {  	_ =	shalt  }
0x75: {  	_ =	shalt  }
0x76: {  	_ =	shalt  }
0x77: {  	_ =	shalt  }
0x78: {  	_ =	shalt  }
0x79: {  	_ =	shalt  }
0x7a: {  	_ =	shalt  }
0x7b: {  	_ =	shalt  }
0x7c: {  	_ =	shalt  }
0x7d: {  	_ =	shalt  }
0x7e: {  	_ =	shalt  }
0x7f: {  	_ =	shalt  }
0x80: {  	_ =	shalt  }
0x81: {  	_ =	shalt  }
0x82: {  	_ =	shalt  }
0x83: {  	_ =	shalt  }
0x84: {  	_ =	shalt  }
0x85: {  	_ =	shalt  }
0x86: {  	_ =	shalt  }
0x87: {  	_ =	shalt  }
.Lfunc_end0:
.L_simem_size_0:
called_computation_lowered:
.L_overlay_start_0:
0x88: {  	s2 =	sld [smem:$0x3FD9]  }
0x89: {  	s3 =	sld [smem:$0x3FFE];
	_ =	sdelay $0x1  }
0x8a: {  	s1 =	srdreg.scid  }
0x8b: {  	s0 =	sand.u32 $0x1, s1  }
0x8c: {  	s17 =	sshll.u32 s0, $0xA;
	s2 =	sadd.s32 s3, s2  }
0x8d: {  	s2 =	sadd.s32 s2, s17  }
0x8e: {  	[smem:$0x3FAA] =	sst s2  }
0x8f: {  	_ = 	snop  }
0x90: {  	s2 =	sld [smem:$0x3FD0];
	(tm) =	ssettm $0x1  }
0x91: {  	s18 =	sld [smem:$0x3FFB];
	_ =	sdelay $0x3  }
0x92: {  	_ =	strace s18  }
0x93: {  	s3 =	sld [smem:$0x3FFC];
	_ =	sdelay $0x3  }
0x94: {  	_ =	strace s3  }
0x95: {  	s3 =	sld [smem:$0x3FFD];
	_ =	sdelay $0x3  }
0x96: {  	_ =	strace s3  }
0x97: {  	_ =	strace $0x8FFFFFFF  }
0x98: {  	s19 =	sld [smem:$0x3FDB];
	_ =	sdelay $0x1  }
0x99: {  	s4 =	simm.s32 $_scs_section_size  }
0x9a: {  	s5 =	simm.s32 $_size__tile_overlayer_lowered;
	s6 =	simm.s32 $_tile_overlayer_lowered  }
0x9b: {  	s22 =	simm.s32 $0x1BFF;
	s21 =	sshll.u32 s6, $0x1;
	s3 =	sadd.s32 s4, s19  }
0x9c: {  	s7 =	simm.s32 $0x0;
	s20 =	sshll.u32 s5, $0x1;
	s5 =	sadd.s32 s21, s3  }
0x9d: {  	[timem:s7], [sflag:s22] =	dma.local [hbm:s5], s20  }
0x9e: {  	_ =	swait.ge [sflag:s22], s20  }
0x9f: {  	s4 =	ssub.s32 $0x0, s20;
	[sflag:s22] =	ssyncset.done $0x0  }
0xa0: {  	[sflag:s22] =	ssyncadd.s32 s4;
	_ =	sdelay $0x1  }
0xa1: {  	s23 =	simm.s32 $0x1B8B  }
0xa2: {  	_ =	swait.ge [sflag:s23], $0x1  }
0xa3: {  	[sflag:s23] =	ssyncset.done $0x0  }
0xa4: {  	s25 =	simm.s32 $0x1B8E;
	s24 =	sld [smem:$0x3FFE];
	[sflag:s23] =	ssyncadd.s32 $0xFFFFFFFF  }
0xa5: {  	s26 =	simm.s32 $execute0_lowered;
	[smem:$0x3FD2] =	sst s25  }
0xa6: {  	s5 =	sshll.u32 s26, $0x1;
	_ =	strace $0x80000046;
	[dreg:$0x1] =	wrdreg $0xFFFFFFFF  }
0xa7: {  	s28 =	simm.s32 $_size_execute0_lowered;
	s3 =	sadd.s32 s3, s5;
	[dreg:$0x0] =	wrdreg $0x0  }
0xa8: {  	s5 =	sshll.u32 s28, $0x1;
	[dreg:$0x2] =	wrdreg s3  }
0xa9: {  	[dreg:$0x3] =	wrdreg s5  }
0xaa: {  	[dreg:$0x4] =	wrdreg $0xC0  }
0xab: {  	_ =	task [dreg:s7], $0x5FFFF  }
0xac: {  	[dreg:$0x1] =	wrdreg $0xFFFFFFFF  }
0xad: {  	[dreg:$0x0] =	wrdreg $0x60  }
0xae: {  	[dreg:$0x2] =	wrdreg s2  }
0xaf: {  	[dreg:$0x3] =	wrdreg s24  }
0xb0: {  	[dreg:$0x4] =	wrdreg $0x9  }
0xb1: {  	_ =	task.clear_ibuf [dreg:s7], $0x5FFFF;
	_ =	strace $0x90000046  }
0xb2: {  	s29 =	simm.s32 $0x9;
	_ =	strace $0x80000048  }
0xb3: {  	_ =	swait.ge [sflag:s29], $0x1  }
0xb4: {  	[sflag:s29] =	ssyncadd.s32 $0xFFFFFFFF  }
0xb5: {  	_ =	strace $0x90000048  }
0xb6: {  	_ =	sfence  }
0xb7: {  	s30 =	sld [smem:$0x0];
	_ =	sdelay $0x2  }
0xb8: {  	s31 =	sshll.u32 s1, $0xD;
	s1 =	sshrl.u32 s1, $0x2  }
0xb9: {  	s3 =	sand.u32 $0x4000, s31;
	s1 =	sadd.s32 s1, s30  }
0xba: {  	s0 =	sor.u32 s3, s0;
	s1 =	sshll.u32 s1, $0x11  }
0xbb: {  	s0 =	sor.u32 s1, s0  }
0xbc: {  	s0 =	sadd.s32 $0x8F2B, s0  }
0xbd: {  	[sflag:s0] =	ssyncadd.remote.s32 $0x1  }
0xbe: {  	_ =	sfence.sel $0xFFFF  }
0xbf: {  	[dreg:$0x0] =	wrdreg $0xFFFFFFFF;
	(pc) =	sbr.abs _section_cstart, $3  }
0xc0: {  	[dreg:$0x1] =	wrdreg $0xFFFFFFFF  }
0xc1: {  	_ =	task.clear_ibuf [dreg:s7], $0x2FFFF;
	_ =	strace $0x9FFFFFFF  }
0xc2: {  	(tm) =	ssettm $0x7FFFFFFF  }
0xc3: {  	_ =	shalt  }
tec
execute0_lowered:
.L_overlay_start_1:
0x0: {  	(tag) =	ssettag $0x1  }
0x1: {  	s1 =	srdreg.scid;
	s0 =	stileid.u32  }
0x2: {  	s13 =	sand.u32 $0x1, s1;
	s30 =	sshll.u32 s0, $0x1  }
0x3: {  	s2 =	rddreg [dreg:$0x0];
	s8 =	sor.u32 s13, s30  }
0x4: {  	s12 =	rddreg [dreg:$0x1];
	s4 =	smul.u32 $0x271, s8  }
0x5: {  	s3 =	simm.s32 $0x0;
	s1 =	rddreg [dreg:$0x2]  }
0x6: {  	[smem:$0x7FF] =	sst s3;
	s6 =	sadd.s32 s4, s12  }
0x7: {  	_ =	strace $0x80000047;
	s4 =	simm.s32 $0x2;
	s5 =	sadd.s32 $0xC800, s6  }
0x8: {  	[tilespmem:s3], [sflag:$0x2] =	stream.linear.gather [hbm4b:s5+s3], $0x1388, $0x38;
	[tilespmem:$0x15F90] =	vst v63  }
0x9: {  	_ =	swait.ge [sflag:s4], $0x1388  }
0xa: {  	[sflag:s4] =	ssyncset.done $0x0  }
0xb: {  	s7 =	simm.s32 $0x1388;
	s6 =	sadd.s32 $0x7800, s6;
	[sflag:s4] =	ssyncadd.s32 $0xFFFFEC78  }
0xc: {  	[tilespmem:s7], [sflag:$0x2] =	stream.linear.gather [hbm4b:s6+s3], $0x1388, $0x38;
	[tilespmem:$0x15F90] =	vst v63  }
0xd: {  	_ =	swait.ge [sflag:s4], $0x1388  }
0xe: {  	s9 =	simm.s32 $0x1;
	[sflag:s4] =	ssyncset.done $0x0  }
0xf: {  	s10 =	smul.u32 $0x2710, s8;
	s8 =	simm.s32 $0x2710;
	[sflag:s4] =	ssyncadd.s32 $0xFFFFEC78  }
0x10: {  	[tilespmem:s8], [sflag:$0x1] =	stream.indirect.gather [hbm4b:s2+s7], $0x10, s3, s7, $0xb8;
	[tilespmem:$0x15F90] =	vst v63  }
0x11: {  	_ =	swait.ge [sflag:s9], $0x13880  }
0x12: {  	s14 =	sadd.s32 s10, s12;
	[sflag:s9] =	ssyncset.done $0x0  }
0x13: {  	s10 =	sadd.s32 $0x8BC00, s14;
	[sflag:s9] =	ssyncadd.s32 $0xFFFEC780  }
0x14: {  	[hbm4b:s10+s3] =	stream.linear.scatter [tilespmem:s8], [sflag:$0x2], $0x13880, $0x38;
	[tilespmem:$0x15F90] =	vst v63  }
0x15: {  	_ =	swait.ge [sflag:s4], $0x13880  }
0x16: {  	[sflag:s4] =	ssyncset.done $0x0  }
0x17: {  	[sflag:s4] =	ssyncadd.s32 $0xFFFEC780  }
0x18: {  	[tilespmem:s8], [sflag:$0x1] =	stream.indirect.gather [hbm4b:s2+s7], $0x10, s7, s7, $0xb8;
	[tilespmem:$0x15F90] =	vst v63  }
0x19: {  	_ =	swait.ge [sflag:s9], $0x13880  }
0x1a: {  	[sflag:s9] =	ssyncset.done $0x0  }
0x1b: {  	s13 =	ssub.s32 $0x2, s13;
	s11 =	sadd.s32 $0x3DA00, s14;
	[sflag:s9] =	ssyncadd.s32 $0xFFFEC780  }
0x1c: {  	[hbm4b:s11+s3] =	stream.linear.scatter [tilespmem:s8], [sflag:$0x2], $0x13880, $0x38;
	[tilespmem:$0x15F90] =	vst v63  }
0x1d: {  	s15 =	sshrl.u32 s13, $0x1;
	_ =	swait.ge [sflag:s4], $0x13880  }
0x1e: {  	s15 =	ssub.s32 s13, s15;
	[sflag:s4] =	ssyncset.done $0x0  }
0x1f: {  	s12 =	sadd.s32 $0x38A00, s12;
	s31 =	smax.u32 s15, $0x1;
	[sflag:s4] =	ssyncadd.s32 $0xFFFEC780  }
0x20: {  	[tilespmem:s8], [sflag:$0x1] =	stream.indirect.gather [hbm4b:s12+s7], $0x10, s3, s7, $0xb8;
	[tilespmem:$0x15F90] =	vst v63  }
0x21: {  	p0 =	sne.s32 s31, $0x1;
	_ =	swait.ge [sflag:s9], $0x13880  }
.Ltmp0:
0x22: {  	[sflag:s9] =	ssyncset.done $0x0;
	(pc) =	sbr.rel @!p0 .LBB2_2-.Ltmp0, $4  }
0x23: {  	s13 =	sadd.s32 $0xD9E00, s14;
	[sflag:s9] =	ssyncadd.s32 $0xFFFEC780  }
0x24: {  	[hbm4b:s13+s3] =	stream.linear.scatter [tilespmem:s8], [sflag:$0x2], $0x13880, $0x38;
	[tilespmem:$0x15F90] =	vst v63  }
0x25: {  	_ =	swait.ge [sflag:s4], $0x13880  }
0x26: {  	s14 =	sadd.s32 $0xFFFFFFFF, s31;
	[sflag:s4] =	ssyncset.done $0x0  }
.LBB2_1:
0x27: {  	p0 =	sne.s32 s14, $0x1;
	s14 =	sadd.s32 $0xFFFFFFFF, s14;
	[sflag:s4] =	ssyncadd.s32 $0xFFFEC780  }
0x28: {  	[tilespmem:s3], [sflag:$0x2] =	stream.linear.gather [hbm4b:s5+s3], $0x1388, $0x38;
	[tilespmem:$0x15F90] =	vst v63  }
0x29: {  	_ =	swait.ge [sflag:s4], $0x1388  }
0x2a: {  	[sflag:s4] =	ssyncset.done $0x0  }
0x2b: {  	[sflag:s4] =	ssyncadd.s32 $0xFFFFEC78  }
0x2c: {  	[tilespmem:s7], [sflag:$0x2] =	stream.linear.gather [hbm4b:s6+s3], $0x1388, $0x38;
	[tilespmem:$0x15F90] =	vst v63  }
0x2d: {  	_ =	swait.ge [sflag:s4], $0x1388  }
0x2e: {  	[sflag:s4] =	ssyncset.done $0x0  }
0x2f: {  	[sflag:s4] =	ssyncadd.s32 $0xFFFFEC78  }
0x30: {  	[tilespmem:s8], [sflag:$0x1] =	stream.indirect.gather [hbm4b:s2+s7], $0x10, s3, s7, $0xb8;
	[tilespmem:$0x15F90] =	vst v63  }
0x31: {  	_ =	swait.ge [sflag:s9], $0x13880  }
0x32: {  	[sflag:s9] =	ssyncset.done $0x0  }
0x33: {  	[sflag:s9] =	ssyncadd.s32 $0xFFFEC780  }
0x34: {  	[hbm4b:s10+s3] =	stream.linear.scatter [tilespmem:s8], [sflag:$0x2], $0x13880, $0x38;
	[tilespmem:$0x15F90] =	vst v63  }
0x35: {  	_ =	swait.ge [sflag:s4], $0x13880  }
0x36: {  	[sflag:s4] =	ssyncset.done $0x0  }
0x37: {  	[sflag:s4] =	ssyncadd.s32 $0xFFFEC780  }
0x38: {  	[tilespmem:s8], [sflag:$0x1] =	stream.indirect.gather [hbm4b:s2+s7], $0x10, s7, s7, $0xb8;
	[tilespmem:$0x15F90] =	vst v63  }
0x39: {  	_ =	swait.ge [sflag:s9], $0x13880  }
0x3a: {  	[sflag:s9] =	ssyncset.done $0x0  }
0x3b: {  	[sflag:s9] =	ssyncadd.s32 $0xFFFEC780  }
0x3c: {  	[hbm4b:s11+s3] =	stream.linear.scatter [tilespmem:s8], [sflag:$0x2], $0x13880, $0x38;
	[tilespmem:$0x15F90] =	vst v63  }
0x3d: {  	_ =	swait.ge [sflag:s4], $0x13880  }
0x3e: {  	[sflag:s4] =	ssyncset.done $0x0  }
0x3f: {  	[sflag:s4] =	ssyncadd.s32 $0xFFFEC780  }
0x40: {  	[tilespmem:s8], [sflag:$0x1] =	stream.indirect.gather [hbm4b:s12+s7], $0x10, s3, s7, $0xb8;
	[tilespmem:$0x15F90] =	vst v63  }
0x41: {  	_ =	swait.ge [sflag:s9], $0x13880  }
.Ltmp1:
0x42: {  	[sflag:s9] =	ssyncset.done $0x0;
	(pc) =	sbr.rel @p0 .LBB2_1-.Ltmp1, $4  }
0x43: {  	[sflag:s9] =	ssyncadd.s32 $0xFFFEC780  }
0x44: {  	[hbm4b:s13+s3] =	stream.linear.scatter [tilespmem:s8], [sflag:$0x2], $0x13880, $0x38;
	[tilespmem:$0x15F90] =	vst v63  }
0x45: {  	_ =	swait.ge [sflag:s4], $0x13880  }
0x46: {  	[sflag:s4] =	ssyncset.done $0x0  }
.LBB2_2:
0x47: {  	[sflag:s4] =	ssyncadd.s32 $0xFFFEC780  }
0x48: {  	_ =	sfence.sel $0x180000  }
0x49: {  	[bflag:$0x0] =	sbarrier.arrive $0xFFFF  }
0x4a: {  	p0 =	sne.s32 s0, $0x0;
	_ =	strace $0x90000047  }
0x4b: {  	s0 =	sadd.s32 @!p0 $0x100000, s1;
	[bflag:$0x2] =	sbarrier.arrive $0xFFFF  }
0x4c: {  	[sflag:s0] =	ssyncadd.tile.s32 @!p0 $0x1;
	_ =	shalt  }
.Lfunc_end2:
_tile_overlayer_lowered:
.L_overlay_start_2:
0x4d: {  	(tag) =	ssettag $0x2  }
0x4e: {  	s0 =	rddreg [dreg:$0x0];
	s2 =	stileid.u32  }
0x4f: {  	s1 =	rddreg [dreg:$0x1];
	p0 =	sne.s32 s2, $0x0  }
0x50: {  	s3 =	rddreg [dreg:$0x2];
	[bflag:$0x3] =	sbarrier.arrive $0xFFFF;
	s2 =	simm.s32 @!p0 $0x1C02  }
0x51: {  	[timem:s3], [sflag:s2] =	dma.local @!p0 [hbm:s0], s1  }
0x52: {  	s0 =	simm.s32 @!p0 $0x2  }
0x53: {  	_ =	swait.ge @!p0 [sflag:s0], s1  }
0x54: {  	s1 =	ssub.s32 @!p0 $0x0, s1;
	[sflag:s0] =	ssyncset.done @!p0 $0x0  }
0x55: {  	[sflag:s0] =	ssyncadd.s32 @!p0 s1  }
0x56: {  	[bflag:$0x3] =	sbarrier.arrive $0xFFFF  }
0x57: {  	_ =	shalt  }

// kernel: kernel.17.cloned.1.call-start
scs
__scs_entry_jumppad:
0x0: {  	(pc) =	sbr.rel $0x88, $3  }
0x1: {  	(tag) =	ssettag $0x0;
	lr =	simm.s32 $0x1  }
0x2: {  	[smem:$0x3F83] =	sst lr;
	_ =	strace $0xD0000000  }
0x3: {  	_ = 	snop  }
0x4: {  	_ = 	snop  }
0x5: {  	_ = 	snop  }
0x6: {  	_ = 	snop  }
0x7: {  	_ = 	snop  }
__scs_overlays_trampoline_lowered:
0x8: {  	[smem:$0x3F92] =	sst s0  }
0x9: {  	[smem:$0x3F93] =	sst s1  }
0xa: {  	[smem:$0x3F94] =	sst s2  }
0xb: {  	[smem:$0x3F95] =	sst s3  }
0xc: {  	[smem:$0x3F96] =	sst s4  }
0xd: {  	[smem:$0x3F97] =	sst s5  }
0xe: {  	[smem:$0x3F98] =	sst s6  }
0xf: {  	[smem:$0x3F99] =	sst s7  }
0x10: {  	[smem:$0x3F9A] =	sst s8  }
0x11: {  	[smem:$0x3F9B] =	sst s9;
	s0 =	simm.s32 @!p0 $0x0  }
0x12: {  	s1 =	sld [smem:$0x3F81];
	s0 =	simm.s32 @p0 $0x1  }
0x13: {  	[smem:$0x3F9C] =	sst s0;
	s0 =	simm.s32 @!p1 $0x0  }
0x14: {  	s2 =	sld [smem:$0x3F80];
	s0 =	simm.s32 @p1 $0x1  }
0x15: {  	[smem:$0x3F9D] =	sst s0;
	s0 =	simm.s32 @!p2 $0x0  }
0x16: {  	s3 =	sld [smem:$0x3FDB];
	s0 =	simm.s32 @p2 $0x1  }
0x17: {  	s4 =	simm.s32 $0x1BF5;
	[smem:$0x3F9F] =	sst s0  }
0x18: {  	s0 =	sld [smem:$0x3F82];
	_ =	swait.ge [sflag:s4], $0x0  }
0x19: {  	s7 =	sld [smem:$0x3F83]  }
0x1a: {  	s8 =	sadd.s32 $0xFFFFE003, lr  }
0x1b: {  	s9 =	sadd.s32 $0xFFFFFEF7, lr;
	s5 =	simm.s32 $0xFFFFFFFF;
	p2 =	slt.u32 s8, $0xFFFFF086  }
0x1c: {  	p1 =	slt.u32 s9, $0xF7A;
	s5 =	simm.s32 @!p2 $0x0  }
0x1d: {  	s5 =	simm.s32 @p1 $0x1;
	p0 =	seq.s32 s7, s2  }
0x1e: {  	s7 =	smul.u32 @!p0 $0xF7A, s2;
	p2 =	seq.s32 @!p0 s5, $0x0  }
0x1f: {  	s9 =	smul.u32 $0xF7A, s1;
	s8 =	simm.s32 @!p0 $0x1BF5;
	p2 =	por !p2, p0  }
0x20: {  	[sflag:s8] =	ssyncset.s32 @!p0 $0xFFFFF086;
	s6 =	sadd.s32 @!p0 s3, s7;
	s7 =	simm.s32 @!p0 $0x108  }
0x21: {  	s3 =	sadd.s32 s3, s9;
	s6 =	sadd.s32 @!p0 $0x88, s6;
	s7 =	simm.s32 @p2 $0x1082  }
0x22: {  	[simem:s7], [sflag:s8] =	dma.local @!p0 [hbm:s6], $0xF7A  }
0x23: {  	s9 =	sor.u32 $0xD0000000, s2;
	s6 =	simm.s32 $0x108;
	_ =	swait.ge @!p0 [sflag:s8], $0x0  }
0x24: {  	s3 =	sadd.s32 $0x88, s3;
	s6 =	simm.s32 @!p1 $0x1082;
	[sflag:s4] =	ssyncset.s32 $0xFFFFF086  }
0x25: {  	[simem:s6], [sflag:s4] =	dma.local [hbm:s3], $0xF7A  }
0x26: {  	[smem:$0x3F83] =	sst s1;
	(tag) =	ssettag s2;
	_ =	strace s9  }
0x27: {  	s1 =	sld [smem:$0x3F93]  }
0x28: {  	s2 =	sld [smem:$0x3F94]  }
0x29: {  	s4 =	sld [smem:$0x3F96]  }
0x2a: {  	p0 =	seq.s32 s5, $0x0;
	s5 =	sld [smem:$0x3F97]  }
0x2b: {  	s6 =	sld [smem:$0x3F98]  }
0x2c: {  	s7 =	sld [smem:$0x3F99]  }
0x2d: {  	s3 =	simm.s32 $0x108;
	s8 =	sld [smem:$0x3F9A]  }
0x2e: {  	s3 =	simm.s32 @!p0 $0x1082;
	s9 =	sld [smem:$0x3F9B]  }
0x2f: {  	lr =	sadd.s32 s0, s3;
	s0 =	sld [smem:$0x3F92]  }
0x30: {  	s3 =	sld [smem:$0x3F95]  }
0x31: {  	[smem:$0x3F9E] =	sst s10  }
0x32: {  	s10 =	sld [smem:$0x3F9C];
	_ =	sdelay $0x3  }
0x33: {  	p0 =	seq.s32 s10, $0x1;
	s10 =	sld [smem:$0x3F9E];
	_ =	sdelay $0x3  }
0x34: {  	[smem:$0x3F9E] =	sst s10  }
0x35: {  	s10 =	sld [smem:$0x3F9D];
	_ =	sdelay $0x3  }
0x36: {  	p1 =	seq.s32 s10, $0x1;
	s10 =	sld [smem:$0x3F9E];
	_ =	sdelay $0x3  }
0x37: {  	[smem:$0x3F9E] =	sst s10  }
0x38: {  	s10 =	sld [smem:$0x3F9F]  }
0x39: {  	_ = 	snop;
	(pc) =	sbr.ind lr, $3  }
0x3a: {  	_ = 	snop  }
0x3b: {  	_ = 	snop  }
0x3c: {  	p2 =	seq.s32 s10, $0x1;
	s10 =	sld [smem:$0x3F9E]  }
0x3d: {  	_ =	shalt  }
0x3e: {  	_ =	shalt  }
0x3f: {  	_ =	shalt  }
0x40: {  	_ =	shalt  }
0x41: {  	_ =	shalt  }
0x42: {  	_ =	shalt  }
0x43: {  	_ =	shalt  }
0x44: {  	_ =	shalt  }
0x45: {  	_ =	shalt  }
0x46: {  	_ =	shalt  }
0x47: {  	_ =	shalt  }
0x48: {  	_ =	shalt  }
0x49: {  	_ =	shalt  }
0x4a: {  	_ =	shalt  }
0x4b: {  	_ =	shalt  }
0x4c: {  	_ =	shalt  }
0x4d: {  	_ =	shalt  }
0x4e: {  	_ =	shalt  }
0x4f: {  	_ =	shalt  }
0x50: {  	_ =	shalt  }
0x51: {  	_ =	shalt  }
0x52: {  	_ =	shalt  }
0x53: {  	_ =	shalt  }
0x54: {  	_ =	shalt  }
0x55: {  	_ =	shalt  }
0x56: {  	_ =	shalt  }
0x57: {  	_ =	shalt  }
0x58: {  	_ =	shalt  }
0x59: {  	_ =	shalt  }
0x5a: {  	_ =	shalt  }
0x5b: {  	_ =	shalt  }
0x5c: {  	_ =	shalt  }
0x5d: {  	_ =	shalt  }
0x5e: {  	_ =	shalt  }
0x5f: {  	_ =	shalt  }
0x60: {  	_ =	shalt  }
0x61: {  	_ =	shalt  }
0x62: {  	_ =	shalt  }
0x63: {  	_ =	shalt  }
0x64: {  	_ =	shalt  }
0x65: {  	_ =	shalt  }
0x66: {  	_ =	shalt  }
0x67: {  	_ =	shalt  }
0x68: {  	_ =	shalt  }
0x69: {  	_ =	shalt  }
0x6a: {  	_ =	shalt  }
0x6b: {  	_ =	shalt  }
0x6c: {  	_ =	shalt  }
0x6d: {  	_ =	shalt  }
0x6e: {  	_ =	shalt  }
0x6f: {  	_ =	shalt  }
0x70: {  	_ =	shalt  }
0x71: {  	_ =	shalt  }
0x72: {  	_ =	shalt  }
0x73: {  	_ =	shalt  }
0x74: {  	_ =	shalt  }
0x75: {  	_ =	shalt  }
0x76: {  	_ =	shalt  }
0x77: {  	_ =	shalt  }
0x78: {  	_ =	shalt  }
0x79: {  	_ =	shalt  }
0x7a: {  	_ =	shalt  }
0x7b: {  	_ =	shalt  }
0x7c: {  	_ =	shalt  }
0x7d: {  	_ =	shalt  }
0x7e: {  	_ =	shalt  }
0x7f: {  	_ =	shalt  }
0x80: {  	_ =	shalt  }
0x81: {  	_ =	shalt  }
0x82: {  	_ =	shalt  }
0x83: {  	_ =	shalt  }
0x84: {  	_ =	shalt  }
0x85: {  	_ =	shalt  }
0x86: {  	_ =	shalt  }
0x87: {  	_ =	shalt  }
.Lfunc_end0:
.L_simem_size_0:
called_computation.1_lowered:
.L_overlay_start_0:
0x88: {  	s2 =	sld [smem:$0x3FD9]  }
0x89: {  	s3 =	sld [smem:$0x3FFE];
	_ =	sdelay $0x1  }
0x8a: {  	s1 =	srdreg.scid  }
0x8b: {  	s0 =	sand.u32 $0x1, s1  }
0x8c: {  	s17 =	sshll.u32 s0, $0xA;
	s2 =	sadd.s32 s3, s2  }
0x8d: {  	s2 =	sadd.s32 s2, s17  }
0x8e: {  	[smem:$0x3FAA] =	sst s2  }
0x8f: {  	_ = 	snop  }
0x90: {  	s2 =	sld [smem:$0x3FD0];
	(tm) =	ssettm $0x1  }
0x91: {  	s18 =	sld [smem:$0x3FFB];
	_ =	sdelay $0x3  }
0x92: {  	_ =	strace s18  }
0x93: {  	s3 =	sld [smem:$0x3FFC];
	_ =	sdelay $0x3  }
0x94: {  	_ =	strace s3  }
0x95: {  	s3 =	sld [smem:$0x3FFD];
	_ =	sdelay $0x3  }
0x96: {  	_ =	strace s3  }
0x97: {  	_ =	strace $0x8FFFFFFF  }
0x98: {  	s19 =	sld [smem:$0x3FDB];
	_ =	sdelay $0x1  }
0x99: {  	s4 =	simm.s32 $_scs_section_size  }
0x9a: {  	s5 =	simm.s32 $_size__tile_overlayer_lowered;
	s6 =	simm.s32 $_tile_overlayer_lowered  }
0x9b: {  	s22 =	simm.s32 $0x1BFF;
	s21 =	sshll.u32 s6, $0x1;
	s3 =	sadd.s32 s4, s19  }
0x9c: {  	s7 =	simm.s32 $0x0;
	s20 =	sshll.u32 s5, $0x1;
	s5 =	sadd.s32 s21, s3  }
0x9d: {  	[timem:s7], [sflag:s22] =	dma.local [hbm:s5], s20  }
0x9e: {  	_ =	swait.ge [sflag:s22], s20  }
0x9f: {  	s4 =	ssub.s32 $0x0, s20;
	[sflag:s22] =	ssyncset.done $0x0  }
0xa0: {  	[sflag:s22] =	ssyncadd.s32 s4;
	_ =	sdelay $0x1  }
0xa1: {  	s23 =	simm.s32 $0x1B8B  }
0xa2: {  	_ =	swait.ge [sflag:s23], $0x1  }
0xa3: {  	[sflag:s23] =	ssyncset.done $0x0  }
0xa4: {  	s25 =	simm.s32 $0x1B8E;
	s24 =	sld [smem:$0x3FFE];
	[sflag:s23] =	ssyncadd.s32 $0xFFFFFFFF  }
0xa5: {  	s26 =	simm.s32 $execute0_lowered;
	[smem:$0x3FD2] =	sst s25  }
0xa6: {  	s5 =	sshll.u32 s26, $0x1;
	_ =	strace $0x80000049;
	[dreg:$0x1] =	wrdreg $0xFFFFFFFF  }
0xa7: {  	s28 =	simm.s32 $_size_execute0_lowered;
	s3 =	sadd.s32 s3, s5;
	[dreg:$0x0] =	wrdreg $0x0  }
0xa8: {  	s5 =	sshll.u32 s28, $0x1;
	[dreg:$0x2] =	wrdreg s3  }
0xa9: {  	[dreg:$0x3] =	wrdreg s5  }
0xaa: {  	[dreg:$0x4] =	wrdreg $0xC0  }
0xab: {  	_ =	task [dreg:s7], $0x5FFFF  }
0xac: {  	[dreg:$0x1] =	wrdreg $0xFFFFFFFF  }
0xad: {  	[dreg:$0x0] =	wrdreg $0x60  }
0xae: {  	[dreg:$0x2] =	wrdreg s24  }
0xaf: {  	[dreg:$0x3] =	wrdreg s2  }
0xb0: {  	[dreg:$0x4] =	wrdreg $0x14C080  }
0xb1: {  	[dreg:$0x5] =	wrdreg $0x9  }
0xb2: {  	_ =	task.clear_ibuf [dreg:s7], $0x6FFFF;
	_ =	strace $0x90000049  }
0xb3: {  	s29 =	simm.s32 $0x9;
	_ =	strace $0x8000004B  }
0xb4: {  	_ =	swait.ge [sflag:s29], $0x1  }
0xb5: {  	[sflag:s29] =	ssyncadd.s32 $0xFFFFFFFF  }
0xb6: {  	_ =	strace $0x9000004B  }
0xb7: {  	_ =	sfence  }
0xb8: {  	s30 =	sld [smem:$0x0];
	_ =	sdelay $0x2  }
0xb9: {  	s31 =	sshll.u32 s1, $0xD;
	s1 =	sshrl.u32 s1, $0x2  }
0xba: {  	s3 =	sand.u32 $0x4000, s31;
	s1 =	sadd.s32 s1, s30  }
0xbb: {  	s0 =	sor.u32 s3, s0;
	s1 =	sshll.u32 s1, $0x11  }
0xbc: {  	s0 =	sor.u32 s1, s0  }
0xbd: {  	s0 =	sadd.s32 $0x8F2B, s0  }
0xbe: {  	[sflag:s0] =	ssyncadd.remote.s32 $0x1  }
0xbf: {  	_ =	sfence.sel $0xFFFF  }
0xc0: {  	[dreg:$0x0] =	wrdreg $0xFFFFFFFF;
	(pc) =	sbr.abs _section_cstart, $3  }
0xc1: {  	[dreg:$0x1] =	wrdreg $0xFFFFFFFF  }
0xc2: {  	_ =	task.clear_ibuf [dreg:s7], $0x2FFFF;
	_ =	strace $0x9FFFFFFF  }
0xc3: {  	(tm) =	ssettm $0x7FFFFFFF  }
tec
execute0_lowered:
.L_overlay_start_1:
0x0: {  	(tag) =	ssettag $0x1  }
0x1: {  	s4 =	rddreg [dreg:$0x0]  }
0x2: {  	s0 =	srdreg.scid;
	s3 =	rddreg [dreg:$0x1]  }
0x3: {  	s9 =	stileid.u32;
	s1 =	rddreg [dreg:$0x2]  }
0x4: {  	s2 =	simm.s32 $0x0;
	s5 =	sand.u32 $0x1, s0;
	s31 =	sshll.u32 s9, $0x1  }
0x5: {  	s6 =	sor.u32 s5, s31;
	s8 =	smul.u32 $0x27100, s5;
	s5 =	ssub.s32 $0x2, s5  }
0x6: {  	p1 =	por $0x0, $0x0;
	s0 =	rddreg [dreg:$0x3];
	s11 =	sshrl.u32 s5, $0x1  }
0x7: {  	[smem:$0x7FF] =	sst s2;
	s10 =	smul.u32 $0x2710, s9;
	s5 =	ssub.s32 s5, s11  }
0x8: {  	p0 =	sne.s32 s9, $0x0;
	s9 =	sshll.u32 s9, $0x6;
	s11 =	smax.u32 s5, $0x1  }
0x9: {  	_ =	strace $0x8000004A;
	s7 =	smul.u32 $0x2710, s6;
	s15 =	sadd.s32 $0xFFFFFFFF, s11  }
0xa: {  	s12 =	sshrl.u32 @!p0 s1, $0x3;
	s6 =	smul.u32 $0x271, s6;
	p2 =	sne.s32 s15, $0x0  }
.Ltmp0:
0xb: {  	s9 =	sor.u32 $0x1C01, s9;
	s8 =	sadd.s32 s10, s8;
	(pc) =	sbr.rel @!p2 .LBB2_3-.Ltmp0, $4  }
0xc: {  	s10 =	sadd.s32 s10, s1;
	s7 =	sadd.s32 s7, s4;
	s6 =	sadd.s32 s6, s4  }
0xd: {  	s8 =	sshrl.u32 s8, $0x3;
	s5 =	simm.s32 $0x1;
	s10 =	sshrl.u32 s10, $0x3  }
0xe: {  	s4 =	sadd.s32 s8, s4;
	s7 =	sadd.s32 $0x38A00, s7;
	s6 =	sadd.s32 $0x148000, s6  }
0xf: {  	s8 =	simm.s32 $0x13880;
	s11 =	simm.s32 $0x1388;
	s4 =	sadd.s32 $0x86C00, s4  }
0x10: {  	s13 =	simm.s32 @!p0 $0x1C01;
	s14 =	simm.s32 @!p0 $0x1  }
0x11: {  	[spmem:s12], [sflag:s13] =	dma.local @!p0 [hbm:s3], $0x4E40  }
0x12: {  	_ =	swait.ge @!p0 [sflag:s14], $0x4E40  }
0x13: {  	[sflag:s14] =	ssyncset.done @!p0 $0x0  }
0x14: {  	[sflag:s14] =	ssyncadd.s32 @!p0 $0xFFFFB1C0  }
0x15: {  	[bflag:$0x0] =	sbarrier.arrive $0xFFFF  }
0x16: {  	[tilespmem:s2], [sflag:$0x1] =	stream.linear.gather [hbm4b:s7+s2], $0x13880, $0x38;
	[tilespmem:$0x17328] =	vst v63  }
0x17: {  	_ =	swait.ge [sflag:s5], $0x13880  }
0x18: {  	[sflag:s5] =	ssyncset.done $0x0  }
0x19: {  	[sflag:s5] =	ssyncadd.s32 $0xFFFEC780  }
0x1a: {  	[tilespmem:s8], [sflag:$0x1] =	stream.linear.gather [hbm4b:s6+s2], $0x1388, $0x38;
	[tilespmem:$0x17328] =	vst v63  }
0x1b: {  	_ =	swait.ge [sflag:s5], $0x1388  }
0x1c: {  	[sflag:s5] =	ssyncset.done $0x0  }
0x1d: {  	[sflag:s5] =	ssyncadd.s32 $0xFFFFEC78  }
0x1e: {  	[spmem:s1] =	stream.indirect.scatter.add.f32 [tilespmem:s2], [sflag:$0x1], $0x10, s8, s11, $0xb8;
	[tilespmem:$0x17328] =	vst v63  }
0x1f: {  	s15 =	sadd.s32 $0xFFFFFFFF, s15;
	_ =	swait.ge [sflag:s5], $0x13880  }
0x20: {  	p2 =	sne.s32 s15, $0x0;
	[sflag:s5] =	ssyncset.done $0x0  }
.Ltmp1:
0x21: {  	[sflag:s5] =	ssyncadd.s32 $0xFFFEC780;
	(pc) =	sbr.rel @!p2 .LBB2_3-.Ltmp1, $4  }
0x22: {  	[bflag:$0x0] =	sbarrier.arrive $0xFFFF  }
0x23: {  	[hbm:s4], [sflag:s9] =	dma.local [spmem:s10], $0x4E2  }
0x24: {  	_ =	swait.ge [sflag:s5], $0x4E2  }
0x25: {  	p1 =	por $0x1, $0x1;
	[sflag:s5] =	ssyncset.done $0x0  }
.LBB2_2:
0x26: {  	[sflag:s5] =	ssyncadd.s32 $0xFFFFFB1E  }
0x27: {  	[spmem:s12], [sflag:s13] =	dma.local @!p0 [hbm:s3], $0x4E40  }
0x28: {  	s15 =	sadd.s32 $0xFFFFFFFF, s15;
	_ =	swait.ge @!p0 [sflag:s14], $0x4E40  }
0x29: {  	p2 =	sne.s32 s15, $0x0;
	[sflag:s14] =	ssyncset.done @!p0 $0x0  }
0x2a: {  	[sflag:s14] =	ssyncadd.s32 @!p0 $0xFFFFB1C0  }
0x2b: {  	[bflag:$0x0] =	sbarrier.arrive $0xFFFF  }
0x2c: {  	[tilespmem:s2], [sflag:$0x1] =	stream.linear.gather [hbm4b:s7+s2], $0x13880, $0x38;
	[tilespmem:$0x17328] =	vst v63  }
0x2d: {  	_ =	swait.ge [sflag:s5], $0x13880  }
0x2e: {  	[sflag:s5] =	ssyncset.done $0x0  }
0x2f: {  	[sflag:s5] =	ssyncadd.s32 $0xFFFEC780  }
0x30: {  	[tilespmem:s8], [sflag:$0x1] =	stream.linear.gather [hbm4b:s6+s2], $0x1388, $0x38;
	[tilespmem:$0x17328] =	vst v63  }
0x31: {  	_ =	swait.ge [sflag:s5], $0x1388  }
0x32: {  	[sflag:s5] =	ssyncset.done $0x0  }
0x33: {  	[sflag:s5] =	ssyncadd.s32 $0xFFFFEC78  }
0x34: {  	[spmem:s1] =	stream.indirect.scatter.add.f32 [tilespmem:s2], [sflag:$0x1], $0x10, s8, s11, $0xb8;
	[tilespmem:$0x17328] =	vst v63  }
0x35: {  	_ =	swait.ge [sflag:s5], $0x13880  }
0x36: {  	[sflag:s5] =	ssyncset.done $0x0  }
.Ltmp2:
0x37: {  	[sflag:s5] =	ssyncadd.s32 $0xFFFEC780;
	(pc) =	sbr.rel @p2 .LBB2_2-.Ltmp2, $4  }
0x38: {  	[bflag:$0x0] =	sbarrier.arrive $0xFFFF  }
0x39: {  	[hbm:s4], [sflag:s9] =	dma.local [spmem:s10], $0x4E2  }
0x3a: {  	_ =	swait.ge [sflag:s5], $0x4E2  }
0x3b: {  	[sflag:s5] =	ssyncset.done $0x0  }
.LBB2_3:
0x3c: {  	s13 =	simm.s32 @!p0 $0x1C01;
	s14 =	simm.s32 @!p0 $0x1;
	[sflag:s5] =	ssyncadd.s32 @p1 $0xFFFFFB1E  }
0x3d: {  	[spmem:s12], [sflag:s13] =	dma.local @!p0 [hbm:s3], $0x4E40  }
0x3e: {  	_ =	swait.ge @!p0 [sflag:s14], $0x4E40  }
0x3f: {  	[sflag:s14] =	ssyncset.done @!p0 $0x0  }
0x40: {  	[sflag:s14] =	ssyncadd.s32 @!p0 $0xFFFFB1C0  }
0x41: {  	[bflag:$0x0] =	sbarrier.arrive $0xFFFF  }
0x42: {  	[tilespmem:s2], [sflag:$0x1] =	stream.linear.gather [hbm4b:s7+s2], $0x13880, $0x38;
	[tilespmem:$0x17328] =	vst v63  }
0x43: {  	_ =	swait.ge [sflag:s5], $0x13880  }
0x44: {  	[sflag:s5] =	ssyncset.done $0x0  }
0x45: {  	[sflag:s5] =	ssyncadd.s32 $0xFFFEC780  }
0x46: {  	[tilespmem:s8], [sflag:$0x1] =	stream.linear.gather [hbm4b:s6+s2], $0x1388, $0x38;
	[tilespmem:$0x17328] =	vst v63  }
0x47: {  	_ =	swait.ge [sflag:s5], $0x1388  }
0x48: {  	[sflag:s5] =	ssyncset.done $0x0  }
0x49: {  	[sflag:s5] =	ssyncadd.s32 $0xFFFFEC78  }
0x4a: {  	[spmem:s1] =	stream.indirect.scatter.add.f32 [tilespmem:s2], [sflag:$0x1], $0x10, s8, s11, $0xb8;
	[tilespmem:$0x17328] =	vst v63  }
0x4b: {  	_ =	swait.ge [sflag:s5], $0x13880  }
0x4c: {  	[sflag:s5] =	ssyncset.done $0x0  }
0x4d: {  	[sflag:s5] =	ssyncadd.s32 $0xFFFEC780  }
0x4e: {  	[bflag:$0x0] =	sbarrier.arrive $0xFFFF  }
0x4f: {  	[hbm:s4], [sflag:s9] =	dma.local [spmem:s10], $0x4E2  }
0x50: {  	_ =	swait.ge [sflag:s5], $0x4E2  }
0x51: {  	[sflag:s5] =	ssyncset.done $0x0  }
0x52: {  	[sflag:s5] =	ssyncadd.s32 $0xFFFFFB1E  }
0x53: {  	_ =	sfence.sel $0x180000  }
0x54: {  	[bflag:$0x0] =	sbarrier.arrive $0xFFFF  }
0x55: {  	_ =	strace $0x9000004A  }
0x56: {  	s0 =	sadd.s32 @!p0 $0x100000, s0;
	[bflag:$0x2] =	sbarrier.arrive $0xFFFF  }
0x57: {  	[sflag:s0] =	ssyncadd.tile.s32 @!p0 $0x1;
	_ =	shalt  }
.Lfunc_end2:
_tile_overlayer_lowered:
.L_overlay_start_2:
0x58: {  	(tag) =	ssettag $0x2  }
0x59: {  	s0 =	rddreg [dreg:$0x0];
	s2 =	stileid.u32  }
0x5a: {  	s1 =	rddreg [dreg:$0x1];
	p0 =	sne.s32 s2, $0x0  }
0x5b: {  	s3 =	rddreg [dreg:$0x2];
	[bflag:$0x3] =	sbarrier.arrive $0xFFFF;
	s2 =	simm.s32 @!p0 $0x1C01  }
0x5c: {  	[timem:s3], [sflag:s2] =	dma.local @!p0 [hbm:s0], s1  }
0x5d: {  	s0 =	simm.s32 @!p0 $0x1  }
0x5e: {  	_ =	swait.ge @!p0 [sflag:s0], s1  }
0x5f: {  	s1 =	ssub.s32 @!p0 $0x0, s1;
	[sflag:s0] =	ssyncset.done @!p0 $0x0  }
0x60: {  	[sflag:s0] =	ssyncadd.s32 @!p0 s1  }
0x61: {  	[bflag:$0x3] =	sbarrier.arrive $0xFFFF  }
0x62: {  	_ =	shalt  }

// kernel: kernel.20.cloned.1.call-start
scs
__scs_entry_jumppad:
0x0: {  	(pc) =	sbr.rel $0x88, $3  }
0x1: {  	(tag) =	ssettag $0x0;
	lr =	simm.s32 $0x1  }
0x2: {  	[smem:$0x3F83] =	sst lr;
	_ =	strace $0xD0000000  }
0x3: {  	_ = 	snop  }
0x4: {  	_ = 	snop  }
0x5: {  	_ = 	snop  }
0x6: {  	_ = 	snop  }
0x7: {  	_ = 	snop  }
__scs_overlays_trampoline_lowered:
0x8: {  	[smem:$0x3F92] =	sst s0  }
0x9: {  	[smem:$0x3F93] =	sst s1  }
0xa: {  	[smem:$0x3F94] =	sst s2  }
0xb: {  	[smem:$0x3F95] =	sst s3  }
0xc: {  	[smem:$0x3F96] =	sst s4  }
0xd: {  	[smem:$0x3F97] =	sst s5  }
0xe: {  	[smem:$0x3F98] =	sst s6  }
0xf: {  	[smem:$0x3F99] =	sst s7  }
0x10: {  	[smem:$0x3F9A] =	sst s8  }
0x11: {  	[smem:$0x3F9B] =	sst s9;
	s0 =	simm.s32 @!p0 $0x0  }
0x12: {  	s1 =	sld [smem:$0x3F81];
	s0 =	simm.s32 @p0 $0x1  }
0x13: {  	[smem:$0x3F9C] =	sst s0;
	s0 =	simm.s32 @!p1 $0x0  }
0x14: {  	s2 =	sld [smem:$0x3F80];
	s0 =	simm.s32 @p1 $0x1  }
0x15: {  	[smem:$0x3F9D] =	sst s0;
	s0 =	simm.s32 @!p2 $0x0  }
0x16: {  	s3 =	sld [smem:$0x3FDB];
	s0 =	simm.s32 @p2 $0x1  }
0x17: {  	s4 =	simm.s32 $0x1BF5;
	[smem:$0x3F9F] =	sst s0  }
0x18: {  	s0 =	sld [smem:$0x3F82];
	_ =	swait.ge [sflag:s4], $0x0  }
0x19: {  	s7 =	sld [smem:$0x3F83]  }
0x1a: {  	s8 =	sadd.s32 $0xFFFFE003, lr  }
0x1b: {  	s9 =	sadd.s32 $0xFFFFFEF7, lr;
	s5 =	simm.s32 $0xFFFFFFFF;
	p2 =	slt.u32 s8, $0xFFFFF086  }
0x1c: {  	p1 =	slt.u32 s9, $0xF7A;
	s5 =	simm.s32 @!p2 $0x0  }
0x1d: {  	s5 =	simm.s32 @p1 $0x1;
	p0 =	seq.s32 s7, s2  }
0x1e: {  	s7 =	smul.u32 @!p0 $0xF7A, s2;
	p2 =	seq.s32 @!p0 s5, $0x0  }
0x1f: {  	s9 =	smul.u32 $0xF7A, s1;
	s8 =	simm.s32 @!p0 $0x1BF5;
	p2 =	por !p2, p0  }
0x20: {  	[sflag:s8] =	ssyncset.s32 @!p0 $0xFFFFF086;
	s6 =	sadd.s32 @!p0 s3, s7;
	s7 =	simm.s32 @!p0 $0x108  }
0x21: {  	s3 =	sadd.s32 s3, s9;
	s6 =	sadd.s32 @!p0 $0x88, s6;
	s7 =	simm.s32 @p2 $0x1082  }
0x22: {  	[simem:s7], [sflag:s8] =	dma.local @!p0 [hbm:s6], $0xF7A  }
0x23: {  	s9 =	sor.u32 $0xD0000000, s2;
	s6 =	simm.s32 $0x108;
	_ =	swait.ge @!p0 [sflag:s8], $0x0  }
0x24: {  	s3 =	sadd.s32 $0x88, s3;
	s6 =	simm.s32 @!p1 $0x1082;
	[sflag:s4] =	ssyncset.s32 $0xFFFFF086  }
0x25: {  	[simem:s6], [sflag:s4] =	dma.local [hbm:s3], $0xF7A  }
0x26: {  	[smem:$0x3F83] =	sst s1;
	(tag) =	ssettag s2;
	_ =	strace s9  }
0x27: {  	s1 =	sld [smem:$0x3F93]  }
0x28: {  	s2 =	sld [smem:$0x3F94]  }
0x29: {  	s4 =	sld [smem:$0x3F96]  }
0x2a: {  	p0 =	seq.s32 s5, $0x0;
	s5 =	sld [smem:$0x3F97]  }
0x2b: {  	s6 =	sld [smem:$0x3F98]  }
0x2c: {  	s7 =	sld [smem:$0x3F99]  }
0x2d: {  	s3 =	simm.s32 $0x108;
	s8 =	sld [smem:$0x3F9A]  }
0x2e: {  	s3 =	simm.s32 @!p0 $0x1082;
	s9 =	sld [smem:$0x3F9B]  }
0x2f: {  	lr =	sadd.s32 s0, s3;
	s0 =	sld [smem:$0x3F92]  }
0x30: {  	s3 =	sld [smem:$0x3F95]  }
0x31: {  	[smem:$0x3F9E] =	sst s10  }
0x32: {  	s10 =	sld [smem:$0x3F9C];
	_ =	sdelay $0x3  }
0x33: {  	p0 =	seq.s32 s10, $0x1;
	s10 =	sld [smem:$0x3F9E];
	_ =	sdelay $0x3  }
0x34: {  	[smem:$0x3F9E] =	sst s10  }
0x35: {  	s10 =	sld [smem:$0x3F9D];
	_ =	sdelay $0x3  }
0x36: {  	p1 =	seq.s32 s10, $0x1;
	s10 =	sld [smem:$0x3F9E];
	_ =	sdelay $0x3  }
0x37: {  	[smem:$0x3F9E] =	sst s10  }
0x38: {  	s10 =	sld [smem:$0x3F9F]  }
0x39: {  	_ = 	snop;
	(pc) =	sbr.ind lr, $3  }
0x3a: {  	_ = 	snop  }
0x3b: {  	_ = 	snop  }
0x3c: {  	p2 =	seq.s32 s10, $0x1;
	s10 =	sld [smem:$0x3F9E]  }
0x3d: {  	_ =	shalt  }
0x3e: {  	_ =	shalt  }
0x3f: {  	_ =	shalt  }
0x40: {  	_ =	shalt  }
0x41: {  	_ =	shalt  }
0x42: {  	_ =	shalt  }
0x43: {  	_ =	shalt  }
0x44: {  	_ =	shalt  }
0x45: {  	_ =	shalt  }
0x46: {  	_ =	shalt  }
0x47: {  	_ =	shalt  }
0x48: {  	_ =	shalt  }
0x49: {  	_ =	shalt  }
0x4a: {  	_ =	shalt  }
0x4b: {  	_ =	shalt  }
0x4c: {  	_ =	shalt  }
0x4d: {  	_ =	shalt  }
0x4e: {  	_ =	shalt  }
0x4f: {  	_ =	shalt  }
0x50: {  	_ =	shalt  }
0x51: {  	_ =	shalt  }
0x52: {  	_ =	shalt  }
0x53: {  	_ =	shalt  }
0x54: {  	_ =	shalt  }
0x55: {  	_ =	shalt  }
0x56: {  	_ =	shalt  }
0x57: {  	_ =	shalt  }
0x58: {  	_ =	shalt  }
0x59: {  	_ =	shalt  }
0x5a: {  	_ =	shalt  }
0x5b: {  	_ =	shalt  }
0x5c: {  	_ =	shalt  }
0x5d: {  	_ =	shalt  }
0x5e: {  	_ =	shalt  }
0x5f: {  	_ =	shalt  }
0x60: {  	_ =	shalt  }
0x61: {  	_ =	shalt  }
0x62: {  	_ =	shalt  }
0x63: {  	_ =	shalt  }
0x64: {  	_ =	shalt  }
0x65: {  	_ =	shalt  }
0x66: {  	_ =	shalt  }
0x67: {  	_ =	shalt  }
0x68: {  	_ =	shalt  }
0x69: {  	_ =	shalt  }
0x6a: {  	_ =	shalt  }
0x6b: {  	_ =	shalt  }
0x6c: {  	_ =	shalt  }
0x6d: {  	_ =	shalt  }
0x6e: {  	_ =	shalt  }
0x6f: {  	_ =	shalt  }
0x70: {  	_ =	shalt  }
0x71: {  	_ =	shalt  }
0x72: {  	_ =	shalt  }
0x73: {  	_ =	shalt  }
0x74: {  	_ =	shalt  }
0x75: {  	_ =	shalt  }
0x76: {  	_ =	shalt  }
0x77: {  	_ =	shalt  }
0x78: {  	_ =	shalt  }
0x79: {  	_ =	shalt  }
0x7a: {  	_ =	shalt  }
0x7b: {  	_ =	shalt  }
0x7c: {  	_ =	shalt  }
0x7d: {  	_ =	shalt  }
0x7e: {  	_ =	shalt  }
0x7f: {  	_ =	shalt  }
0x80: {  	_ =	shalt  }
0x81: {  	_ =	shalt  }
0x82: {  	_ =	shalt  }
0x83: {  	_ =	shalt  }
0x84: {  	_ =	shalt  }
0x85: {  	_ =	shalt  }
0x86: {  	_ =	shalt  }
0x87: {  	_ =	shalt  }
.Lfunc_end0:
.L_simem_size_0:
called_computation.2_lowered:
.L_overlay_start_0:
0x88: {  	s2 =	sld [smem:$0x3FD9]  }
0x89: {  	s3 =	sld [smem:$0x3FFE];
	_ =	sdelay $0x1  }
0x8a: {  	s1 =	srdreg.scid  }
0x8b: {  	s0 =	sand.u32 $0x1, s1  }
0x8c: {  	s16 =	sshll.u32 s0, $0xA;
	s2 =	sadd.s32 s3, s2  }
0x8d: {  	s2 =	sadd.s32 s2, s16  }
0x8e: {  	[smem:$0x3FAA] =	sst s2  }
0x8f: {  	_ = 	snop  }
0x90: {  	(tm) =	ssettm $0x1  }
0x91: {  	s17 =	sld [smem:$0x3FFB];
	_ =	sdelay $0x3  }
0x92: {  	_ =	strace s17  }
0x93: {  	s2 =	sld [smem:$0x3FFC];
	_ =	sdelay $0x3  }
0x94: {  	_ =	strace s2  }
0x95: {  	s2 =	sld [smem:$0x3FFD];
	_ =	sdelay $0x3  }
0x96: {  	_ =	strace s2  }
0x97: {  	_ =	strace $0x8FFFFFFF  }
0x98: {  	s18 =	sld [smem:$0x3FDB];
	_ =	sdelay $0x1  }
0x99: {  	s19 =	simm.s32 $_scs_section_size  }
0x9a: {  	s4 =	simm.s32 $_size__tile_overlayer_lowered;
	s5 =	simm.s32 $_tile_overlayer_lowered  }
0x9b: {  	s22 =	simm.s32 $0x1BFF;
	s21 =	sshll.u32 s5, $0x1;
	s2 =	sadd.s32 s19, s18  }
0x9c: {  	s6 =	simm.s32 $0x0;
	s20 =	sshll.u32 s4, $0x1;
	s4 =	sadd.s32 s21, s2  }
0x9d: {  	[timem:s6], [sflag:s22] =	dma.local [hbm:s4], s20  }
0x9e: {  	_ =	swait.ge [sflag:s22], s20  }
0x9f: {  	s3 =	ssub.s32 $0x0, s20;
	[sflag:s22] =	ssyncset.done $0x0  }
0xa0: {  	[sflag:s22] =	ssyncadd.s32 s3;
	_ =	sdelay $0x1  }
0xa1: {  	s23 =	simm.s32 $0x1B8B  }
0xa2: {  	_ =	swait.ge [sflag:s23], $0x1  }
0xa3: {  	[sflag:s23] =	ssyncset.done $0x0  }
0xa4: {  	s25 =	simm.s32 $0x1B8E;
	s24 =	sld [smem:$0x3FFE];
	[sflag:s23] =	ssyncadd.s32 $0xFFFFFFFF  }
0xa5: {  	s26 =	simm.s32 $execute0_lowered;
	[smem:$0x3FD2] =	sst s25  }
0xa6: {  	s4 =	sshll.u32 s26, $0x1;
	_ =	strace $0x8000004C;
	[dreg:$0x1] =	wrdreg $0xFFFFFFFF  }
0xa7: {  	s28 =	simm.s32 $_size_execute0_lowered;
	s2 =	sadd.s32 s2, s4;
	[dreg:$0x0] =	wrdreg $0x0  }
0xa8: {  	s4 =	sshll.u32 s28, $0x1;
	[dreg:$0x2] =	wrdreg s2  }
0xa9: {  	[dreg:$0x3] =	wrdreg s4  }
0xaa: {  	[dreg:$0x4] =	wrdreg $0xC0  }
0xab: {  	_ =	task [dreg:s6], $0x5FFFF  }
0xac: {  	[dreg:$0x1] =	wrdreg $0xFFFFFFFF  }
0xad: {  	[dreg:$0x0] =	wrdreg $0x60  }
0xae: {  	[dreg:$0x2] =	wrdreg s24  }
0xaf: {  	[dreg:$0x3] =	wrdreg $0x9  }
0xb0: {  	_ =	task.clear_ibuf [dreg:s6], $0x4FFFF;
	_ =	strace $0x9000004C  }
0xb1: {  	s29 =	simm.s32 $0x9;
	_ =	strace $0x8000004E  }
0xb2: {  	_ =	swait.ge [sflag:s29], $0x1  }
0xb3: {  	[sflag:s29] =	ssyncadd.s32 $0xFFFFFFFF  }
0xb4: {  	_ =	strace $0x9000004E  }
0xb5: {  	_ =	sfence  }
0xb6: {  	s30 =	sld [smem:$0x0];
	_ =	sdelay $0x2  }
0xb7: {  	s31 =	sshll.u32 s1, $0xD;
	s1 =	sshrl.u32 s1, $0x2  }
0xb8: {  	s3 =	sand.u32 $0x4000, s31;
	s1 =	sadd.s32 s1, s30  }
0xb9: {  	s0 =	sor.u32 s3, s0;
	s1 =	sshll.u32 s1, $0x11  }
0xba: {  	s0 =	sor.u32 s1, s0  }
0xbb: {  	s0 =	sadd.s32 $0x8F2B, s0  }
0xbc: {  	[sflag:s0] =	ssyncadd.remote.s32 $0x1  }
0xbd: {  	_ =	sfence.sel $0xFFFF  }
0xbe: {  	[dreg:$0x0] =	wrdreg $0xFFFFFFFF;
	(pc) =	sbr.abs _section_cstart, $3  }
0xbf: {  	[dreg:$0x1] =	wrdreg $0xFFFFFFFF  }
0xc0: {  	_ =	task.clear_ibuf [dreg:s6], $0x2FFFF;
	_ =	strace $0x9FFFFFFF  }
0xc1: {  	(tm) =	ssettm $0x7FFFFFFF  }
tec
execute0_lowered:
.L_overlay_start_1:
0x0: {  	(tag) =	ssettag $0x1  }
0x1: {  	s1 =	srdreg.scid;
	s0 =	stileid.u32  }
0x2: {  	s6 =	sand.u32 $0x1, s1;
	s30 =	sshll.u32 s0, $0x1  }
0x3: {  	s8 =	rddreg [dreg:$0x0];
	s7 =	sor.u32 s6, s30  }
0x4: {  	s2 =	simm.s32 $0x0;
	s1 =	rddreg [dreg:$0x1];
	s3 =	smul.u32 $0x271, s7  }
0x5: {  	[smem:$0x7FF] =	sst s2;
	s5 =	sadd.s32 $0x7800, s8  }
0x6: {  	_ =	strace $0x8000004D;
	s10 =	ssub.s32 $0x2, s6;
	s3 =	sadd.s32 s3, s8  }
0x7: {  	s6 =	simm.s32 $0x1388;
	s4 =	sadd.s32 $0xC800, s3;
	s3 =	simm.s32 $0x2  }
0x8: {  	[tilespmem:s2], [sflag:$0x2] =	stream.linear.gather [hbm4b:s4+s2], $0x1388, $0x38;
	[tilespmem:$0x14C08] =	vst v63  }
0x9: {  	s9 =	smul.u32 $0x2710, s7;
	s11 =	sshrl.u32 s10, $0x1;
	_ =	swait.ge [sflag:s3], $0x1388  }
0xa: {  	s7 =	simm.s32 $0x1;
	s31 =	ssub.s32 s10, s11;
	[sflag:s3] =	ssyncset.done $0x0  }
0xb: {  	s8 =	sadd.s32 s9, s8;
	s9 =	smax.u32 s31, $0x1;
	[sflag:s3] =	ssyncadd.s32 $0xFFFFEC78  }
0xc: {  	[tilespmem:s6], [sflag:$0x1] =	stream.indirect.gather [hbm4b:s5+s6], $0x10, s2, s6, $0xb8;
	[tilespmem:$0x14C08] =	vst v63  }
0xd: {  	p0 =	sne.s32 s9, $0x1;
	_ =	swait.ge [sflag:s7], $0x13880  }
.Ltmp0:
0xe: {  	[sflag:s7] =	ssyncset.done $0x0;
	(pc) =	sbr.rel @!p0 .LBB2_2-.Ltmp0, $4  }
0xf: {  	s8 =	sadd.s32 $0x5FC00, s8;
	[sflag:s7] =	ssyncadd.s32 $0xFFFEC780  }
0x10: {  	[hbm4b:s8+s2] =	stream.linear.scatter [tilespmem:s6], [sflag:$0x2], $0x13880, $0x38;
	[tilespmem:$0x14C08] =	vst v63  }
0x11: {  	_ =	swait.ge [sflag:s3], $0x13880  }
0x12: {  	s9 =	sadd.s32 $0xFFFFFFFF, s9;
	[sflag:s3] =	ssyncset.done $0x0  }
.LBB2_1:
0x13: {  	p0 =	sne.s32 s9, $0x1;
	s9 =	sadd.s32 $0xFFFFFFFF, s9;
	[sflag:s3] =	ssyncadd.s32 $0xFFFEC780  }
0x14: {  	[tilespmem:s2], [sflag:$0x2] =	stream.linear.gather [hbm4b:s4+s2], $0x1388, $0x38;
	[tilespmem:$0x14C08] =	vst v63  }
0x15: {  	_ =	swait.ge [sflag:s3], $0x1388  }
0x16: {  	[sflag:s3] =	ssyncset.done $0x0  }
0x17: {  	[sflag:s3] =	ssyncadd.s32 $0xFFFFEC78  }
0x18: {  	[tilespmem:s6], [sflag:$0x1] =	stream.indirect.gather [hbm4b:s5+s6], $0x10, s2, s6, $0xb8;
	[tilespmem:$0x14C08] =	vst v63  }
0x19: {  	_ =	swait.ge [sflag:s7], $0x13880  }
.Ltmp1:
0x1a: {  	[sflag:s7] =	ssyncset.done $0x0;
	(pc) =	sbr.rel @p0 .LBB2_1-.Ltmp1, $4  }
0x1b: {  	[sflag:s7] =	ssyncadd.s32 $0xFFFEC780  }
0x1c: {  	[hbm4b:s8+s2] =	stream.linear.scatter [tilespmem:s6], [sflag:$0x2], $0x13880, $0x38;
	[tilespmem:$0x14C08] =	vst v63  }
0x1d: {  	_ =	swait.ge [sflag:s3], $0x13880  }
0x1e: {  	[sflag:s3] =	ssyncset.done $0x0  }
.LBB2_2:
0x1f: {  	[sflag:s3] =	ssyncadd.s32 $0xFFFEC780  }
0x20: {  	_ =	sfence.sel $0x180000  }
0x21: {  	[bflag:$0x0] =	sbarrier.arrive $0xFFFF  }
0x22: {  	p0 =	sne.s32 s0, $0x0;
	_ =	strace $0x9000004D  }
0x23: {  	s0 =	sadd.s32 @!p0 $0x100000, s1;
	[bflag:$0x2] =	sbarrier.arrive $0xFFFF  }
0x24: {  	[sflag:s0] =	ssyncadd.tile.s32 @!p0 $0x1;
	_ =	shalt  }
.Lfunc_end2:
_tile_overlayer_lowered:
.L_overlay_start_2:
0x25: {  	(tag) =	ssettag $0x2  }
0x26: {  	s0 =	rddreg [dreg:$0x0];
	s2 =	stileid.u32  }
0x27: {  	s1 =	rddreg [dreg:$0x1];
	p0 =	sne.s32 s2, $0x0  }
0x28: {  	s3 =	rddreg [dreg:$0x2];
	[bflag:$0x3] =	sbarrier.arrive $0xFFFF;
	s2 =	simm.s32 @!p0 $0x1C02  }
0x29: {  	[timem:s3], [sflag:s2] =	dma.local @!p0 [hbm:s0], s1  }
0x2a: {  	s0 =	simm.s32 @!p0 $0x2  }
0x2b: {  	_ =	swait.ge @!p0 [sflag:s0], s1  }
0x2c: {  	s1 =	ssub.s32 @!p0 $0x0, s1;
	[sflag:s0] =	ssyncset.done @!p0 $0x0  }
0x2d: {  	[sflag:s0] =	ssyncadd.s32 @!p0 s1  }
0x2e: {  	[bflag:$0x3] =	sbarrier.arrive $0xFFFF  }
0x2f: {  	_ =	shalt  }

// kernel: kernel.23.cloned.1.call-start
scs
__scs_entry_jumppad:
0x0: {  	(pc) =	sbr.rel $0x88, $3  }
0x1: {  	(tag) =	ssettag $0x0;
	lr =	simm.s32 $0x1  }
0x2: {  	[smem:$0x3F83] =	sst lr;
	_ =	strace $0xD0000000  }
0x3: {  	_ = 	snop  }
0x4: {  	_ = 	snop  }
0x5: {  	_ = 	snop  }
0x6: {  	_ = 	snop  }
0x7: {  	_ = 	snop  }
__scs_overlays_trampoline_lowered:
0x8: {  	[smem:$0x3F92] =	sst s0  }
0x9: {  	[smem:$0x3F93] =	sst s1  }
0xa: {  	[smem:$0x3F94] =	sst s2  }
0xb: {  	[smem:$0x3F95] =	sst s3  }
0xc: {  	[smem:$0x3F96] =	sst s4  }
0xd: {  	[smem:$0x3F97] =	sst s5  }
0xe: {  	[smem:$0x3F98] =	sst s6  }
0xf: {  	[smem:$0x3F99] =	sst s7  }
0x10: {  	[smem:$0x3F9A] =	sst s8  }
0x11: {  	[smem:$0x3F9B] =	sst s9;
	s0 =	simm.s32 @!p0 $0x0  }
0x12: {  	s1 =	sld [smem:$0x3F81];
	s0 =	simm.s32 @p0 $0x1  }
0x13: {  	[smem:$0x3F9C] =	sst s0;
	s0 =	simm.s32 @!p1 $0x0  }
0x14: {  	s2 =	sld [smem:$0x3F80];
	s0 =	simm.s32 @p1 $0x1  }
0x15: {  	[smem:$0x3F9D] =	sst s0;
	s0 =	simm.s32 @!p2 $0x0  }
0x16: {  	s3 =	sld [smem:$0x3FDB];
	s0 =	simm.s32 @p2 $0x1  }
0x17: {  	s4 =	simm.s32 $0x1BF5;
	[smem:$0x3F9F] =	sst s0  }
0x18: {  	s0 =	sld [smem:$0x3F82];
	_ =	swait.ge [sflag:s4], $0x0  }
0x19: {  	s7 =	sld [smem:$0x3F83]  }
0x1a: {  	s8 =	sadd.s32 $0xFFFFE003, lr  }
0x1b: {  	s9 =	sadd.s32 $0xFFFFFEF7, lr;
	s5 =	simm.s32 $0xFFFFFFFF;
	p2 =	slt.u32 s8, $0xFFFFF086  }
0x1c: {  	p1 =	slt.u32 s9, $0xF7A;
	s5 =	simm.s32 @!p2 $0x0  }
0x1d: {  	s5 =	simm.s32 @p1 $0x1;
	p0 =	seq.s32 s7, s2  }
0x1e: {  	s7 =	smul.u32 @!p0 $0xF7A, s2;
	p2 =	seq.s32 @!p0 s5, $0x0  }
0x1f: {  	s9 =	smul.u32 $0xF7A, s1;
	s8 =	simm.s32 @!p0 $0x1BF5;
	p2 =	por !p2, p0  }
0x20: {  	[sflag:s8] =	ssyncset.s32 @!p0 $0xFFFFF086;
	s6 =	sadd.s32 @!p0 s3, s7;
	s7 =	simm.s32 @!p0 $0x108  }
0x21: {  	s3 =	sadd.s32 s3, s9;
	s6 =	sadd.s32 @!p0 $0x88, s6;
	s7 =	simm.s32 @p2 $0x1082  }
0x22: {  	[simem:s7], [sflag:s8] =	dma.local @!p0 [hbm:s6], $0xF7A  }
0x23: {  	s9 =	sor.u32 $0xD0000000, s2;
	s6 =	simm.s32 $0x108;
	_ =	swait.ge @!p0 [sflag:s8], $0x0  }
0x24: {  	s3 =	sadd.s32 $0x88, s3;
	s6 =	simm.s32 @!p1 $0x1082;
	[sflag:s4] =	ssyncset.s32 $0xFFFFF086  }
0x25: {  	[simem:s6], [sflag:s4] =	dma.local [hbm:s3], $0xF7A  }
0x26: {  	[smem:$0x3F83] =	sst s1;
	(tag) =	ssettag s2;
	_ =	strace s9  }
0x27: {  	s1 =	sld [smem:$0x3F93]  }
0x28: {  	s2 =	sld [smem:$0x3F94]  }
0x29: {  	s4 =	sld [smem:$0x3F96]  }
0x2a: {  	p0 =	seq.s32 s5, $0x0;
	s5 =	sld [smem:$0x3F97]  }
0x2b: {  	s6 =	sld [smem:$0x3F98]  }
0x2c: {  	s7 =	sld [smem:$0x3F99]  }
0x2d: {  	s3 =	simm.s32 $0x108;
	s8 =	sld [smem:$0x3F9A]  }
0x2e: {  	s3 =	simm.s32 @!p0 $0x1082;
	s9 =	sld [smem:$0x3F9B]  }
0x2f: {  	lr =	sadd.s32 s0, s3;
	s0 =	sld [smem:$0x3F92]  }
0x30: {  	s3 =	sld [smem:$0x3F95]  }
0x31: {  	[smem:$0x3F9E] =	sst s10  }
0x32: {  	s10 =	sld [smem:$0x3F9C];
	_ =	sdelay $0x3  }
0x33: {  	p0 =	seq.s32 s10, $0x1;
	s10 =	sld [smem:$0x3F9E];
	_ =	sdelay $0x3  }
0x34: {  	[smem:$0x3F9E] =	sst s10  }
0x35: {  	s10 =	sld [smem:$0x3F9D];
	_ =	sdelay $0x3  }
0x36: {  	p1 =	seq.s32 s10, $0x1;
	s10 =	sld [smem:$0x3F9E];
	_ =	sdelay $0x3  }
0x37: {  	[smem:$0x3F9E] =	sst s10  }
0x38: {  	s10 =	sld [smem:$0x3F9F]  }
0x39: {  	_ = 	snop;
	(pc) =	sbr.ind lr, $3  }
0x3a: {  	_ = 	snop  }
0x3b: {  	_ = 	snop  }
0x3c: {  	p2 =	seq.s32 s10, $0x1;
	s10 =	sld [smem:$0x3F9E]  }
0x3d: {  	_ =	shalt  }
0x3e: {  	_ =	shalt  }
0x3f: {  	_ =	shalt  }
0x40: {  	_ =	shalt  }
0x41: {  	_ =	shalt  }
0x42: {  	_ =	shalt  }
0x43: {  	_ =	shalt  }
0x44: {  	_ =	shalt  }
0x45: {  	_ =	shalt  }
0x46: {  	_ =	shalt  }
0x47: {  	_ =	shalt  }
0x48: {  	_ =	shalt  }
0x49: {  	_ =	shalt  }
0x4a: {  	_ =	shalt  }
0x4b: {  	_ =	shalt  }
0x4c: {  	_ =	shalt  }
0x4d: {  	_ =	shalt  }
0x4e: {  	_ =	shalt  }
0x4f: {  	_ =	shalt  }
0x50: {  	_ =	shalt  }
0x51: {  	_ =	shalt  }
0x52: {  	_ =	shalt  }
0x53: {  	_ =	shalt  }
0x54: {  	_ =	shalt  }
0x55: {  	_ =	shalt  }
0x56: {  	_ =	shalt  }
0x57: {  	_ =	shalt  }
0x58: {  	_ =	shalt  }
0x59: {  	_ =	shalt  }
0x5a: {  	_ =	shalt  }
0x5b: {  	_ =	shalt  }
0x5c: {  	_ =	shalt  }
0x5d: {  	_ =	shalt  }
0x5e: {  	_ =	shalt  }
0x5f: {  	_ =	shalt  }
0x60: {  	_ =	shalt  }
0x61: {  	_ =	shalt  }
0x62: {  	_ =	shalt  }
0x63: {  	_ =	shalt  }
0x64: {  	_ =	shalt  }
0x65: {  	_ =	shalt  }
0x66: {  	_ =	shalt  }
0x67: {  	_ =	shalt  }
0x68: {  	_ =	shalt  }
0x69: {  	_ =	shalt  }
0x6a: {  	_ =	shalt  }
0x6b: {  	_ =	shalt  }
0x6c: {  	_ =	shalt  }
0x6d: {  	_ =	shalt  }
0x6e: {  	_ =	shalt  }
0x6f: {  	_ =	shalt  }
0x70: {  	_ =	shalt  }
0x71: {  	_ =	shalt  }
0x72: {  	_ =	shalt  }
0x73: {  	_ =	shalt  }
0x74: {  	_ =	shalt  }
0x75: {  	_ =	shalt  }
0x76: {  	_ =	shalt  }
0x77: {  	_ =	shalt  }
0x78: {  	_ =	shalt  }
0x79: {  	_ =	shalt  }
0x7a: {  	_ =	shalt  }
0x7b: {  	_ =	shalt  }
0x7c: {  	_ =	shalt  }
0x7d: {  	_ =	shalt  }
0x7e: {  	_ =	shalt  }
0x7f: {  	_ =	shalt  }
0x80: {  	_ =	shalt  }
0x81: {  	_ =	shalt  }
0x82: {  	_ =	shalt  }
0x83: {  	_ =	shalt  }
0x84: {  	_ =	shalt  }
0x85: {  	_ =	shalt  }
0x86: {  	_ =	shalt  }
0x87: {  	_ =	shalt  }
.Lfunc_end0:
.L_simem_size_0:
called_computation.3_lowered:
.L_overlay_start_0:
0x88: {  	s2 =	sld [smem:$0x3FD9]  }
0x89: {  	s3 =	sld [smem:$0x3FFE];
	_ =	sdelay $0x1  }
0x8a: {  	s1 =	srdreg.scid  }
0x8b: {  	s0 =	sand.u32 $0x1, s1  }
0x8c: {  	s17 =	sshll.u32 s0, $0xA;
	s2 =	sadd.s32 s3, s2  }
0x8d: {  	s2 =	sadd.s32 s2, s17  }
0x8e: {  	[smem:$0x3FAA] =	sst s2  }
0x8f: {  	_ = 	snop  }
0x90: {  	s2 =	sld [smem:$0x3FD0];
	(tm) =	ssettm $0x1  }
0x91: {  	s18 =	sld [smem:$0x3FFB];
	_ =	sdelay $0x3  }
0x92: {  	_ =	strace s18  }
0x93: {  	s3 =	sld [smem:$0x3FFC];
	_ =	sdelay $0x3  }
0x94: {  	_ =	strace s3  }
0x95: {  	s3 =	sld [smem:$0x3FFD];
	_ =	sdelay $0x3  }
0x96: {  	_ =	strace s3  }
0x97: {  	_ =	strace $0x8FFFFFFF  }
0x98: {  	s19 =	sld [smem:$0x3FDB];
	_ =	sdelay $0x1  }
0x99: {  	s4 =	simm.s32 $_scs_section_size  }
0x9a: {  	s5 =	simm.s32 $_size__tile_overlayer_lowered;
	s6 =	simm.s32 $_tile_overlayer_lowered  }
0x9b: {  	s22 =	simm.s32 $0x1BFF;
	s21 =	sshll.u32 s6, $0x1;
	s3 =	sadd.s32 s4, s19  }
0x9c: {  	s7 =	simm.s32 $0x0;
	s20 =	sshll.u32 s5, $0x1;
	s5 =	sadd.s32 s21, s3  }
0x9d: {  	[timem:s7], [sflag:s22] =	dma.local [hbm:s5], s20  }
0x9e: {  	_ =	swait.ge [sflag:s22], s20  }
0x9f: {  	s4 =	ssub.s32 $0x0, s20;
	[sflag:s22] =	ssyncset.done $0x0  }
0xa0: {  	[sflag:s22] =	ssyncadd.s32 s4;
	_ =	sdelay $0x1  }
0xa1: {  	s23 =	simm.s32 $0x1B8B  }
0xa2: {  	_ =	swait.ge [sflag:s23], $0x1  }
0xa3: {  	[sflag:s23] =	ssyncset.done $0x0  }
0xa4: {  	s25 =	simm.s32 $0x1B8E;
	s24 =	sld [smem:$0x3FFE];
	[sflag:s23] =	ssyncadd.s32 $0xFFFFFFFF  }
0xa5: {  	s26 =	simm.s32 $execute0_lowered;
	[smem:$0x3FD2] =	sst s25  }
0xa6: {  	s5 =	sshll.u32 s26, $0x1;
	_ =	strace $0x8000004F;
	[dreg:$0x1] =	wrdreg $0xFFFFFFFF  }
0xa7: {  	s28 =	simm.s32 $_size_execute0_lowered;
	s3 =	sadd.s32 s3, s5;
	[dreg:$0x0] =	wrdreg $0x0  }
0xa8: {  	s5 =	sshll.u32 s28, $0x1;
	[dreg:$0x2] =	wrdreg s3  }
0xa9: {  	[dreg:$0x3] =	wrdreg s5  }
0xaa: {  	[dreg:$0x4] =	wrdreg $0xC0  }
0xab: {  	_ =	task [dreg:s7], $0x5FFFF  }
0xac: {  	[dreg:$0x1] =	wrdreg $0xFFFFFFFF  }
0xad: {  	[dreg:$0x0] =	wrdreg $0x60  }
0xae: {  	[dreg:$0x2] =	wrdreg s24  }
0xaf: {  	[dreg:$0x3] =	wrdreg s2  }
0xb0: {  	[dreg:$0x4] =	wrdreg $0x14C080  }
0xb1: {  	[dreg:$0x5] =	wrdreg $0x9  }
0xb2: {  	_ =	task.clear_ibuf [dreg:s7], $0x6FFFF;
	_ =	strace $0x9000004F  }
0xb3: {  	s29 =	simm.s32 $0x9;
	_ =	strace $0x80000051  }
0xb4: {  	_ =	swait.ge [sflag:s29], $0x1  }
0xb5: {  	[sflag:s29] =	ssyncadd.s32 $0xFFFFFFFF  }
0xb6: {  	_ =	strace $0x90000051  }
0xb7: {  	_ =	sfence  }
0xb8: {  	s30 =	sld [smem:$0x0];
	_ =	sdelay $0x2  }
0xb9: {  	s31 =	sshll.u32 s1, $0xD;
	s1 =	sshrl.u32 s1, $0x2  }
0xba: {  	s3 =	sand.u32 $0x4000, s31;
	s1 =	sadd.s32 s1, s30  }
0xbb: {  	s0 =	sor.u32 s3, s0;
	s1 =	sshll.u32 s1, $0x11  }
0xbc: {  	s0 =	sor.u32 s1, s0  }
0xbd: {  	s0 =	sadd.s32 $0x8F2B, s0  }
0xbe: {  	[sflag:s0] =	ssyncadd.remote.s32 $0x1  }
0xbf: {  	_ =	sfence.sel $0xFFFF  }
0xc0: {  	[dreg:$0x0] =	wrdreg $0xFFFFFFFF;
	(pc) =	sbr.abs _section_cstart, $3  }
0xc1: {  	[dreg:$0x1] =	wrdreg $0xFFFFFFFF  }
0xc2: {  	_ =	task.clear_ibuf [dreg:s7], $0x2FFFF;
	_ =	strace $0x9FFFFFFF  }
0xc3: {  	(tm) =	ssettm $0x7FFFFFFF  }
tec
execute0_lowered:
.L_overlay_start_1:
0x0: {  	(tag) =	ssettag $0x1  }
0x1: {  	s4 =	rddreg [dreg:$0x0]  }
0x2: {  	s0 =	srdreg.scid;
	s3 =	rddreg [dreg:$0x1]  }
0x3: {  	s9 =	stileid.u32;
	s1 =	rddreg [dreg:$0x2]  }
0x4: {  	s2 =	simm.s32 $0x0;
	s5 =	sand.u32 $0x1, s0;
	s31 =	sshll.u32 s9, $0x1  }
0x5: {  	s6 =	sor.u32 s5, s31;
	s8 =	smul.u32 $0x27100, s5;
	s5 =	ssub.s32 $0x2, s5  }
0x6: {  	p1 =	por $0x0, $0x0;
	s0 =	rddreg [dreg:$0x3];
	s11 =	sshrl.u32 s5, $0x1  }
0x7: {  	[smem:$0x7FF] =	sst s2;
	s10 =	smul.u32 $0x2710, s9;
	s5 =	ssub.s32 s5, s11  }
0x8: {  	p0 =	sne.s32 s9, $0x0;
	s9 =	sshll.u32 s9, $0x6;
	s11 =	smax.u32 s5, $0x1  }
0x9: {  	_ =	strace $0x80000050;
	s7 =	smul.u32 $0x2710, s6;
	s15 =	sadd.s32 $0xFFFFFFFF, s11  }
0xa: {  	s12 =	sshrl.u32 @!p0 s1, $0x3;
	s6 =	smul.u32 $0x271, s6;
	p2 =	sne.s32 s15, $0x0  }
.Ltmp0:
0xb: {  	s9 =	sor.u32 $0x1C01, s9;
	s8 =	sadd.s32 s10, s8;
	(pc) =	sbr.rel @!p2 .LBB2_3-.Ltmp0, $4  }
0xc: {  	s10 =	sadd.s32 s10, s1;
	s7 =	sadd.s32 s7, s4;
	s6 =	sadd.s32 s6, s4  }
0xd: {  	s8 =	sshrl.u32 s8, $0x3;
	s5 =	simm.s32 $0x1;
	s10 =	sshrl.u32 s10, $0x3  }
0xe: {  	s4 =	sadd.s32 s8, s4;
	s7 =	sadd.s32 $0x5FC00, s7;
	s6 =	sadd.s32 $0x148000, s6  }
0xf: {  	s8 =	simm.s32 $0x13880;
	s11 =	simm.s32 $0x1388;
	s4 =	sadd.s32 $0xADE00, s4  }
0x10: {  	s13 =	simm.s32 @!p0 $0x1C01;
	s14 =	simm.s32 @!p0 $0x1  }
0x11: {  	[spmem:s12], [sflag:s13] =	dma.local @!p0 [hbm:s3], $0x4E40  }
0x12: {  	_ =	swait.ge @!p0 [sflag:s14], $0x4E40  }
0x13: {  	[sflag:s14] =	ssyncset.done @!p0 $0x0  }
0x14: {  	[sflag:s14] =	ssyncadd.s32 @!p0 $0xFFFFB1C0  }
0x15: {  	[bflag:$0x0] =	sbarrier.arrive $0xFFFF  }
0x16: {  	[tilespmem:s2], [sflag:$0x1] =	stream.linear.gather [hbm4b:s7+s2], $0x13880, $0x38;
	[tilespmem:$0x17328] =	vst v63  }
0x17: {  	_ =	swait.ge [sflag:s5], $0x13880  }
0x18: {  	[sflag:s5] =	ssyncset.done $0x0  }
0x19: {  	[sflag:s5] =	ssyncadd.s32 $0xFFFEC780  }
0x1a: {  	[tilespmem:s8], [sflag:$0x1] =	stream.linear.gather [hbm4b:s6+s2], $0x1388, $0x38;
	[tilespmem:$0x17328] =	vst v63  }
0x1b: {  	_ =	swait.ge [sflag:s5], $0x1388  }
0x1c: {  	[sflag:s5] =	ssyncset.done $0x0  }
0x1d: {  	[sflag:s5] =	ssyncadd.s32 $0xFFFFEC78  }
0x1e: {  	[spmem:s1] =	stream.indirect.scatter.add.f32 [tilespmem:s2], [sflag:$0x1], $0x10, s8, s11, $0xb8;
	[tilespmem:$0x17328] =	vst v63  }
0x1f: {  	s15 =	sadd.s32 $0xFFFFFFFF, s15;
	_ =	swait.ge [sflag:s5], $0x13880  }
0x20: {  	p2 =	sne.s32 s15, $0x0;
	[sflag:s5] =	ssyncset.done $0x0  }
.Ltmp1:
0x21: {  	[sflag:s5] =	ssyncadd.s32 $0xFFFEC780;
	(pc) =	sbr.rel @!p2 .LBB2_3-.Ltmp1, $4  }
0x22: {  	[bflag:$0x0] =	sbarrier.arrive $0xFFFF  }
0x23: {  	[hbm:s4], [sflag:s9] =	dma.local [spmem:s10], $0x4E2  }
0x24: {  	_ =	swait.ge [sflag:s5], $0x4E2  }
0x25: {  	p1 =	por $0x1, $0x1;
	[sflag:s5] =	ssyncset.done $0x0  }
.LBB2_2:
0x26: {  	[sflag:s5] =	ssyncadd.s32 $0xFFFFFB1E  }
0x27: {  	[spmem:s12], [sflag:s13] =	dma.local @!p0 [hbm:s3], $0x4E40  }
0x28: {  	s15 =	sadd.s32 $0xFFFFFFFF, s15;
	_ =	swait.ge @!p0 [sflag:s14], $0x4E40  }
0x29: {  	p2 =	sne.s32 s15, $0x0;
	[sflag:s14] =	ssyncset.done @!p0 $0x0  }
0x2a: {  	[sflag:s14] =	ssyncadd.s32 @!p0 $0xFFFFB1C0  }
0x2b: {  	[bflag:$0x0] =	sbarrier.arrive $0xFFFF  }
0x2c: {  	[tilespmem:s2], [sflag:$0x1] =	stream.linear.gather [hbm4b:s7+s2], $0x13880, $0x38;
	[tilespmem:$0x17328] =	vst v63  }
0x2d: {  	_ =	swait.ge [sflag:s5], $0x13880  }
0x2e: {  	[sflag:s5] =	ssyncset.done $0x0  }
0x2f: {  	[sflag:s5] =	ssyncadd.s32 $0xFFFEC780  }
0x30: {  	[tilespmem:s8], [sflag:$0x1] =	stream.linear.gather [hbm4b:s6+s2], $0x1388, $0x38;
	[tilespmem:$0x17328] =	vst v63  }
0x31: {  	_ =	swait.ge [sflag:s5], $0x1388  }
0x32: {  	[sflag:s5] =	ssyncset.done $0x0  }
0x33: {  	[sflag:s5] =	ssyncadd.s32 $0xFFFFEC78  }
0x34: {  	[spmem:s1] =	stream.indirect.scatter.add.f32 [tilespmem:s2], [sflag:$0x1], $0x10, s8, s11, $0xb8;
	[tilespmem:$0x17328] =	vst v63  }
0x35: {  	_ =	swait.ge [sflag:s5], $0x13880  }
0x36: {  	[sflag:s5] =	ssyncset.done $0x0  }
.Ltmp2:
0x37: {  	[sflag:s5] =	ssyncadd.s32 $0xFFFEC780;
	(pc) =	sbr.rel @p2 .LBB2_2-.Ltmp2, $4  }
0x38: {  	[bflag:$0x0] =	sbarrier.arrive $0xFFFF  }
0x39: {  	[hbm:s4], [sflag:s9] =	dma.local [spmem:s10], $0x4E2  }
0x3a: {  	_ =	swait.ge [sflag:s5], $0x4E2  }
0x3b: {  	[sflag:s5] =	ssyncset.done $0x0  }
.LBB2_3:
0x3c: {  	s13 =	simm.s32 @!p0 $0x1C01;
	s14 =	simm.s32 @!p0 $0x1;
	[sflag:s5] =	ssyncadd.s32 @p1 $0xFFFFFB1E  }
0x3d: {  	[spmem:s12], [sflag:s13] =	dma.local @!p0 [hbm:s3], $0x4E40  }
0x3e: {  	_ =	swait.ge @!p0 [sflag:s14], $0x4E40  }
0x3f: {  	[sflag:s14] =	ssyncset.done @!p0 $0x0  }
0x40: {  	[sflag:s14] =	ssyncadd.s32 @!p0 $0xFFFFB1C0  }
0x41: {  	[bflag:$0x0] =	sbarrier.arrive $0xFFFF  }
0x42: {  	[tilespmem:s2], [sflag:$0x1] =	stream.linear.gather [hbm4b:s7+s2], $0x13880, $0x38;
	[tilespmem:$0x17328] =	vst v63  }
0x43: {  	_ =	swait.ge [sflag:s5], $0x13880  }
0x44: {  	[sflag:s5] =	ssyncset.done $0x0  }
0x45: {  	[sflag:s5] =	ssyncadd.s32 $0xFFFEC780  }
0x46: {  	[tilespmem:s8], [sflag:$0x1] =	stream.linear.gather [hbm4b:s6+s2], $0x1388, $0x38;
	[tilespmem:$0x17328] =	vst v63  }
0x47: {  	_ =	swait.ge [sflag:s5], $0x1388  }
0x48: {  	[sflag:s5] =	ssyncset.done $0x0  }
0x49: {  	[sflag:s5] =	ssyncadd.s32 $0xFFFFEC78  }
0x4a: {  	[spmem:s1] =	stream.indirect.scatter.add.f32 [tilespmem:s2], [sflag:$0x1], $0x10, s8, s11, $0xb8;
	[tilespmem:$0x17328] =	vst v63  }
0x4b: {  	_ =	swait.ge [sflag:s5], $0x13880  }
0x4c: {  	[sflag:s5] =	ssyncset.done $0x0  }
0x4d: {  	[sflag:s5] =	ssyncadd.s32 $0xFFFEC780  }
0x4e: {  	[bflag:$0x0] =	sbarrier.arrive $0xFFFF  }
0x4f: {  	[hbm:s4], [sflag:s9] =	dma.local [spmem:s10], $0x4E2  }
0x50: {  	_ =	swait.ge [sflag:s5], $0x4E2  }
0x51: {  	[sflag:s5] =	ssyncset.done $0x0  }
0x52: {  	[sflag:s5] =	ssyncadd.s32 $0xFFFFFB1E  }
0x53: {  	_ =	sfence.sel $0x180000  }
0x54: {  	[bflag:$0x0] =	sbarrier.arrive $0xFFFF  }
0x55: {  	_ =	strace $0x90000050  }
0x56: {  	s0 =	sadd.s32 @!p0 $0x100000, s0;
	[bflag:$0x2] =	sbarrier.arrive $0xFFFF  }
0x57: {  	[sflag:s0] =	ssyncadd.tile.s32 @!p0 $0x1;
	_ =	shalt  }
.Lfunc_end2:
_tile_overlayer_lowered:
.L_overlay_start_2:
0x58: {  	(tag) =	ssettag $0x2  }
0x59: {  	s0 =	rddreg [dreg:$0x0];
	s2 =	stileid.u32  }
0x5a: {  	s1 =	rddreg [dreg:$0x1];
	p0 =	sne.s32 s2, $0x0  }
0x5b: {  	s3 =	rddreg [dreg:$0x2];
	[bflag:$0x3] =	sbarrier.arrive $0xFFFF;
	s2 =	simm.s32 @!p0 $0x1C01  }
0x5c: {  	[timem:s3], [sflag:s2] =	dma.local @!p0 [hbm:s0], s1  }
0x5d: {  	s0 =	simm.s32 @!p0 $0x1  }
0x5e: {  	_ =	swait.ge @!p0 [sflag:s0], s1  }
0x5f: {  	s1 =	ssub.s32 @!p0 $0x0, s1;
	[sflag:s0] =	ssyncset.done @!p0 $0x0  }
0x60: {  	[sflag:s0] =	ssyncadd.s32 @!p0 s1  }
0x61: {  	[bflag:$0x3] =	sbarrier.arrive $0xFFFF  }
0x62: {  	_ =	shalt  }

// kernel: kernel.26.cloned.1.call-start
scs
__scs_entry_jumppad:
0x0: {  	(pc) =	sbr.rel $0x88, $3  }
0x1: {  	(tag) =	ssettag $0x0;
	lr =	simm.s32 $0x1  }
0x2: {  	[smem:$0x3F83] =	sst lr;
	_ =	strace $0xD0000000  }
0x3: {  	_ = 	snop  }
0x4: {  	_ = 	snop  }
0x5: {  	_ = 	snop  }
0x6: {  	_ = 	snop  }
0x7: {  	_ = 	snop  }
__scs_overlays_trampoline_lowered:
0x8: {  	[smem:$0x3F92] =	sst s0  }
0x9: {  	[smem:$0x3F93] =	sst s1  }
0xa: {  	[smem:$0x3F94] =	sst s2  }
0xb: {  	[smem:$0x3F95] =	sst s3  }
0xc: {  	[smem:$0x3F96] =	sst s4  }
0xd: {  	[smem:$0x3F97] =	sst s5  }
0xe: {  	[smem:$0x3F98] =	sst s6  }
0xf: {  	[smem:$0x3F99] =	sst s7  }
0x10: {  	[smem:$0x3F9A] =	sst s8  }
0x11: {  	[smem:$0x3F9B] =	sst s9;
	s0 =	simm.s32 @!p0 $0x0  }
0x12: {  	s1 =	sld [smem:$0x3F81];
	s0 =	simm.s32 @p0 $0x1  }
0x13: {  	[smem:$0x3F9C] =	sst s0;
	s0 =	simm.s32 @!p1 $0x0  }
0x14: {  	s2 =	sld [smem:$0x3F80];
	s0 =	simm.s32 @p1 $0x1  }
0x15: {  	[smem:$0x3F9D] =	sst s0;
	s0 =	simm.s32 @!p2 $0x0  }
0x16: {  	s3 =	sld [smem:$0x3FDB];
	s0 =	simm.s32 @p2 $0x1  }
0x17: {  	s4 =	simm.s32 $0x1BF5;
	[smem:$0x3F9F] =	sst s0  }
0x18: {  	s0 =	sld [smem:$0x3F82];
	_ =	swait.ge [sflag:s4], $0x0  }
0x19: {  	s7 =	sld [smem:$0x3F83]  }
0x1a: {  	s8 =	sadd.s32 $0xFFFFE003, lr  }
0x1b: {  	s9 =	sadd.s32 $0xFFFFFEF7, lr;
	s5 =	simm.s32 $0xFFFFFFFF;
	p2 =	slt.u32 s8, $0xFFFFF086  }
0x1c: {  	p1 =	slt.u32 s9, $0xF7A;
	s5 =	simm.s32 @!p2 $0x0  }
0x1d: {  	s5 =	simm.s32 @p1 $0x1;
	p0 =	seq.s32 s7, s2  }
0x1e: {  	s7 =	smul.u32 @!p0 $0xF7A, s2;
	p2 =	seq.s32 @!p0 s5, $0x0  }
0x1f: {  	s9 =	smul.u32 $0xF7A, s1;
	s8 =	simm.s32 @!p0 $0x1BF5;
	p2 =	por !p2, p0  }
0x20: {  	[sflag:s8] =	ssyncset.s32 @!p0 $0xFFFFF086;
	s6 =	sadd.s32 @!p0 s3, s7;
	s7 =	simm.s32 @!p0 $0x108  }
0x21: {  	s3 =	sadd.s32 s3, s9;
	s6 =	sadd.s32 @!p0 $0x88, s6;
	s7 =	simm.s32 @p2 $0x1082  }
0x22: {  	[simem:s7], [sflag:s8] =	dma.local @!p0 [hbm:s6], $0xF7A  }
0x23: {  	s9 =	sor.u32 $0xD0000000, s2;
	s6 =	simm.s32 $0x108;
	_ =	swait.ge @!p0 [sflag:s8], $0x0  }
0x24: {  	s3 =	sadd.s32 $0x88, s3;
	s6 =	simm.s32 @!p1 $0x1082;
	[sflag:s4] =	ssyncset.s32 $0xFFFFF086  }
0x25: {  	[simem:s6], [sflag:s4] =	dma.local [hbm:s3], $0xF7A  }
0x26: {  	[smem:$0x3F83] =	sst s1;
	(tag) =	ssettag s2;
	_ =	strace s9  }
0x27: {  	s1 =	sld [smem:$0x3F93]  }
0x28: {  	s2 =	sld [smem:$0x3F94]  }
0x29: {  	s4 =	sld [smem:$0x3F96]  }
0x2a: {  	p0 =	seq.s32 s5, $0x0;
	s5 =	sld [smem:$0x3F97]  }
0x2b: {  	s6 =	sld [smem:$0x3F98]  }
0x2c: {  	s7 =	sld [smem:$0x3F99]  }
0x2d: {  	s3 =	simm.s32 $0x108;
	s8 =	sld [smem:$0x3F9A]  }
0x2e: {  	s3 =	simm.s32 @!p0 $0x1082;
	s9 =	sld [smem:$0x3F9B]  }
0x2f: {  	lr =	sadd.s32 s0, s3;
	s0 =	sld [smem:$0x3F92]  }
0x30: {  	s3 =	sld [smem:$0x3F95]  }
0x31: {  	[smem:$0x3F9E] =	sst s10  }
0x32: {  	s10 =	sld [smem:$0x3F9C];
	_ =	sdelay $0x3  }
0x33: {  	p0 =	seq.s32 s10, $0x1;
	s10 =	sld [smem:$0x3F9E];
	_ =	sdelay $0x3  }
0x34: {  	[smem:$0x3F9E] =	sst s10  }
0x35: {  	s10 =	sld [smem:$0x3F9D];
	_ =	sdelay $0x3  }
0x36: {  	p1 =	seq.s32 s10, $0x1;
	s10 =	sld [smem:$0x3F9E];
	_ =	sdelay $0x3  }
0x37: {  	[smem:$0x3F9E] =	sst s10  }
0x38: {  	s10 =	sld [smem:$0x3F9F]  }
0x39: {  	_ = 	snop;
	(pc) =	sbr.ind lr, $3  }
0x3a: {  	_ = 	snop  }
0x3b: {  	_ = 	snop  }
0x3c: {  	p2 =	seq.s32 s10, $0x1;
	s10 =	sld [smem:$0x3F9E]  }
0x3d: {  	_ =	shalt  }
0x3e: {  	_ =	shalt  }
0x3f: {  	_ =	shalt  }
0x40: {  	_ =	shalt  }
0x41: {  	_ =	shalt  }
0x42: {  	_ =	shalt  }
0x43: {  	_ =	shalt  }
0x44: {  	_ =	shalt  }
0x45: {  	_ =	shalt  }
0x46: {  	_ =	shalt  }
0x47: {  	_ =	shalt  }
0x48: {  	_ =	shalt  }
0x49: {  	_ =	shalt  }
0x4a: {  	_ =	shalt  }
0x4b: {  	_ =	shalt  }
0x4c: {  	_ =	shalt  }
0x4d: {  	_ =	shalt  }
0x4e: {  	_ =	shalt  }
0x4f: {  	_ =	shalt  }
0x50: {  	_ =	shalt  }
0x51: {  	_ =	shalt  }
0x52: {  	_ =	shalt  }
0x53: {  	_ =	shalt  }
0x54: {  	_ =	shalt  }
0x55: {  	_ =	shalt  }
0x56: {  	_ =	shalt  }
0x57: {  	_ =	shalt  }
0x58: {  	_ =	shalt  }
0x59: {  	_ =	shalt  }
0x5a: {  	_ =	shalt  }
0x5b: {  	_ =	shalt  }
0x5c: {  	_ =	shalt  }
0x5d: {  	_ =	shalt  }
0x5e: {  	_ =	shalt  }
0x5f: {  	_ =	shalt  }
0x60: {  	_ =	shalt  }
0x61: {  	_ =	shalt  }
0x62: {  	_ =	shalt  }
0x63: {  	_ =	shalt  }
0x64: {  	_ =	shalt  }
0x65: {  	_ =	shalt  }
0x66: {  	_ =	shalt  }
0x67: {  	_ =	shalt  }
0x68: {  	_ =	shalt  }
0x69: {  	_ =	shalt  }
0x6a: {  	_ =	shalt  }
0x6b: {  	_ =	shalt  }
0x6c: {  	_ =	shalt  }
0x6d: {  	_ =	shalt  }
0x6e: {  	_ =	shalt  }
0x6f: {  	_ =	shalt  }
0x70: {  	_ =	shalt  }
0x71: {  	_ =	shalt  }
0x72: {  	_ =	shalt  }
0x73: {  	_ =	shalt  }
0x74: {  	_ =	shalt  }
0x75: {  	_ =	shalt  }
0x76: {  	_ =	shalt  }
0x77: {  	_ =	shalt  }
0x78: {  	_ =	shalt  }
0x79: {  	_ =	shalt  }
0x7a: {  	_ =	shalt  }
0x7b: {  	_ =	shalt  }
0x7c: {  	_ =	shalt  }
0x7d: {  	_ =	shalt  }
0x7e: {  	_ =	shalt  }
0x7f: {  	_ =	shalt  }
0x80: {  	_ =	shalt  }
0x81: {  	_ =	shalt  }
0x82: {  	_ =	shalt  }
0x83: {  	_ =	shalt  }
0x84: {  	_ =	shalt  }
0x85: {  	_ =	shalt  }
0x86: {  	_ =	shalt  }
0x87: {  	_ =	shalt  }
.Lfunc_end0:
.L_simem_size_0:
called_computation.4_lowered:
.L_overlay_start_0:
0x88: {  	s2 =	sld [smem:$0x3FD9]  }
0x89: {  	s3 =	sld [smem:$0x3FFE];
	_ =	sdelay $0x1  }
0x8a: {  	s1 =	srdreg.scid  }
0x8b: {  	s0 =	sand.u32 $0x1, s1  }
0x8c: {  	s16 =	sshll.u32 s0, $0xA;
	s2 =	sadd.s32 s3, s2  }
0x8d: {  	s2 =	sadd.s32 s2, s16  }
0x8e: {  	[smem:$0x3FAA] =	sst s2  }
0x8f: {  	_ = 	snop  }
0x90: {  	(tm) =	ssettm $0x1  }
0x91: {  	s17 =	sld [smem:$0x3FFB];
	_ =	sdelay $0x3  }
0x92: {  	_ =	strace s17  }
0x93: {  	s2 =	sld [smem:$0x3FFC];
	_ =	sdelay $0x3  }
0x94: {  	_ =	strace s2  }
0x95: {  	s2 =	sld [smem:$0x3FFD];
	_ =	sdelay $0x3  }
0x96: {  	_ =	strace s2  }
0x97: {  	_ =	strace $0x8FFFFFFF  }
0x98: {  	s18 =	sld [smem:$0x3FDB];
	_ =	sdelay $0x1  }
0x99: {  	s19 =	simm.s32 $_scs_section_size  }
0x9a: {  	s4 =	simm.s32 $_size__tile_overlayer_lowered;
	s5 =	simm.s32 $_tile_overlayer_lowered  }
0x9b: {  	s22 =	simm.s32 $0x1BFF;
	s21 =	sshll.u32 s5, $0x1;
	s2 =	sadd.s32 s19, s18  }
0x9c: {  	s6 =	simm.s32 $0x0;
	s20 =	sshll.u32 s4, $0x1;
	s4 =	sadd.s32 s21, s2  }
0x9d: {  	[timem:s6], [sflag:s22] =	dma.local [hbm:s4], s20  }
0x9e: {  	_ =	swait.ge [sflag:s22], s20  }
0x9f: {  	s3 =	ssub.s32 $0x0, s20;
	[sflag:s22] =	ssyncset.done $0x0  }
0xa0: {  	[sflag:s22] =	ssyncadd.s32 s3;
	_ =	sdelay $0x1  }
0xa1: {  	s23 =	simm.s32 $0x1B8B  }
0xa2: {  	_ =	swait.ge [sflag:s23], $0x1  }
0xa3: {  	[sflag:s23] =	ssyncset.done $0x0  }
0xa4: {  	s25 =	simm.s32 $0x1B8E;
	s24 =	sld [smem:$0x3FFE];
	[sflag:s23] =	ssyncadd.s32 $0xFFFFFFFF  }
0xa5: {  	s26 =	simm.s32 $execute0_lowered;
	[smem:$0x3FD2] =	sst s25  }
0xa6: {  	s4 =	sshll.u32 s26, $0x1;
	_ =	strace $0x80000052;
	[dreg:$0x1] =	wrdreg $0xFFFFFFFF  }
0xa7: {  	s28 =	simm.s32 $_size_execute0_lowered;
	s2 =	sadd.s32 s2, s4;
	[dreg:$0x0] =	wrdreg $0x0  }
0xa8: {  	s4 =	sshll.u32 s28, $0x1;
	[dreg:$0x2] =	wrdreg s2  }
0xa9: {  	[dreg:$0x3] =	wrdreg s4  }
0xaa: {  	[dreg:$0x4] =	wrdreg $0xC0  }
0xab: {  	_ =	task [dreg:s6], $0x5FFFF  }
0xac: {  	[dreg:$0x1] =	wrdreg $0xFFFFFFFF  }
0xad: {  	[dreg:$0x0] =	wrdreg $0x60  }
0xae: {  	[dreg:$0x2] =	wrdreg s24  }
0xaf: {  	[dreg:$0x3] =	wrdreg $0x9  }
0xb0: {  	_ =	task.clear_ibuf [dreg:s6], $0x4FFFF;
	_ =	strace $0x90000052  }
0xb1: {  	s29 =	simm.s32 $0x9;
	_ =	strace $0x80000054  }
0xb2: {  	_ =	swait.ge [sflag:s29], $0x1  }
0xb3: {  	[sflag:s29] =	ssyncadd.s32 $0xFFFFFFFF  }
0xb4: {  	_ =	strace $0x90000054  }
0xb5: {  	_ =	sfence  }
0xb6: {  	s30 =	sld [smem:$0x0];
	_ =	sdelay $0x2  }
0xb7: {  	s31 =	sshll.u32 s1, $0xD;
	s1 =	sshrl.u32 s1, $0x2  }
0xb8: {  	s3 =	sand.u32 $0x4000, s31;
	s1 =	sadd.s32 s1, s30  }
0xb9: {  	s0 =	sor.u32 s3, s0;
	s1 =	sshll.u32 s1, $0x11  }
0xba: {  	s0 =	sor.u32 s1, s0  }
0xbb: {  	s0 =	sadd.s32 $0x8F2B, s0  }
0xbc: {  	[sflag:s0] =	ssyncadd.remote.s32 $0x1  }
0xbd: {  	_ =	sfence.sel $0xFFFF  }
0xbe: {  	[dreg:$0x0] =	wrdreg $0xFFFFFFFF;
	(pc) =	sbr.abs _section_cstart, $3  }
0xbf: {  	[dreg:$0x1] =	wrdreg $0xFFFFFFFF  }
0xc0: {  	_ =	task.clear_ibuf [dreg:s6], $0x2FFFF;
	_ =	strace $0x9FFFFFFF  }
0xc1: {  	(tm) =	ssettm $0x7FFFFFFF  }
tec
execute0_lowered:
.L_overlay_start_1:
0x0: {  	(tag) =	ssettag $0x1  }
0x1: {  	s1 =	srdreg.scid;
	s0 =	stileid.u32  }
0x2: {  	s6 =	sand.u32 $0x1, s1;
	s30 =	sshll.u32 s0, $0x1  }
0x3: {  	s8 =	rddreg [dreg:$0x0];
	s7 =	sor.u32 s6, s30  }
0x4: {  	s2 =	simm.s32 $0x0;
	s1 =	rddreg [dreg:$0x1];
	s3 =	smul.u32 $0x271, s7  }
0x5: {  	[smem:$0x7FF] =	sst s2;
	s5 =	sadd.s32 $0x7800, s8  }
0x6: {  	_ =	strace $0x80000053;
	s10 =	ssub.s32 $0x2, s6;
	s3 =	sadd.s32 s3, s8  }
0x7: {  	s6 =	simm.s32 $0x1388;
	s4 =	sadd.s32 $0xC800, s3;
	s3 =	simm.s32 $0x2  }
0x8: {  	[tilespmem:s2], [sflag:$0x2] =	stream.linear.gather [hbm4b:s4+s2], $0x1388, $0x38;
	[tilespmem:$0x14C08] =	vst v63  }
0x9: {  	s9 =	smul.u32 $0x2710, s7;
	s11 =	sshrl.u32 s10, $0x1;
	_ =	swait.ge [sflag:s3], $0x1388  }
0xa: {  	s7 =	simm.s32 $0x1;
	s31 =	ssub.s32 s10, s11;
	[sflag:s3] =	ssyncset.done $0x0  }
0xb: {  	s8 =	sadd.s32 s9, s8;
	s9 =	smax.u32 s31, $0x1;
	[sflag:s3] =	ssyncadd.s32 $0xFFFFEC78  }
0xc: {  	[tilespmem:s6], [sflag:$0x1] =	stream.indirect.gather [hbm4b:s5+s6], $0x10, s2, s6, $0xb8;
	[tilespmem:$0x14C08] =	vst v63  }
0xd: {  	p0 =	sne.s32 s9, $0x1;
	_ =	swait.ge [sflag:s7], $0x13880  }
.Ltmp0:
0xe: {  	[sflag:s7] =	ssyncset.done $0x0;
	(pc) =	sbr.rel @!p0 .LBB2_2-.Ltmp0, $4  }
0xf: {  	s8 =	sadd.s32 $0x86E00, s8;
	[sflag:s7] =	ssyncadd.s32 $0xFFFEC780  }
0x10: {  	[hbm4b:s8+s2] =	stream.linear.scatter [tilespmem:s6], [sflag:$0x2], $0x13880, $0x38;
	[tilespmem:$0x14C08] =	vst v63  }
0x11: {  	_ =	swait.ge [sflag:s3], $0x13880  }
0x12: {  	s9 =	sadd.s32 $0xFFFFFFFF, s9;
	[sflag:s3] =	ssyncset.done $0x0  }
.LBB2_1:
0x13: {  	p0 =	sne.s32 s9, $0x1;
	s9 =	sadd.s32 $0xFFFFFFFF, s9;
	[sflag:s3] =	ssyncadd.s32 $0xFFFEC780  }
0x14: {  	[tilespmem:s2], [sflag:$0x2] =	stream.linear.gather [hbm4b:s4+s2], $0x1388, $0x38;
	[tilespmem:$0x14C08] =	vst v63  }
0x15: {  	_ =	swait.ge [sflag:s3], $0x1388  }
0x16: {  	[sflag:s3] =	ssyncset.done $0x0  }
0x17: {  	[sflag:s3] =	ssyncadd.s32 $0xFFFFEC78  }
0x18: {  	[tilespmem:s6], [sflag:$0x1] =	stream.indirect.gather [hbm4b:s5+s6], $0x10, s2, s6, $0xb8;
	[tilespmem:$0x14C08] =	vst v63  }
0x19: {  	_ =	swait.ge [sflag:s7], $0x13880  }
.Ltmp1:
0x1a: {  	[sflag:s7] =	ssyncset.done $0x0;
	(pc) =	sbr.rel @p0 .LBB2_1-.Ltmp1, $4  }
0x1b: {  	[sflag:s7] =	ssyncadd.s32 $0xFFFEC780  }
0x1c: {  	[hbm4b:s8+s2] =	stream.linear.scatter [tilespmem:s6], [sflag:$0x2], $0x13880, $0x38;
	[tilespmem:$0x14C08] =	vst v63  }
0x1d: {  	_ =	swait.ge [sflag:s3], $0x13880  }
0x1e: {  	[sflag:s3] =	ssyncset.done $0x0  }
.LBB2_2:
0x1f: {  	[sflag:s3] =	ssyncadd.s32 $0xFFFEC780  }
0x20: {  	_ =	sfence.sel $0x180000  }
0x21: {  	[bflag:$0x0] =	sbarrier.arrive $0xFFFF  }
0x22: {  	p0 =	sne.s32 s0, $0x0;
	_ =	strace $0x90000053  }
0x23: {  	s0 =	sadd.s32 @!p0 $0x100000, s1;
	[bflag:$0x2] =	sbarrier.arrive $0xFFFF  }
0x24: {  	[sflag:s0] =	ssyncadd.tile.s32 @!p0 $0x1;
	_ =	shalt  }
.Lfunc_end2:
_tile_overlayer_lowered:
.L_overlay_start_2:
0x25: {  	(tag) =	ssettag $0x2  }
0x26: {  	s0 =	rddreg [dreg:$0x0];
	s2 =	stileid.u32  }
0x27: {  	s1 =	rddreg [dreg:$0x1];
	p0 =	sne.s32 s2, $0x0  }
0x28: {  	s3 =	rddreg [dreg:$0x2];
	[bflag:$0x3] =	sbarrier.arrive $0xFFFF;
	s2 =	simm.s32 @!p0 $0x1C02  }
0x29: {  	[timem:s3], [sflag:s2] =	dma.local @!p0 [hbm:s0], s1  }
0x2a: {  	s0 =	simm.s32 @!p0 $0x2  }
0x2b: {  	_ =	swait.ge @!p0 [sflag:s0], s1  }
0x2c: {  	s1 =	ssub.s32 @!p0 $0x0, s1;
	[sflag:s0] =	ssyncset.done @!p0 $0x0  }
0x2d: {  	[sflag:s0] =	ssyncadd.s32 @!p0 s1  }
0x2e: {  	[bflag:$0x3] =	sbarrier.arrive $0xFFFF  }
0x2f: {  	_ =	shalt  }

// kernel: kernel.29.cloned.1.call-start
scs
__scs_entry_jumppad:
0x0: {  	(pc) =	sbr.rel $0x88, $3  }
0x1: {  	(tag) =	ssettag $0x0;
	lr =	simm.s32 $0x1  }
0x2: {  	[smem:$0x3F83] =	sst lr;
	_ =	strace $0xD0000000  }
0x3: {  	_ = 	snop  }
0x4: {  	_ = 	snop  }
0x5: {  	_ = 	snop  }
0x6: {  	_ = 	snop  }
0x7: {  	_ = 	snop  }
__scs_overlays_trampoline_lowered:
0x8: {  	[smem:$0x3F92] =	sst s0  }
0x9: {  	[smem:$0x3F93] =	sst s1  }
0xa: {  	[smem:$0x3F94] =	sst s2  }
0xb: {  	[smem:$0x3F95] =	sst s3  }
0xc: {  	[smem:$0x3F96] =	sst s4  }
0xd: {  	[smem:$0x3F97] =	sst s5  }
0xe: {  	[smem:$0x3F98] =	sst s6  }
0xf: {  	[smem:$0x3F99] =	sst s7  }
0x10: {  	[smem:$0x3F9A] =	sst s8  }
0x11: {  	[smem:$0x3F9B] =	sst s9;
	s0 =	simm.s32 @!p0 $0x0  }
0x12: {  	s1 =	sld [smem:$0x3F81];
	s0 =	simm.s32 @p0 $0x1  }
0x13: {  	[smem:$0x3F9C] =	sst s0;
	s0 =	simm.s32 @!p1 $0x0  }
0x14: {  	s2 =	sld [smem:$0x3F80];
	s0 =	simm.s32 @p1 $0x1  }
0x15: {  	[smem:$0x3F9D] =	sst s0;
	s0 =	simm.s32 @!p2 $0x0  }
0x16: {  	s3 =	sld [smem:$0x3FDB];
	s0 =	simm.s32 @p2 $0x1  }
0x17: {  	s4 =	simm.s32 $0x1BF5;
	[smem:$0x3F9F] =	sst s0  }
0x18: {  	s0 =	sld [smem:$0x3F82];
	_ =	swait.ge [sflag:s4], $0x0  }
0x19: {  	s7 =	sld [smem:$0x3F83]  }
0x1a: {  	s8 =	sadd.s32 $0xFFFFE003, lr  }
0x1b: {  	s9 =	sadd.s32 $0xFFFFFEF7, lr;
	s5 =	simm.s32 $0xFFFFFFFF;
	p2 =	slt.u32 s8, $0xFFFFF086  }
0x1c: {  	p1 =	slt.u32 s9, $0xF7A;
	s5 =	simm.s32 @!p2 $0x0  }
0x1d: {  	s5 =	simm.s32 @p1 $0x1;
	p0 =	seq.s32 s7, s2  }
0x1e: {  	s7 =	smul.u32 @!p0 $0xF7A, s2;
	p2 =	seq.s32 @!p0 s5, $0x0  }
0x1f: {  	s9 =	smul.u32 $0xF7A, s1;
	s8 =	simm.s32 @!p0 $0x1BF5;
	p2 =	por !p2, p0  }
0x20: {  	[sflag:s8] =	ssyncset.s32 @!p0 $0xFFFFF086;
	s6 =	sadd.s32 @!p0 s3, s7;
	s7 =	simm.s32 @!p0 $0x108  }
0x21: {  	s3 =	sadd.s32 s3, s9;
	s6 =	sadd.s32 @!p0 $0x88, s6;
	s7 =	simm.s32 @p2 $0x1082  }
0x22: {  	[simem:s7], [sflag:s8] =	dma.local @!p0 [hbm:s6], $0xF7A  }
0x23: {  	s9 =	sor.u32 $0xD0000000, s2;
	s6 =	simm.s32 $0x108;
	_ =	swait.ge @!p0 [sflag:s8], $0x0  }
0x24: {  	s3 =	sadd.s32 $0x88, s3;
	s6 =	simm.s32 @!p1 $0x1082;
	[sflag:s4] =	ssyncset.s32 $0xFFFFF086  }
0x25: {  	[simem:s6], [sflag:s4] =	dma.local [hbm:s3], $0xF7A  }
0x26: {  	[smem:$0x3F83] =	sst s1;
	(tag) =	ssettag s2;
	_ =	strace s9  }
0x27: {  	s1 =	sld [smem:$0x3F93]  }
0x28: {  	s2 =	sld [smem:$0x3F94]  }
0x29: {  	s4 =	sld [smem:$0x3F96]  }
0x2a: {  	p0 =	seq.s32 s5, $0x0;
	s5 =	sld [smem:$0x3F97]  }
0x2b: {  	s6 =	sld [smem:$0x3F98]  }
0x2c: {  	s7 =	sld [smem:$0x3F99]  }
0x2d: {  	s3 =	simm.s32 $0x108;
	s8 =	sld [smem:$0x3F9A]  }
0x2e: {  	s3 =	simm.s32 @!p0 $0x1082;
	s9 =	sld [smem:$0x3F9B]  }
0x2f: {  	lr =	sadd.s32 s0, s3;
	s0 =	sld [smem:$0x3F92]  }
0x30: {  	s3 =	sld [smem:$0x3F95]  }
0x31: {  	[smem:$0x3F9E] =	sst s10  }
0x32: {  	s10 =	sld [smem:$0x3F9C];
	_ =	sdelay $0x3  }
0x33: {  	p0 =	seq.s32 s10, $0x1;
	s10 =	sld [smem:$0x3F9E];
	_ =	sdelay $0x3  }
0x34: {  	[smem:$0x3F9E] =	sst s10  }
0x35: {  	s10 =	sld [smem:$0x3F9D];
	_ =	sdelay $0x3  }
0x36: {  	p1 =	seq.s32 s10, $0x1;
	s10 =	sld [smem:$0x3F9E];
	_ =	sdelay $0x3  }
0x37: {  	[smem:$0x3F9E] =	sst s10  }
0x38: {  	s10 =	sld [smem:$0x3F9F]  }
0x39: {  	_ = 	snop;
	(pc) =	sbr.ind lr, $3  }
0x3a: {  	_ = 	snop  }
0x3b: {  	_ = 	snop  }
0x3c: {  	p2 =	seq.s32 s10, $0x1;
	s10 =	sld [smem:$0x3F9E]  }
0x3d: {  	_ =	shalt  }
0x3e: {  	_ =	shalt  }
0x3f: {  	_ =	shalt  }
0x40: {  	_ =	shalt  }
0x41: {  	_ =	shalt  }
0x42: {  	_ =	shalt  }
0x43: {  	_ =	shalt  }
0x44: {  	_ =	shalt  }
0x45: {  	_ =	shalt  }
0x46: {  	_ =	shalt  }
0x47: {  	_ =	shalt  }
0x48: {  	_ =	shalt  }
0x49: {  	_ =	shalt  }
0x4a: {  	_ =	shalt  }
0x4b: {  	_ =	shalt  }
0x4c: {  	_ =	shalt  }
0x4d: {  	_ =	shalt  }
0x4e: {  	_ =	shalt  }
0x4f: {  	_ =	shalt  }
0x50: {  	_ =	shalt  }
0x51: {  	_ =	shalt  }
0x52: {  	_ =	shalt  }
0x53: {  	_ =	shalt  }
0x54: {  	_ =	shalt  }
0x55: {  	_ =	shalt  }
0x56: {  	_ =	shalt  }
0x57: {  	_ =	shalt  }
0x58: {  	_ =	shalt  }
0x59: {  	_ =	shalt  }
0x5a: {  	_ =	shalt  }
0x5b: {  	_ =	shalt  }
0x5c: {  	_ =	shalt  }
0x5d: {  	_ =	shalt  }
0x5e: {  	_ =	shalt  }
0x5f: {  	_ =	shalt  }
0x60: {  	_ =	shalt  }
0x61: {  	_ =	shalt  }
0x62: {  	_ =	shalt  }
0x63: {  	_ =	shalt  }
0x64: {  	_ =	shalt  }
0x65: {  	_ =	shalt  }
0x66: {  	_ =	shalt  }
0x67: {  	_ =	shalt  }
0x68: {  	_ =	shalt  }
0x69: {  	_ =	shalt  }
0x6a: {  	_ =	shalt  }
0x6b: {  	_ =	shalt  }
0x6c: {  	_ =	shalt  }
0x6d: {  	_ =	shalt  }
0x6e: {  	_ =	shalt  }
0x6f: {  	_ =	shalt  }
0x70: {  	_ =	shalt  }
0x71: {  	_ =	shalt  }
0x72: {  	_ =	shalt  }
0x73: {  	_ =	shalt  }
0x74: {  	_ =	shalt  }
0x75: {  	_ =	shalt  }
0x76: {  	_ =	shalt  }
0x77: {  	_ =	shalt  }
0x78: {  	_ =	shalt  }
0x79: {  	_ =	shalt  }
0x7a: {  	_ =	shalt  }
0x7b: {  	_ =	shalt  }
0x7c: {  	_ =	shalt  }
0x7d: {  	_ =	shalt  }
0x7e: {  	_ =	shalt  }
0x7f: {  	_ =	shalt  }
0x80: {  	_ =	shalt  }
0x81: {  	_ =	shalt  }
0x82: {  	_ =	shalt  }
0x83: {  	_ =	shalt  }
0x84: {  	_ =	shalt  }
0x85: {  	_ =	shalt  }
0x86: {  	_ =	shalt  }
0x87: {  	_ =	shalt  }
.Lfunc_end0:
.L_simem_size_0:
called_computation.5_lowered:
.L_overlay_start_0:
0x88: {  	s2 =	sld [smem:$0x3FD9]  }
0x89: {  	s3 =	sld [smem:$0x3FFE];
	_ =	sdelay $0x1  }
0x8a: {  	s1 =	srdreg.scid  }
0x8b: {  	s0 =	sand.u32 $0x1, s1  }
0x8c: {  	s17 =	sshll.u32 s0, $0xA;
	s2 =	sadd.s32 s3, s2  }
0x8d: {  	s2 =	sadd.s32 s2, s17  }
0x8e: {  	[smem:$0x3FAA] =	sst s2  }
0x8f: {  	_ = 	snop  }
0x90: {  	s2 =	sld [smem:$0x3FD0];
	(tm) =	ssettm $0x1  }
0x91: {  	s18 =	sld [smem:$0x3FFB];
	_ =	sdelay $0x3  }
0x92: {  	_ =	strace s18  }
0x93: {  	s3 =	sld [smem:$0x3FFC];
	_ =	sdelay $0x3  }
0x94: {  	_ =	strace s3  }
0x95: {  	s3 =	sld [smem:$0x3FFD];
	_ =	sdelay $0x3  }
0x96: {  	_ =	strace s3  }
0x97: {  	_ =	strace $0x8FFFFFFF  }
0x98: {  	s19 =	sld [smem:$0x3FDB];
	_ =	sdelay $0x1  }
0x99: {  	s4 =	simm.s32 $_scs_section_size  }
0x9a: {  	s5 =	simm.s32 $_size__tile_overlayer_lowered;
	s6 =	simm.s32 $_tile_overlayer_lowered  }
0x9b: {  	s22 =	simm.s32 $0x1BFF;
	s21 =	sshll.u32 s6, $0x1;
	s3 =	sadd.s32 s4, s19  }
0x9c: {  	s7 =	simm.s32 $0x0;
	s20 =	sshll.u32 s5, $0x1;
	s5 =	sadd.s32 s21, s3  }
0x9d: {  	[timem:s7], [sflag:s22] =	dma.local [hbm:s5], s20  }
0x9e: {  	_ =	swait.ge [sflag:s22], s20  }
0x9f: {  	s4 =	ssub.s32 $0x0, s20;
	[sflag:s22] =	ssyncset.done $0x0  }
0xa0: {  	[sflag:s22] =	ssyncadd.s32 s4;
	_ =	sdelay $0x1  }
0xa1: {  	s23 =	simm.s32 $0x1B8B  }
0xa2: {  	_ =	swait.ge [sflag:s23], $0x1  }
0xa3: {  	[sflag:s23] =	ssyncset.done $0x0  }
0xa4: {  	s25 =	simm.s32 $0x1B8E;
	s24 =	sld [smem:$0x3FFE];
	[sflag:s23] =	ssyncadd.s32 $0xFFFFFFFF  }
0xa5: {  	s26 =	simm.s32 $execute0_lowered;
	[smem:$0x3FD2] =	sst s25  }
0xa6: {  	s5 =	sshll.u32 s26, $0x1;
	_ =	strace $0x80000055;
	[dreg:$0x1] =	wrdreg $0xFFFFFFFF  }
0xa7: {  	s28 =	simm.s32 $_size_execute0_lowered;
	s3 =	sadd.s32 s3, s5;
	[dreg:$0x0] =	wrdreg $0x0  }
0xa8: {  	s5 =	sshll.u32 s28, $0x1;
	[dreg:$0x2] =	wrdreg s3  }
0xa9: {  	[dreg:$0x3] =	wrdreg s5  }
0xaa: {  	[dreg:$0x4] =	wrdreg $0xC0  }
0xab: {  	_ =	task [dreg:s7], $0x5FFFF  }
0xac: {  	[dreg:$0x1] =	wrdreg $0xFFFFFFFF  }
0xad: {  	[dreg:$0x0] =	wrdreg $0x60  }
0xae: {  	[dreg:$0x2] =	wrdreg s24  }
0xaf: {  	[dreg:$0x3] =	wrdreg s2  }
0xb0: {  	[dreg:$0x4] =	wrdreg $0x14C080  }
0xb1: {  	[dreg:$0x5] =	wrdreg $0x9  }
0xb2: {  	_ =	task.clear_ibuf [dreg:s7], $0x6FFFF;
	_ =	strace $0x90000055  }
0xb3: {  	s29 =	simm.s32 $0x9;
	_ =	strace $0x80000057  }
0xb4: {  	_ =	swait.ge [sflag:s29], $0x1  }
0xb5: {  	[sflag:s29] =	ssyncadd.s32 $0xFFFFFFFF  }
0xb6: {  	_ =	strace $0x90000057  }
0xb7: {  	_ =	sfence  }
0xb8: {  	s30 =	sld [smem:$0x0];
	_ =	sdelay $0x2  }
0xb9: {  	s31 =	sshll.u32 s1, $0xD;
	s1 =	sshrl.u32 s1, $0x2  }
0xba: {  	s3 =	sand.u32 $0x4000, s31;
	s1 =	sadd.s32 s1, s30  }
0xbb: {  	s0 =	sor.u32 s3, s0;
	s1 =	sshll.u32 s1, $0x11  }
0xbc: {  	s0 =	sor.u32 s1, s0  }
0xbd: {  	s0 =	sadd.s32 $0x8F2B, s0  }
0xbe: {  	[sflag:s0] =	ssyncadd.remote.s32 $0x1  }
0xbf: {  	_ =	sfence.sel $0xFFFF  }
0xc0: {  	[dreg:$0x0] =	wrdreg $0xFFFFFFFF;
	(pc) =	sbr.abs _section_cstart, $3  }
0xc1: {  	[dreg:$0x1] =	wrdreg $0xFFFFFFFF  }
0xc2: {  	_ =	task.clear_ibuf [dreg:s7], $0x2FFFF;
	_ =	strace $0x9FFFFFFF  }
0xc3: {  	(tm) =	ssettm $0x7FFFFFFF  }
tec
execute0_lowered:
.L_overlay_start_1:
0x0: {  	(tag) =	ssettag $0x1  }
0x1: {  	s4 =	rddreg [dreg:$0x0]  }
0x2: {  	s0 =	srdreg.scid;
	s3 =	rddreg [dreg:$0x1]  }
0x3: {  	s9 =	stileid.u32;
	s1 =	rddreg [dreg:$0x2]  }
0x4: {  	s2 =	simm.s32 $0x0;
	s5 =	sand.u32 $0x1, s0;
	s31 =	sshll.u32 s9, $0x1  }
0x5: {  	s6 =	sor.u32 s5, s31;
	s8 =	smul.u32 $0x27100, s5;
	s5 =	ssub.s32 $0x2, s5  }
0x6: {  	p1 =	por $0x0, $0x0;
	s0 =	rddreg [dreg:$0x3];
	s11 =	sshrl.u32 s5, $0x1  }
0x7: {  	[smem:$0x7FF] =	sst s2;
	s10 =	smul.u32 $0x2710, s9;
	s5 =	ssub.s32 s5, s11  }
0x8: {  	p0 =	sne.s32 s9, $0x0;
	s9 =	sshll.u32 s9, $0x6;
	s11 =	smax.u32 s5, $0x1  }
0x9: {  	_ =	strace $0x80000056;
	s7 =	smul.u32 $0x2710, s6;
	s15 =	sadd.s32 $0xFFFFFFFF, s11  }
0xa: {  	s12 =	sshrl.u32 @!p0 s1, $0x3;
	s6 =	smul.u32 $0x271, s6;
	p2 =	sne.s32 s15, $0x0  }
.Ltmp0:
0xb: {  	s9 =	sor.u32 $0x1C01, s9;
	s8 =	sadd.s32 s10, s8;
	(pc) =	sbr.rel @!p2 .LBB2_3-.Ltmp0, $4  }
0xc: {  	s10 =	sadd.s32 s10, s1;
	s7 =	sadd.s32 s7, s4;
	s6 =	sadd.s32 s6, s4  }
0xd: {  	s8 =	sshrl.u32 s8, $0x3;
	s5 =	simm.s32 $0x1;
	s10 =	sshrl.u32 s10, $0x3  }
0xe: {  	s4 =	sadd.s32 s8, s4;
	s7 =	sadd.s32 $0x86E00, s7;
	s6 =	sadd.s32 $0x148000, s6  }
0xf: {  	s8 =	simm.s32 $0x13880;
	s11 =	simm.s32 $0x1388;
	s4 =	sadd.s32 $0x7800, s4  }
0x10: {  	s13 =	simm.s32 @!p0 $0x1C01;
	s14 =	simm.s32 @!p0 $0x1  }
0x11: {  	[spmem:s12], [sflag:s13] =	dma.local @!p0 [hbm:s3], $0x4E40  }
0x12: {  	_ =	swait.ge @!p0 [sflag:s14], $0x4E40  }
0x13: {  	[sflag:s14] =	ssyncset.done @!p0 $0x0  }
0x14: {  	[sflag:s14] =	ssyncadd.s32 @!p0 $0xFFFFB1C0  }
0x15: {  	[bflag:$0x0] =	sbarrier.arrive $0xFFFF  }
0x16: {  	[tilespmem:s2], [sflag:$0x1] =	stream.linear.gather [hbm4b:s7+s2], $0x13880, $0x38;
	[tilespmem:$0x17328] =	vst v63  }
0x17: {  	_ =	swait.ge [sflag:s5], $0x13880  }
0x18: {  	[sflag:s5] =	ssyncset.done $0x0  }
0x19: {  	[sflag:s5] =	ssyncadd.s32 $0xFFFEC780  }
0x1a: {  	[tilespmem:s8], [sflag:$0x1] =	stream.linear.gather [hbm4b:s6+s2], $0x1388, $0x38;
	[tilespmem:$0x17328] =	vst v63  }
0x1b: {  	_ =	swait.ge [sflag:s5], $0x1388  }
0x1c: {  	[sflag:s5] =	ssyncset.done $0x0  }
0x1d: {  	[sflag:s5] =	ssyncadd.s32 $0xFFFFEC78  }
0x1e: {  	[spmem:s1] =	stream.indirect.scatter.add.f32 [tilespmem:s2], [sflag:$0x1], $0x10, s8, s11, $0xb8;
	[tilespmem:$0x17328] =	vst v63  }
0x1f: {  	s15 =	sadd.s32 $0xFFFFFFFF, s15;
	_ =	swait.ge [sflag:s5], $0x13880  }
0x20: {  	p2 =	sne.s32 s15, $0x0;
	[sflag:s5] =	ssyncset.done $0x0  }
.Ltmp1:
0x21: {  	[sflag:s5] =	ssyncadd.s32 $0xFFFEC780;
	(pc) =	sbr.rel @!p2 .LBB2_3-.Ltmp1, $4  }
0x22: {  	[bflag:$0x0] =	sbarrier.arrive $0xFFFF  }
0x23: {  	[hbm:s4], [sflag:s9] =	dma.local [spmem:s10], $0x4E2  }
0x24: {  	_ =	swait.ge [sflag:s5], $0x4E2  }
0x25: {  	p1 =	por $0x1, $0x1;
	[sflag:s5] =	ssyncset.done $0x0  }
.LBB2_2:
0x26: {  	[sflag:s5] =	ssyncadd.s32 $0xFFFFFB1E  }
0x27: {  	[spmem:s12], [sflag:s13] =	dma.local @!p0 [hbm:s3], $0x4E40  }
0x28: {  	s15 =	sadd.s32 $0xFFFFFFFF, s15;
	_ =	swait.ge @!p0 [sflag:s14], $0x4E40  }
0x29: {  	p2 =	sne.s32 s15, $0x0;
	[sflag:s14] =	ssyncset.done @!p0 $0x0  }
0x2a: {  	[sflag:s14] =	ssyncadd.s32 @!p0 $0xFFFFB1C0  }
0x2b: {  	[bflag:$0x0] =	sbarrier.arrive $0xFFFF  }
0x2c: {  	[tilespmem:s2], [sflag:$0x1] =	stream.linear.gather [hbm4b:s7+s2], $0x13880, $0x38;
	[tilespmem:$0x17328] =	vst v63  }
0x2d: {  	_ =	swait.ge [sflag:s5], $0x13880  }
0x2e: {  	[sflag:s5] =	ssyncset.done $0x0  }
0x2f: {  	[sflag:s5] =	ssyncadd.s32 $0xFFFEC780  }
0x30: {  	[tilespmem:s8], [sflag:$0x1] =	stream.linear.gather [hbm4b:s6+s2], $0x1388, $0x38;
	[tilespmem:$0x17328] =	vst v63  }
0x31: {  	_ =	swait.ge [sflag:s5], $0x1388  }
0x32: {  	[sflag:s5] =	ssyncset.done $0x0  }
0x33: {  	[sflag:s5] =	ssyncadd.s32 $0xFFFFEC78  }
0x34: {  	[spmem:s1] =	stream.indirect.scatter.add.f32 [tilespmem:s2], [sflag:$0x1], $0x10, s8, s11, $0xb8;
	[tilespmem:$0x17328] =	vst v63  }
0x35: {  	_ =	swait.ge [sflag:s5], $0x13880  }
0x36: {  	[sflag:s5] =	ssyncset.done $0x0  }
.Ltmp2:
0x37: {  	[sflag:s5] =	ssyncadd.s32 $0xFFFEC780;
	(pc) =	sbr.rel @p2 .LBB2_2-.Ltmp2, $4  }
0x38: {  	[bflag:$0x0] =	sbarrier.arrive $0xFFFF  }
0x39: {  	[hbm:s4], [sflag:s9] =	dma.local [spmem:s10], $0x4E2  }
0x3a: {  	_ =	swait.ge [sflag:s5], $0x4E2  }
0x3b: {  	[sflag:s5] =	ssyncset.done $0x0  }
.LBB2_3:
0x3c: {  	s13 =	simm.s32 @!p0 $0x1C01;
	s14 =	simm.s32 @!p0 $0x1;
	[sflag:s5] =	ssyncadd.s32 @p1 $0xFFFFFB1E  }
0x3d: {  	[spmem:s12], [sflag:s13] =	dma.local @!p0 [hbm:s3], $0x4E40  }
0x3e: {  	_ =	swait.ge @!p0 [sflag:s14], $0x4E40  }
0x3f: {  	[sflag:s14] =	ssyncset.done @!p0 $0x0  }
0x40: {  	[sflag:s14] =	ssyncadd.s32 @!p0 $0xFFFFB1C0  }
0x41: {  	[bflag:$0x0] =	sbarrier.arrive $0xFFFF  }
0x42: {  	[tilespmem:s2], [sflag:$0x1] =	stream.linear.gather [hbm4b:s7+s2], $0x13880, $0x38;
	[tilespmem:$0x17328] =	vst v63  }
0x43: {  	_ =	swait.ge [sflag:s5], $0x13880  }
0x44: {  	[sflag:s5] =	ssyncset.done $0x0  }
0x45: {  	[sflag:s5] =	ssyncadd.s32 $0xFFFEC780  }
0x46: {  	[tilespmem:s8], [sflag:$0x1] =	stream.linear.gather [hbm4b:s6+s2], $0x1388, $0x38;
	[tilespmem:$0x17328] =	vst v63  }
0x47: {  	_ =	swait.ge [sflag:s5], $0x1388  }
0x48: {  	[sflag:s5] =	ssyncset.done $0x0  }
0x49: {  	[sflag:s5] =	ssyncadd.s32 $0xFFFFEC78  }
0x4a: {  	[spmem:s1] =	stream.indirect.scatter.add.f32 [tilespmem:s2], [sflag:$0x1], $0x10, s8, s11, $0xb8;
	[tilespmem:$0x17328] =	vst v63  }
0x4b: {  	_ =	swait.ge [sflag:s5], $0x13880  }
0x4c: {  	[sflag:s5] =	ssyncset.done $0x0  }
0x4d: {  	[sflag:s5] =	ssyncadd.s32 $0xFFFEC780  }
0x4e: {  	[bflag:$0x0] =	sbarrier.arrive $0xFFFF  }
0x4f: {  	[hbm:s4], [sflag:s9] =	dma.local [spmem:s10], $0x4E2  }
0x50: {  	_ =	swait.ge [sflag:s5], $0x4E2  }
0x51: {  	[sflag:s5] =	ssyncset.done $0x0  }
0x52: {  	[sflag:s5] =	ssyncadd.s32 $0xFFFFFB1E  }
0x53: {  	_ =	sfence.sel $0x180000  }
0x54: {  	[bflag:$0x0] =	sbarrier.arrive $0xFFFF  }
0x55: {  	_ =	strace $0x90000056  }
0x56: {  	s0 =	sadd.s32 @!p0 $0x100000, s0;
	[bflag:$0x2] =	sbarrier.arrive $0xFFFF  }
0x57: {  	[sflag:s0] =	ssyncadd.tile.s32 @!p0 $0x1;
	_ =	shalt  }
.Lfunc_end2:
_tile_overlayer_lowered:
.L_overlay_start_2:
0x58: {  	(tag) =	ssettag $0x2  }
0x59: {  	s0 =	rddreg [dreg:$0x0];
	s2 =	stileid.u32  }
0x5a: {  	s1 =	rddreg [dreg:$0x1];
	p0 =	sne.s32 s2, $0x0  }
0x5b: {  	s3 =	rddreg [dreg:$0x2];
	[bflag:$0x3] =	sbarrier.arrive $0xFFFF;
	s2 =	simm.s32 @!p0 $0x1C01  }
0x5c: {  	[timem:s3], [sflag:s2] =	dma.local @!p0 [hbm:s0], s1  }
0x5d: {  	s0 =	simm.s32 @!p0 $0x1  }
0x5e: {  	_ =	swait.ge @!p0 [sflag:s0], s1  }
0x5f: {  	s1 =	ssub.s32 @!p0 $0x0, s1;
	[sflag:s0] =	ssyncset.done @!p0 $0x0  }
0x60: {  	[sflag:s0] =	ssyncadd.s32 @!p0 s1  }
0x61: {  	[bflag:$0x3] =	sbarrier.arrive $0xFFFF  }
0x62: {  	_ =	shalt  }

</sc_bundles>
